<compile_context>
chip_gen: v7x
topology: tpu7x:2x2x1
jax: 0.10.2.dev20260603
libtpu: 0.0.44.dev20260713+nightly
codegen_flags: <defaults>
</compile_context>

<pallas_src>
import functools

import jax
import jax.numpy as jnp
from jax import lax
from jax.experimental import pallas as pl
from jax.experimental.pallas import tpu as pltpu
from jax.experimental.pallas import tpu_sc as plsc

R = 65536
N = 128
NB = N + 1
OUT = 2 * NB
HIST_PAD = 0.01
EPS = 1e-5

NC = 2
NS = 16
L = 16
NW = NC * NS
RPT = R // NW
CH = 64
NG = CH // L
NCHUNK = RPT // CH
NPAIR = NCHUNK // 2


def _sc_body(w_hbm, eb_hbm, near_hbm, far_hbm, out_hbm,
             w_v0, w_v1, eb_v0, eb_v1, near_v, far_v, wT_v, cumw_v, cdf_v,
             hist_v, out_v0, out_v1, sem_in0, sem_in1, sem_out0, sem_out1):
    cid = lax.axis_index("c")
    sid = lax.axis_index("s")
    wid = sid * NC + cid
    lane = lax.iota(jnp.int32, L)
    ones_i = jnp.ones((L,), jnp.int32)
    zeros_i = jnp.zeros((L,), jnp.int32)
    zeros_f = jnp.zeros((L,), jnp.float32)

    @plsc.parallel_loop(0, NB + 1, unroll=8, carry=lane)
    def _z(i, idx):
        plsc.store_scatter(hist_v, [idx], zeros_i)
        return idx + L

    def do_group(c, g, w_v, eb_v, out_v):
        gl = g * L + lane
        ebbase = gl * NB
        outbase = gl * OUT
        nfidx = c * CH + gl
        near = plsc.load_gather(near_v, [nfidx])
        fnd = plsc.load_gather(far_v, [nfidx]) - near

        @plsc.parallel_loop(0, L, unroll=2,
                            carry=(g * (L * N) + lane, lane * 17))
        def _rp(r, carry):
            src0, dst0 = carry
            for i in range(N // L):
                v = plsc.load_gather(w_v, [src0 + i * L])
                plsc.store_scatter(wT_v, [dst0 + i * (L * 17)], v)
            return (src0 + N, dst0 + 1)

        @plsc.parallel_loop(0, N, unroll=8, carry=(lane, lane, zeros_f))
        def acarry(m, carry):
            widx, cumidx, cum = carry
            cum = cum + (plsc.load_gather(wT_v, [widx]) + HIST_PAD)
            plsc.store_scatter(cumw_v, [cumidx], cum)
            return (widx + 17, cumidx + L, cum)
        _, _, s = acarry
        pad = jnp.maximum(EPS - s, 0.0)
        padstep = pad * (1.0 / N)
        inv = 1.0 / (s + pad)

        plsc.store_scatter(cdf_v, [lane], zeros_f)
        plsc.addupdate_scatter(hist_v, [lane], ones_i)
        eb0v = plsc.load_gather(eb_v, [ebbase])
        plsc.store_scatter(out_v, [outbase], near + eb0v * fnd)

        @plsc.parallel_loop(1, NB, unroll=8,
                            carry=(lane, L + lane, ebbase + 1, outbase + 1,
                                   padstep))
        def _b(m, carry):
            cumidx, cdfidx, ebidx, outidx, mpad = carry
            cw = plsc.load_gather(cumw_v, [cumidx])
            c = jnp.minimum(1.0, (cw + mpad) * inv)
            plsc.store_scatter(cdf_v, [cdfidx], c)
            x = c * jnp.float32(NB) - 0.5
            xi = x.astype(jnp.int32)
            b = xi + jnp.where(xi.astype(jnp.float32) < x, ones_i, zeros_i)
            plsc.addupdate_scatter(hist_v, [b * L + lane], ones_i)
            ebm = plsc.load_gather(eb_v, [ebidx])
            plsc.store_scatter(out_v, [outidx + b], near + ebm * fnd)
            return (cumidx + L, cdfidx + L, ebidx + 1, outidx + 1,
                    mpad + padstep)

        @plsc.parallel_loop(0, NB, unroll=8, carry=(lane, zeros_i))
        def _c(j, carry):
            histidx, ind = carry
            h = plsc.load_gather(hist_v, [histidx])
            plsc.store_scatter(hist_v, [histidx], zeros_i)
            ind = ind + h
            g0 = ind - 1
            g1 = jnp.minimum(ind, N)
            cdf0 = plsc.load_gather(cdf_v, [g0 * L + lane])
            cdf1 = plsc.load_gather(cdf_v, [g1 * L + lane])
            eb0 = plsc.load_gather(eb_v, [ebbase + g0])
            eb1 = plsc.load_gather(eb_v, [ebbase + g1])
            uj = (j.astype(jnp.float32) * 2.0 + 1.0) * jnp.float32(0.5 / NB)
            d = jnp.maximum(cdf1 - cdf0, 1e-30)
            t = jnp.clip((uj - cdf0) / d, 0.0, 1.0)
            bj = eb0 + t * (eb1 - eb0)
            plsc.store_scatter(out_v, [outbase + ind + j], near + bj * fnd)
            return (histidx + L, ind)
        plsc.store_scatter(hist_v, [NB * L + lane], zeros_i)

    tile0 = wid * RPT

    def in_copies(c, w_v, eb_v, sem):
        base = tile0 + c * CH
        return (
            pltpu.make_async_copy(w_hbm.at[pl.ds(base * N, CH * N)], w_v, sem),
            pltpu.make_async_copy(eb_hbm.at[pl.ds(base * NB, CH * NB)], eb_v, sem),
        )

    def out_copy(c, out_v, sem):
        base = tile0 + c * CH
        return pltpu.make_async_copy(
            out_v, out_hbm.at[pl.ds(base * OUT, CH * OUT)], sem)

    def compute(c, w_v, eb_v, out_v):
        def grp(g, _):
            do_group(c, g, w_v, eb_v, out_v)
            return 0
        lax.fori_loop(0, NG, grp, 0)

    pltpu.sync_copy(near_hbm.at[pl.ds(tile0, RPT)], near_v)
    pltpu.sync_copy(far_hbm.at[pl.ds(tile0, RPT)], far_v)

    for cp in in_copies(0, w_v0, eb_v0, sem_in0):
        cp.start()

    def do_pair(p, _):
        c0 = 2 * p
        c1 = c0 + 1
        for cp in in_copies(c1, w_v1, eb_v1, sem_in1):
            cp.start()

        @pl.when(p > 0)
        def _():
            out_copy(c0 - 2, out_v0, sem_out0).wait()
        for cp in in_copies(c0, w_v0, eb_v0, sem_in0):
            cp.wait()
        compute(c0, w_v0, eb_v0, out_v0)
        out_copy(c0, out_v0, sem_out0).start()

        @pl.when(p < NPAIR - 1)
        def _():
            for cp in in_copies(c0 + 2, w_v0, eb_v0, sem_in0):
                cp.start()

        @pl.when(p > 0)
        def _():
            out_copy(c1 - 2, out_v1, sem_out1).wait()
        for cp in in_copies(c1, w_v1, eb_v1, sem_in1):
            cp.wait()
        compute(c1, w_v1, eb_v1, out_v1)
        out_copy(c1, out_v1, sem_out1).start()
        return 0

    lax.fori_loop(0, NPAIR, do_pair, 0)
    out_copy(NCHUNK - 2, out_v0, sem_out0).wait()
    out_copy(NCHUNK - 1, out_v1, sem_out1).wait()


@jax.jit
def _run(w_flat, eb_flat, near_flat, far_flat):
    mesh = plsc.VectorSubcoreMesh(core_axis_name="c", subcore_axis_name="s")
    f = functools.partial(
        pl.kernel,
        out_type=jax.ShapeDtypeStruct((R * OUT,), jnp.float32),
        mesh=mesh,
        scratch_types=[
            pltpu.VMEM((CH * N,), jnp.float32),
            pltpu.VMEM((CH * N,), jnp.float32),
            pltpu.VMEM((CH * NB,), jnp.float32),
            pltpu.VMEM((CH * NB,), jnp.float32),
            pltpu.VMEM((RPT,), jnp.float32),
            pltpu.VMEM((RPT,), jnp.float32),
            pltpu.VMEM((N * 17,), jnp.float32),
            pltpu.VMEM((L * N,), jnp.float32),
            pltpu.VMEM((L * NB,), jnp.float32),
            pltpu.VMEM((L * (NB + 1),), jnp.int32),
            pltpu.VMEM((CH * OUT,), jnp.float32),
            pltpu.VMEM((CH * OUT,), jnp.float32),
            pltpu.SemaphoreType.DMA,
            pltpu.SemaphoreType.DMA,
            pltpu.SemaphoreType.DMA,
            pltpu.SemaphoreType.DMA,
        ],
        compiler_params=pltpu.CompilerParams(needs_layout_passes=False),
    )(_sc_body)
    return f(w_flat, eb_flat, near_flat, far_flat)


def kernel(weights, existing_bins, nears, fars):
    w_flat = weights.reshape(R * N)
    eb_flat = existing_bins.reshape(R * NB)
    near_flat = nears.reshape(R)
    far_flat = fars.reshape(R)
    out = _run(w_flat, eb_flat, near_flat, far_flat)
    return out.reshape(R, OUT)

# --- scband reference (transcript-rebuilt; emitter-appended) ---
"""Pipeline reference for scband-active-neu-sacc-sampler-17222818856988 (READ-ONLY COPY).

The authoritative reference and input builder live on the scoring server;
editing this copy changes nothing except your own understanding.
"""

import jax, jax.numpy as jnp
import numpy as np

NUM_RAYS = 65536
NUM_SAMPLES = 128
HIST_PAD = 0.01
EPS = 1e-5


def setup_inputs(seed: int = 0) -> dict:
    key = jax.random.key(seed)
    k1, k2, k3, k4 = jax.random.split(key, 4)
    weights = jax.random.uniform(k1, (NUM_RAYS, NUM_SAMPLES, 1), dtype=jnp.float32)
    # existing spacing bins must be monotonically increasing in [0, 1]
    eb = jax.random.uniform(k2, (NUM_RAYS, NUM_SAMPLES + 1), dtype=jnp.float32)
    existing_bins = jnp.sort(eb, axis=-1)
    nears = jax.random.uniform(k3, (NUM_RAYS, 1), dtype=jnp.float32) * 0.5 + 0.05
    fars = nears + 2.0 + jax.random.uniform(k4, (NUM_RAYS, 1), dtype=jnp.float32)
    return {"weights": weights, "existing_bins": existing_bins, "nears": nears, "fars": fars}


def reference(weights, existing_bins, nears, fars):
    num_samples = NUM_SAMPLES
    num_bins = num_samples + 1
    # histogram padding + eps renormalization (PDFSampler.generate_ray_samples)
    w = weights[..., 0] + HIST_PAD                      # [R, N]
    w_sum = jnp.sum(w, axis=-1, keepdims=True)          # [R, 1]
    padding = jax.nn.relu(EPS - w_sum)
    w = w + padding / w.shape[-1]
    w_sum = w_sum + padding
    pdf = w / w_sum                                      # [R, N]
    cdf = jnp.minimum(jnp.ones_like(pdf), jnp.cumsum(pdf, axis=-1))
    cdf = jnp.concatenate([jnp.zeros_like(cdf[..., :1]), cdf], axis=-1)  # [R, N+1]
    # eval mode: deterministic mid-bin u
    u = jnp.linspace(0.0, 1.0 - 1.0 / num_bins, num_bins, dtype=cdf.dtype)
    u = u + 1.0 / (2 * num_bins)
    u = jnp.broadcast_to(u, (cdf.shape[0], num_bins))    # [R, N+1]
    # inverse-CDF sampling via searchsorted + gathers
    inds = jax.vmap(lambda c, uu: jnp.searchsorted(c, uu, side='right'))(cdf, u)
    below = jnp.clip(inds - 1, 0, existing_bins.shape[-1] - 1)
    above = jnp.clip(inds, 0, existing_bins.shape[-1] - 1)
    cdf_g0 = jnp.take_along_axis(cdf, below, axis=-1)
    bins_g0 = jnp.take_along_axis(existing_bins, below, axis=-1)
    cdf_g1 = jnp.take_along_axis(cdf, above, axis=-1)
    bins_g1 = jnp.take_along_axis(existing_bins, above, axis=-1)
    t = jnp.clip(jnp.nan_to_num((u - cdf_g0) / (cdf_g1 - cdf_g0), nan=0.0), 0.0, 1.0)
    bins = bins_g0 + t * (bins_g1 - bins_g0)             # [R, N+1]
    # include_original: merge with existing bins and sort
    bins = jnp.sort(jnp.concatenate([existing_bins, bins], axis=-1), axis=-1)  # [R, 2N+2]
    bins = jax.lax.stop_gradient(bins)                   # torch: bins.detach()
    # spacing_to_euclidean_fn for uniform spacing: lerp(near, far)
    euclidean_bins = bins * fars + (1.0 - bins) * nears  # [R, 2N+2]
    return euclidean_bins

if __name__ == "__main__":
    import jax
    _d = setup_inputs()
    print(jax.jit(kernel)(*tuple(_d.values())))

</pallas_src>

<mosaic_0001>
#map = affine_map<(d0, d1) -> (0)>
module attributes {stable_mosaic.version = 14 : i64} {
  func.func @_sc_body(%arg0: i32, %arg1: i32, %arg2: memref<8388608xf32, #tpu.memory_space<hbm>>, %arg3: memref<8454144xf32, #tpu.memory_space<hbm>>, %arg4: memref<65536xf32, #tpu.memory_space<hbm>>, %arg5: memref<65536xf32, #tpu.memory_space<hbm>>, %arg6: memref<16908288xf32, #tpu.memory_space<hbm>>, %arg7: memref<8192xf32, #tpu.memory_space<vmem>>, %arg8: memref<8192xf32, #tpu.memory_space<vmem>>, %arg9: memref<8256xf32, #tpu.memory_space<vmem>>, %arg10: memref<8256xf32, #tpu.memory_space<vmem>>, %arg11: memref<2048xf32, #tpu.memory_space<vmem>>, %arg12: memref<2048xf32, #tpu.memory_space<vmem>>, %arg13: memref<2176xf32, #tpu.memory_space<vmem>>, %arg14: memref<2048xf32, #tpu.memory_space<vmem>>, %arg15: memref<2064xf32, #tpu.memory_space<vmem>>, %arg16: memref<2080xi32, #tpu.memory_space<vmem>>, %arg17: memref<16512xf32, #tpu.memory_space<vmem>>, %arg18: memref<16512xf32, #tpu.memory_space<vmem>>, %arg19: memref<!tpu.dma_semaphore, #tpu.memory_space<semaphore_mem>>, %arg20: memref<!tpu.dma_semaphore, #tpu.memory_space<semaphore_mem>>, %arg21: memref<!tpu.dma_semaphore, #tpu.memory_space<semaphore_mem>>, %arg22: memref<!tpu.dma_semaphore, #tpu.memory_space<semaphore_mem>>) attributes {dimension_semantics = [#tpu.dimension_semantics<core_parallel>, #tpu.dimension_semantics<subcore_parallel>], iteration_bounds = array<i64: 2, 16>, scalar_prefetch = 0 : i64, scratch_operands = 16 : i64, tpu.core_type = #tpu.core_type<sc_vector_subcore>, window_params = [{transform_indices = #map}, {transform_indices = #map}, {transform_indices = #map}, {transform_indices = #map}, {transform_indices = #map}]} {
    %mul3A = arith.constant 2 : i32
    %mul3A_0 = arith.muli %arg1, %mul3A : i32
    %add3A = arith.addi %mul3A_0, %arg0 : i32
    %iota3A = tpu.iota {dimensions = array<i32: 0>} : vector<16xi32>
    %broadcast_in_dim3A = arith.constant 1 : i32
    %broadcast_in_dim3A_1 = vector.broadcast %broadcast_in_dim3A : i32 to vector<16xi32>
    %broadcast_in_dim3A_2 = arith.constant 0 : i32
    %broadcast_in_dim3A_3 = vector.broadcast %broadcast_in_dim3A_2 : i32 to vector<16xi32>
    %broadcast_in_dim3A_4 = arith.constant 0.000000e+00 : f32
    %broadcast_in_dim3A_5 = vector.broadcast %broadcast_in_dim3A_4 : f32 to vector<16xf32>
    %parallel_loop3A = arith.constant 0 : i32
    %parallel_loop3A_6 = arith.constant 130 : i32
    %parallel_loop3A_7 = arith.constant 1 : i32
    %parallel_loop3A_8 = scf.for %parallel_loop3A_37 = %parallel_loop3A to %parallel_loop3A_6 step %parallel_loop3A_7 iter_args(%parallel_loop3A_38 = %iota3A) -> (vector<16xi32>)  : i32 {
      tpu.vector_store_idx %arg16[%parallel_loop3A_38], %broadcast_in_dim3A_3 : memref<2080xi32, #tpu.memory_space<vmem>>[vector<16xi32>], vector<16xi32>,
      %parallel_loop3A_39 = arith.constant 16 : i32
      %parallel_loop3A_40 = vector.broadcast %parallel_loop3A_39 : i32 to vector<16xi32>
      %parallel_loop3A_41 = arith.addi %parallel_loop3A_38, %parallel_loop3A_40 : vector<16xi32>
      scf.yield %parallel_loop3A_41 : vector<16xi32>
    } {sc.loop_unroll_factor = 8 : i64, sc.parallel_access}
    %mul3A_9 = arith.constant 2048 : i32
    %mul3A_10 = arith.muli %add3A, %mul3A_9 : i32
    "tpu.region"() ({
      %run_scoped3A = tpu.sem_alloc : memref<!tpu.dma_semaphore, #tpu.memory_space<semaphore_mem>>
      %dma_start3A_37 = tpu.memref_slice %arg4[%mul3A_10] : memref<65536xf32, #tpu.memory_space<hbm>> -> memref<2048xf32, #tpu.memory_space<hbm>>
      %dma_start3A_38 = tpu.memref_slice %arg4[%mul3A_10] : memref<65536xf32, #tpu.memory_space<hbm>> -> memref<2048xf32, #tpu.memory_space<hbm>>
      tpu.enqueue_dma source(%dma_start3A_38 : memref<2048xf32, #tpu.memory_space<hbm>>) target(%arg11 : memref<2048xf32, #tpu.memory_space<vmem>>) target_semaphore(%run_scoped3A : memref<!tpu.dma_semaphore, #tpu.memory_space<semaphore_mem>>)
      %dma_wait3A_39 = tpu.memref_slice %arg4[%mul3A_10] : memref<65536xf32, #tpu.memory_space<hbm>> -> memref<2048xf32, #tpu.memory_space<hbm>>
      %dma_wait3A_40 = tpu.memref_slice %arg4[%mul3A_10] : memref<65536xf32, #tpu.memory_space<hbm>> -> memref<2048xf32, #tpu.memory_space<hbm>>
      tpu.wait_dma2 semaphore(%run_scoped3A : memref<!tpu.dma_semaphore, #tpu.memory_space<semaphore_mem>>) src(%dma_wait3A_40 : memref<2048xf32, #tpu.memory_space<hbm>>) dst(%arg11 : memref<2048xf32, #tpu.memory_space<vmem>>)
      tpu.yield
    }) : () -> ()
    "tpu.region"() ({
      %run_scoped3A = tpu.sem_alloc : memref<!tpu.dma_semaphore, #tpu.memory_space<semaphore_mem>>
      %dma_start3A_37 = tpu.memref_slice %arg5[%mul3A_10] : memref<65536xf32, #tpu.memory_space<hbm>> -> memref<2048xf32, #tpu.memory_space<hbm>>
      %dma_start3A_38 = tpu.memref_slice %arg5[%mul3A_10] : memref<65536xf32, #tpu.memory_space<hbm>> -> memref<2048xf32, #tpu.memory_space<hbm>>
      tpu.enqueue_dma source(%dma_start3A_38 : memref<2048xf32, #tpu.memory_space<hbm>>) target(%arg12 : memref<2048xf32, #tpu.memory_space<vmem>>) target_semaphore(%run_scoped3A : memref<!tpu.dma_semaphore, #tpu.memory_space<semaphore_mem>>)
      %dma_wait3A_39 = tpu.memref_slice %arg5[%mul3A_10] : memref<65536xf32, #tpu.memory_space<hbm>> -> memref<2048xf32, #tpu.memory_space<hbm>>
      %dma_wait3A_40 = tpu.memref_slice %arg5[%mul3A_10] : memref<65536xf32, #tpu.memory_space<hbm>> -> memref<2048xf32, #tpu.memory_space<hbm>>
      tpu.wait_dma2 semaphore(%run_scoped3A : memref<!tpu.dma_semaphore, #tpu.memory_space<semaphore_mem>>) src(%dma_wait3A_40 : memref<2048xf32, #tpu.memory_space<hbm>>) dst(%arg12 : memref<2048xf32, #tpu.memory_space<vmem>>)
      tpu.yield
    }) : () -> ()
    %add3A_11 = arith.constant 0 : i32
    %add3A_12 = arith.addi %mul3A_10, %add3A_11 : i32
    %mul3A_13 = arith.constant 128 : i32
    %mul3A_14 = arith.muli %add3A_12, %mul3A_13 : i32
    %mul3A_15 = arith.constant 129 : i32
    %mul3A_16 = arith.muli %add3A_12, %mul3A_15 : i32
    %dma_start3A = tpu.memref_slice %arg2[%mul3A_14] : memref<8388608xf32, #tpu.memory_space<hbm>> -> memref<8192xf32, #tpu.memory_space<hbm>>
    %dma_start3A_17 = tpu.memref_slice %arg2[%mul3A_14] : memref<8388608xf32, #tpu.memory_space<hbm>> -> memref<8192xf32, #tpu.memory_space<hbm>>
    tpu.enqueue_dma source(%dma_start3A_17 : memref<8192xf32, #tpu.memory_space<hbm>>) target(%arg7 : memref<8192xf32, #tpu.memory_space<vmem>>) target_semaphore(%arg19 : memref<!tpu.dma_semaphore, #tpu.memory_space<semaphore_mem>>)
    %dma_start3A_18 = tpu.memref_slice %arg3[%mul3A_16] : memref<8454144xf32, #tpu.memory_space<hbm>> -> memref<8256xf32, #tpu.memory_space<hbm>>
    %dma_start3A_19 = tpu.memref_slice %arg3[%mul3A_16] : memref<8454144xf32, #tpu.memory_space<hbm>> -> memref<8256xf32, #tpu.memory_space<hbm>>
    tpu.enqueue_dma source(%dma_start3A_19 : memref<8256xf32, #tpu.memory_space<hbm>>) target(%arg9 : memref<8256xf32, #tpu.memory_space<vmem>>) target_semaphore(%arg19 : memref<!tpu.dma_semaphore, #tpu.memory_space<semaphore_mem>>)
    %scan3A = arith.constant 0 : i32
    %scan3A_20 = arith.constant 0 : i32
    %scan3A_21 = arith.constant 16 : i32
    %scan3A_22 = arith.addi %scan3A_20, %scan3A_21 : i32
    %scan3A_23 = arith.constant 1 : i32
    %scan3A_24 = scf.for %scan3A_37 = %scan3A_20 to %scan3A_22 step %scan3A_23 iter_args(%scan3A_38 = %scan3A) -> (i32)  : i32 {
      %mul3A_39 = arith.constant 2 : i32
      %mul3A_40 = arith.muli %mul3A_39, %scan3A_37 : i32
      %add3A_41 = arith.constant 1 : i32
      %add3A_42 = arith.addi %mul3A_40, %add3A_41 : i32
      %mul3A_43 = arith.constant 64 : i32
      %mul3A_44 = arith.muli %add3A_42, %mul3A_43 : i32
      %add3A_45 = arith.addi %mul3A_10, %mul3A_44 : i32
      %mul3A_46 = arith.constant 128 : i32
      %mul3A_47 = arith.muli %add3A_45, %mul3A_46 : i32
      %mul3A_48 = arith.constant 129 : i32
      %mul3A_49 = arith.muli %add3A_45, %mul3A_48 : i32
      %dma_start3A_50 = tpu.memref_slice %arg2[%mul3A_47] : memref<8388608xf32, #tpu.memory_space<hbm>> -> memref<8192xf32, #tpu.memory_space<hbm>>
      %dma_start3A_51 = tpu.memref_slice %arg2[%mul3A_47] : memref<8388608xf32, #tpu.memory_space<hbm>> -> memref<8192xf32, #tpu.memory_space<hbm>>
      tpu.enqueue_dma source(%dma_start3A_51 : memref<8192xf32, #tpu.memory_space<hbm>>) target(%arg8 : memref<8192xf32, #tpu.memory_space<vmem>>) target_semaphore(%arg20 : memref<!tpu.dma_semaphore, #tpu.memory_space<semaphore_mem>>)
      %dma_start3A_52 = tpu.memref_slice %arg3[%mul3A_49] : memref<8454144xf32, #tpu.memory_space<hbm>> -> memref<8256xf32, #tpu.memory_space<hbm>>
      %dma_start3A_53 = tpu.memref_slice %arg3[%mul3A_49] : memref<8454144xf32, #tpu.memory_space<hbm>> -> memref<8256xf32, #tpu.memory_space<hbm>>
      tpu.enqueue_dma source(%dma_start3A_53 : memref<8256xf32, #tpu.memory_space<hbm>>) target(%arg10 : memref<8256xf32, #tpu.memory_space<vmem>>) target_semaphore(%arg20 : memref<!tpu.dma_semaphore, #tpu.memory_space<semaphore_mem>>)
      %gt3A = arith.constant 0 : i32
      %gt3A_54 = arith.cmpi sgt, %scan3A_37, %gt3A : i32
      %convert_element_type3A = arith.extui %gt3A_54 : i1 to i32
      %cond3A = arith.constant 0 : i32
      %cond3A_55 = arith.cmpi ne, %convert_element_type3A, %cond3A : i32
      scf.if %cond3A_55 {
        %sub3A = arith.constant 2 : i32
        %sub3A_116 = arith.subi %mul3A_40, %sub3A : i32
        %mul3A_117 = arith.constant 64 : i32
        %mul3A_118 = arith.muli %sub3A_116, %mul3A_117 : i32
        %add3A_119 = arith.addi %mul3A_10, %mul3A_118 : i32
        %mul3A_120 = arith.constant 258 : i32
        %mul3A_121 = arith.muli %add3A_119, %mul3A_120 : i32
        %dma_wait3A_122 = tpu.memref_slice %arg6[%mul3A_121] : memref<16908288xf32, #tpu.memory_space<hbm>> -> memref<16512xf32, #tpu.memory_space<hbm>>
        %dma_wait3A_123 = tpu.memref_slice %arg6[%mul3A_121] : memref<16908288xf32, #tpu.memory_space<hbm>> -> memref<16512xf32, #tpu.memory_space<hbm>>
        tpu.wait_dma2 semaphore(%arg21 : memref<!tpu.dma_semaphore, #tpu.memory_space<semaphore_mem>>) src(%arg17 : memref<16512xf32, #tpu.memory_space<vmem>>) dst(%dma_wait3A_123 : memref<16512xf32, #tpu.memory_space<hbm>>)
      } else {
      }
      %mul3A_56 = arith.constant 64 : i32
      %mul3A_57 = arith.muli %mul3A_40, %mul3A_56 : i32
      %add3A_58 = arith.addi %mul3A_10, %mul3A_57 : i32
      %mul3A_59 = arith.constant 128 : i32
      %mul3A_60 = arith.muli %add3A_58, %mul3A_59 : i32
      %mul3A_61 = arith.constant 129 : i32
      %mul3A_62 = arith.muli %add3A_58, %mul3A_61 : i32
      %dma_wait3A_63 = tpu.memref_slice %arg2[%mul3A_60] : memref<8388608xf32, #tpu.memory_space<hbm>> -> memref<8192xf32, #tpu.memory_space<hbm>>
      %dma_wait3A_64 = tpu.memref_slice %arg2[%mul3A_60] : memref<8388608xf32, #tpu.memory_space<hbm>> -> memref<8192xf32, #tpu.memory_space<hbm>>
      tpu.wait_dma2 semaphore(%arg19 : memref<!tpu.dma_semaphore, #tpu.memory_space<semaphore_mem>>) src(%dma_wait3A_64 : memref<8192xf32, #tpu.memory_space<hbm>>) dst(%arg7 : memref<8192xf32, #tpu.memory_space<vmem>>)
      %dma_wait3A_65 = tpu.memref_slice %arg3[%mul3A_62] : memref<8454144xf32, #tpu.memory_space<hbm>> -> memref<8256xf32, #tpu.memory_space<hbm>>
      %dma_wait3A_66 = tpu.memref_slice %arg3[%mul3A_62] : memref<8454144xf32, #tpu.memory_space<hbm>> -> memref<8256xf32, #tpu.memory_space<hbm>>
      tpu.wait_dma2 semaphore(%arg19 : memref<!tpu.dma_semaphore, #tpu.memory_space<semaphore_mem>>) src(%dma_wait3A_66 : memref<8256xf32, #tpu.memory_space<hbm>>) dst(%arg9 : memref<8256xf32, #tpu.memory_space<vmem>>)
      %scan3A_67 = arith.constant 0 : i32
      %scan3A_68 = arith.constant 0 : i32
      %scan3A_69 = arith.constant 4 : i32
      %scan3A_70 = arith.addi %scan3A_68, %scan3A_69 : i32
      %scan3A_71 = arith.constant 1 : i32
      %scan3A_72 = scf.for %scan3A_116 = %scan3A_68 to %scan3A_70 step %scan3A_71 iter_args(%scan3A_117 = %scan3A_67) -> (i32)  : i32 {
        %mul3A_118 = arith.constant 16 : i32
        %mul3A_119 = arith.muli %scan3A_116, %mul3A_118 : i32
        %add3A_120 = vector.broadcast %mul3A_119 : i32 to vector<16xi32>
        %add3A_121 = arith.addi %add3A_120, %iota3A : vector<16xi32>
        %mul3A_122 = arith.constant 129 : i32
        %mul3A_123 = vector.broadcast %mul3A_122 : i32 to vector<16xi32>
        %mul3A_124 = arith.muli %add3A_121, %mul3A_123 : vector<16xi32>
        %mul3A_125 = arith.constant 258 : i32
        %mul3A_126 = vector.broadcast %mul3A_125 : i32 to vector<16xi32>
        %mul3A_127 = arith.muli %add3A_121, %mul3A_126 : vector<16xi32>
        %mul3A_128 = arith.constant 64 : i32
        %mul3A_129 = arith.muli %mul3A_40, %mul3A_128 : i32
        %add3A_130 = vector.broadcast %mul3A_129 : i32 to vector<16xi32>
        %add3A_131 = arith.addi %add3A_130, %add3A_121 : vector<16xi32>
        %gather3A = tpu.vector_load_idx %arg11[%add3A_131] : memref<2048xf32, #tpu.memory_space<vmem>>[vector<16xi32>], vector<16xf32>,
        %gather3A_132 = tpu.vector_load_idx %arg12[%add3A_131] : memref<2048xf32, #tpu.memory_space<vmem>>[vector<16xi32>], vector<16xf32>,
        %sub3A = arith.subf %gather3A_132, %gather3A : vector<16xf32>
        %mul3A_133 = arith.constant 2048 : i32
        %mul3A_134 = arith.muli %scan3A_116, %mul3A_133 : i32
        %add3A_135 = vector.broadcast %mul3A_134 : i32 to vector<16xi32>
        %add3A_136 = arith.addi %add3A_135, %iota3A : vector<16xi32>
        %mul3A_137 = arith.constant 17 : i32
        %mul3A_138 = vector.broadcast %mul3A_137 : i32 to vector<16xi32>
        %mul3A_139 = arith.muli %iota3A, %mul3A_138 : vector<16xi32>
        %parallel_loop3A_140 = arith.constant 0 : i32
        %parallel_loop3A_141 = arith.constant 16 : i32
        %parallel_loop3A_142 = arith.constant 1 : i32
        %parallel_loop3A_143:2 = scf.for %parallel_loop3A_183 = %parallel_loop3A_140 to %parallel_loop3A_141 step %parallel_loop3A_142 iter_args(%parallel_loop3A_184 = %add3A_136, %parallel_loop3A_185 = %mul3A_139) -> (vector<16xi32>, vector<16xi32>)  : i32 {
          %parallel_loop3A_186 = arith.constant 0 : i32
          %parallel_loop3A_187 = vector.broadcast %parallel_loop3A_186 : i32 to vector<16xi32>
          %parallel_loop3A_188 = arith.addi %parallel_loop3A_184, %parallel_loop3A_187 : vector<16xi32>
          %parallel_loop3A_189 = tpu.vector_load_idx %arg7[%parallel_loop3A_188] : memref<8192xf32, #tpu.memory_space<vmem>>[vector<16xi32>], vector<16xf32>,
          %parallel_loop3A_190 = arith.constant 0 : i32
          %parallel_loop3A_191 = vector.broadcast %parallel_loop3A_190 : i32 to vector<16xi32>
          %parallel_loop3A_192 = arith.addi %parallel_loop3A_185, %parallel_loop3A_191 : vector<16xi32>
          tpu.vector_store_idx %arg13[%parallel_loop3A_192], %parallel_loop3A_189 : memref<2176xf32, #tpu.memory_space<vmem>>[vector<16xi32>], vector<16xf32>,
          %parallel_loop3A_193 = arith.constant 16 : i32
          %parallel_loop3A_194 = vector.broadcast %parallel_loop3A_193 : i32 to vector<16xi32>
          %parallel_loop3A_195 = arith.addi %parallel_loop3A_184, %parallel_loop3A_194 : vector<16xi32>
          %parallel_loop3A_196 = tpu.vector_load_idx %arg7[%parallel_loop3A_195] : memref<8192xf32, #tpu.memory_space<vmem>>[vector<16xi32>], vector<16xf32>,
          %parallel_loop3A_197 = arith.constant 272 : i32
          %parallel_loop3A_198 = vector.broadcast %parallel_loop3A_197 : i32 to vector<16xi32>
          %parallel_loop3A_199 = arith.addi %parallel_loop3A_185, %parallel_loop3A_198 : vector<16xi32>
          tpu.vector_store_idx %arg13[%parallel_loop3A_199], %parallel_loop3A_196 : memref<2176xf32, #tpu.memory_space<vmem>>[vector<16xi32>], vector<16xf32>,
          %parallel_loop3A_200 = arith.constant 32 : i32
          %parallel_loop3A_201 = vector.broadcast %parallel_loop3A_200 : i32 to vector<16xi32>
          %parallel_loop3A_202 = arith.addi %parallel_loop3A_184, %parallel_loop3A_201 : vector<16xi32>
          %parallel_loop3A_203 = tpu.vector_load_idx %arg7[%parallel_loop3A_202] : memref<8192xf32, #tpu.memory_space<vmem>>[vector<16xi32>], vector<16xf32>,
          %parallel_loop3A_204 = arith.constant 544 : i32
          %parallel_loop3A_205 = vector.broadcast %parallel_loop3A_204 : i32 to vector<16xi32>
          %parallel_loop3A_206 = arith.addi %parallel_loop3A_185, %parallel_loop3A_205 : vector<16xi32>
          tpu.vector_store_idx %arg13[%parallel_loop3A_206], %parallel_loop3A_203 : memref<2176xf32, #tpu.memory_space<vmem>>[vector<16xi32>], vector<16xf32>,
          %parallel_loop3A_207 = arith.constant 48 : i32
          %parallel_loop3A_208 = vector.broadcast %parallel_loop3A_207 : i32 to vector<16xi32>
          %parallel_loop3A_209 = arith.addi %parallel_loop3A_184, %parallel_loop3A_208 : vector<16xi32>
          %parallel_loop3A_210 = tpu.vector_load_idx %arg7[%parallel_loop3A_209] : memref<8192xf32, #tpu.memory_space<vmem>>[vector<16xi32>], vector<16xf32>,
          %parallel_loop3A_211 = arith.constant 816 : i32
          %parallel_loop3A_212 = vector.broadcast %parallel_loop3A_211 : i32 to vector<16xi32>
          %parallel_loop3A_213 = arith.addi %parallel_loop3A_185, %parallel_loop3A_212 : vector<16xi32>
          tpu.vector_store_idx %arg13[%parallel_loop3A_213], %parallel_loop3A_210 : memref<2176xf32, #tpu.memory_space<vmem>>[vector<16xi32>], vector<16xf32>,
          %parallel_loop3A_214 = arith.constant 64 : i32
          %parallel_loop3A_215 = vector.broadcast %parallel_loop3A_214 : i32 to vector<16xi32>
          %parallel_loop3A_216 = arith.addi %parallel_loop3A_184, %parallel_loop3A_215 : vector<16xi32>
          %parallel_loop3A_217 = tpu.vector_load_idx %arg7[%parallel_loop3A_216] : memref<8192xf32, #tpu.memory_space<vmem>>[vector<16xi32>], vector<16xf32>,
          %parallel_loop3A_218 = arith.constant 1088 : i32
          %parallel_loop3A_219 = vector.broadcast %parallel_loop3A_218 : i32 to vector<16xi32>
          %parallel_loop3A_220 = arith.addi %parallel_loop3A_185, %parallel_loop3A_219 : vector<16xi32>
          tpu.vector_store_idx %arg13[%parallel_loop3A_220], %parallel_loop3A_217 : memref<2176xf32, #tpu.memory_space<vmem>>[vector<16xi32>], vector<16xf32>,
          %parallel_loop3A_221 = arith.constant 80 : i32
          %parallel_loop3A_222 = vector.broadcast %parallel_loop3A_221 : i32 to vector<16xi32>
          %parallel_loop3A_223 = arith.addi %parallel_loop3A_184, %parallel_loop3A_222 : vector<16xi32>
          %parallel_loop3A_224 = tpu.vector_load_idx %arg7[%parallel_loop3A_223] : memref<8192xf32, #tpu.memory_space<vmem>>[vector<16xi32>], vector<16xf32>,
          %parallel_loop3A_225 = arith.constant 1360 : i32
          %parallel_loop3A_226 = vector.broadcast %parallel_loop3A_225 : i32 to vector<16xi32>
          %parallel_loop3A_227 = arith.addi %parallel_loop3A_185, %parallel_loop3A_226 : vector<16xi32>
          tpu.vector_store_idx %arg13[%parallel_loop3A_227], %parallel_loop3A_224 : memref<2176xf32, #tpu.memory_space<vmem>>[vector<16xi32>], vector<16xf32>,
          %parallel_loop3A_228 = arith.constant 96 : i32
          %parallel_loop3A_229 = vector.broadcast %parallel_loop3A_228 : i32 to vector<16xi32>
          %parallel_loop3A_230 = arith.addi %parallel_loop3A_184, %parallel_loop3A_229 : vector<16xi32>
          %parallel_loop3A_231 = tpu.vector_load_idx %arg7[%parallel_loop3A_230] : memref<8192xf32, #tpu.memory_space<vmem>>[vector<16xi32>], vector<16xf32>,
          %parallel_loop3A_232 = arith.constant 1632 : i32
          %parallel_loop3A_233 = vector.broadcast %parallel_loop3A_232 : i32 to vector<16xi32>
          %parallel_loop3A_234 = arith.addi %parallel_loop3A_185, %parallel_loop3A_233 : vector<16xi32>
          tpu.vector_store_idx %arg13[%parallel_loop3A_234], %parallel_loop3A_231 : memref<2176xf32, #tpu.memory_space<vmem>>[vector<16xi32>], vector<16xf32>,
          %parallel_loop3A_235 = arith.constant 112 : i32
          %parallel_loop3A_236 = vector.broadcast %parallel_loop3A_235 : i32 to vector<16xi32>
          %parallel_loop3A_237 = arith.addi %parallel_loop3A_184, %parallel_loop3A_236 : vector<16xi32>
          %parallel_loop3A_238 = tpu.vector_load_idx %arg7[%parallel_loop3A_237] : memref<8192xf32, #tpu.memory_space<vmem>>[vector<16xi32>], vector<16xf32>,
          %parallel_loop3A_239 = arith.constant 1904 : i32
          %parallel_loop3A_240 = vector.broadcast %parallel_loop3A_239 : i32 to vector<16xi32>
          %parallel_loop3A_241 = arith.addi %parallel_loop3A_185, %parallel_loop3A_240 : vector<16xi32>
          tpu.vector_store_idx %arg13[%parallel_loop3A_241], %parallel_loop3A_238 : memref<2176xf32, #tpu.memory_space<vmem>>[vector<16xi32>], vector<16xf32>,
          %parallel_loop3A_242 = arith.constant 128 : i32
          %parallel_loop3A_243 = vector.broadcast %parallel_loop3A_242 : i32 to vector<16xi32>
          %parallel_loop3A_244 = arith.addi %parallel_loop3A_184, %parallel_loop3A_243 : vector<16xi32>
          %parallel_loop3A_245 = arith.constant 1 : i32
          %parallel_loop3A_246 = vector.broadcast %parallel_loop3A_245 : i32 to vector<16xi32>
          %parallel_loop3A_247 = arith.addi %parallel_loop3A_185, %parallel_loop3A_246 : vector<16xi32>
          scf.yield %parallel_loop3A_244, %parallel_loop3A_247 : vector<16xi32>, vector<16xi32>
        } {sc.loop_unroll_factor = 2 : i64, sc.parallel_access}
        %parallel_loop3A_144 = arith.constant 0 : i32
        %parallel_loop3A_145 = arith.constant 128 : i32
        %parallel_loop3A_146 = arith.constant 1 : i32
        %parallel_loop3A_147:3 = scf.for %parallel_loop3A_183 = %parallel_loop3A_144 to %parallel_loop3A_145 step %parallel_loop3A_146 iter_args(%parallel_loop3A_184 = %iota3A, %parallel_loop3A_185 = %iota3A, %parallel_loop3A_186 = %broadcast_in_dim3A_5) -> (vector<16xi32>, vector<16xi32>, vector<16xf32>)  : i32 {
          %parallel_loop3A_187 = tpu.vector_load_idx %arg13[%parallel_loop3A_184] : memref<2176xf32, #tpu.memory_space<vmem>>[vector<16xi32>], vector<16xf32>,
          %parallel_loop3A_188 = arith.constant 0.00999999977 : f32
          %parallel_loop3A_189 = vector.broadcast %parallel_loop3A_188 : f32 to vector<16xf32>
          %parallel_loop3A_190 = arith.addf %parallel_loop3A_187, %parallel_loop3A_189 : vector<16xf32>
          %parallel_loop3A_191 = arith.addf %parallel_loop3A_186, %parallel_loop3A_190 : vector<16xf32>
          tpu.vector_store_idx %arg14[%parallel_loop3A_185], %parallel_loop3A_191 : memref<2048xf32, #tpu.memory_space<vmem>>[vector<16xi32>], vector<16xf32>,
          %parallel_loop3A_192 = arith.constant 17 : i32
          %parallel_loop3A_193 = vector.broadcast %parallel_loop3A_192 : i32 to vector<16xi32>
          %parallel_loop3A_194 = arith.addi %parallel_loop3A_184, %parallel_loop3A_193 : vector<16xi32>
          %parallel_loop3A_195 = arith.constant 16 : i32
          %parallel_loop3A_196 = vector.broadcast %parallel_loop3A_195 : i32 to vector<16xi32>
          %parallel_loop3A_197 = arith.addi %parallel_loop3A_185, %parallel_loop3A_196 : vector<16xi32>
          scf.yield %parallel_loop3A_194, %parallel_loop3A_197, %parallel_loop3A_191 : vector<16xi32>, vector<16xi32>, vector<16xf32>
        } {sc.loop_unroll_factor = 8 : i64, sc.parallel_access}
        %sub3A_148 = arith.constant 9.99999974E-6 : f32
        %sub3A_149 = vector.broadcast %sub3A_148 : f32 to vector<16xf32>
        %sub3A_150 = arith.subf %sub3A_149, %parallel_loop3A_147#2 : vector<16xf32>
        %max3A = arith.constant 0.000000e+00 : f32
        %max3A_151 = vector.broadcast %max3A : f32 to vector<16xf32>
        %max3A_152 = arith.maximumf %sub3A_150, %max3A_151 : vector<16xf32>
        %mul3A_153 = arith.constant 7.812500e-03 : f32
        %mul3A_154 = vector.broadcast %mul3A_153 : f32 to vector<16xf32>
        %mul3A_155 = arith.mulf %max3A_152, %mul3A_154 : vector<16xf32>
        %add3A_156 = arith.addf %parallel_loop3A_147#2, %max3A_152 : vector<16xf32>
        %div3A = arith.constant 1.000000e+00 : f32
        %div3A_157 = vector.broadcast %div3A : f32 to vector<16xf32>
        %div3A_158 = arith.divf %div3A_157, %add3A_156 : vector<16xf32>
        tpu.vector_store_idx %arg15[%iota3A], %broadcast_in_dim3A_5 : memref<2064xf32, #tpu.memory_space<vmem>>[vector<16xi32>], vector<16xf32>,
        tpu.vector_store_idx %arg16[%iota3A], %broadcast_in_dim3A_1 {add = true} : memref<2080xi32, #tpu.memory_space<vmem>>[vector<16xi32>], vector<16xi32>,
        %gather3A_159 = tpu.vector_load_idx %arg9[%mul3A_124] : memref<8256xf32, #tpu.memory_space<vmem>>[vector<16xi32>], vector<16xf32>,
        %mul3A_160 = arith.mulf %gather3A_159, %sub3A : vector<16xf32>
        %add3A_161 = arith.addf %gather3A, %mul3A_160 : vector<16xf32>
        tpu.vector_store_idx %arg17[%mul3A_127], %add3A_161 : memref<16512xf32, #tpu.memory_space<vmem>>[vector<16xi32>], vector<16xf32>,
        %add3A_162 = arith.constant 16 : i32
        %add3A_163 = vector.broadcast %add3A_162 : i32 to vector<16xi32>
        %add3A_164 = arith.addi %add3A_163, %iota3A : vector<16xi32>
        %add3A_165 = arith.constant 1 : i32
        %add3A_166 = vector.broadcast %add3A_165 : i32 to vector<16xi32>
        %add3A_167 = arith.addi %mul3A_124, %add3A_166 : vector<16xi32>
        %add3A_168 = arith.constant 1 : i32
        %add3A_169 = vector.broadcast %add3A_168 : i32 to vector<16xi32>
        %add3A_170 = arith.addi %mul3A_127, %add3A_169 : vector<16xi32>
        %parallel_loop3A_171 = arith.constant 1 : i32
        %parallel_loop3A_172 = arith.constant 129 : i32
        %parallel_loop3A_173 = arith.constant 1 : i32
        %parallel_loop3A_174:5 = scf.for %parallel_loop3A_183 = %parallel_loop3A_171 to %parallel_loop3A_172 step %parallel_loop3A_173 iter_args(%parallel_loop3A_184 = %iota3A, %parallel_loop3A_185 = %add3A_164, %parallel_loop3A_186 = %add3A_167, %parallel_loop3A_187 = %add3A_170, %parallel_loop3A_188 = %mul3A_155) -> (vector<16xi32>, vector<16xi32>, vector<16xi32>, vector<16xi32>, vector<16xf32>)  : i32 {
          %parallel_loop3A_189 = tpu.vector_load_idx %arg14[%parallel_loop3A_184] : memref<2048xf32, #tpu.memory_space<vmem>>[vector<16xi32>], vector<16xf32>,
          %parallel_loop3A_190 = arith.addf %parallel_loop3A_189, %parallel_loop3A_188 : vector<16xf32>
          %parallel_loop3A_191 = arith.mulf %parallel_loop3A_190, %div3A_158 : vector<16xf32>
          %parallel_loop3A_192 = arith.constant 1.000000e+00 : f32
          %parallel_loop3A_193 = vector.broadcast %parallel_loop3A_192 : f32 to vector<16xf32>
          %parallel_loop3A_194 = arith.minimumf %parallel_loop3A_193, %parallel_loop3A_191 : vector<16xf32>
          tpu.vector_store_idx %arg15[%parallel_loop3A_185], %parallel_loop3A_194 : memref<2064xf32, #tpu.memory_space<vmem>>[vector<16xi32>], vector<16xf32>,
          %parallel_loop3A_195 = arith.constant 1.290000e+02 : f32
          %parallel_loop3A_196 = vector.broadcast %parallel_loop3A_195 : f32 to vector<16xf32>
          %parallel_loop3A_197 = arith.mulf %parallel_loop3A_194, %parallel_loop3A_196 : vector<16xf32>
          %parallel_loop3A_198 = arith.constant 5.000000e-01 : f32
          %parallel_loop3A_199 = vector.broadcast %parallel_loop3A_198 : f32 to vector<16xf32>
          %parallel_loop3A_200 = arith.subf %parallel_loop3A_197, %parallel_loop3A_199 : vector<16xf32>
          %parallel_loop3A_201 = arith.fptosi %parallel_loop3A_200 : vector<16xf32> to vector<16xi32>
          %parallel_loop3A_202 = arith.sitofp %parallel_loop3A_201 : vector<16xi32> to vector<16xf32>
          %parallel_loop3A_203 = arith.cmpf olt, %parallel_loop3A_202, %parallel_loop3A_200 : vector<16xf32>
          %parallel_loop3A_204 = arith.select %parallel_loop3A_203, %broadcast_in_dim3A_1, %broadcast_in_dim3A_3 : vector<16xi1>, vector<16xi32>
          %parallel_loop3A_205 = arith.addi %parallel_loop3A_201, %parallel_loop3A_204 : vector<16xi32>
          %parallel_loop3A_206 = arith.constant 16 : i32
          %parallel_loop3A_207 = vector.broadcast %parallel_loop3A_206 : i32 to vector<16xi32>
          %parallel_loop3A_208 = arith.muli %parallel_loop3A_205, %parallel_loop3A_207 : vector<16xi32>
          %parallel_loop3A_209 = arith.addi %parallel_loop3A_208, %iota3A : vector<16xi32>
          tpu.vector_store_idx %arg16[%parallel_loop3A_209], %broadcast_in_dim3A_1 {add = true} : memref<2080xi32, #tpu.memory_space<vmem>>[vector<16xi32>], vector<16xi32>,
          %parallel_loop3A_210 = tpu.vector_load_idx %arg9[%parallel_loop3A_186] : memref<8256xf32, #tpu.memory_space<vmem>>[vector<16xi32>], vector<16xf32>,
          %parallel_loop3A_211 = arith.addi %parallel_loop3A_187, %parallel_loop3A_205 : vector<16xi32>
          %parallel_loop3A_212 = arith.mulf %parallel_loop3A_210, %sub3A : vector<16xf32>
          %parallel_loop3A_213 = arith.addf %gather3A, %parallel_loop3A_212 : vector<16xf32>
          tpu.vector_store_idx %arg17[%parallel_loop3A_211], %parallel_loop3A_213 : memref<16512xf32, #tpu.memory_space<vmem>>[vector<16xi32>], vector<16xf32>,
          %parallel_loop3A_214 = arith.constant 16 : i32
          %parallel_loop3A_215 = vector.broadcast %parallel_loop3A_214 : i32 to vector<16xi32>
          %parallel_loop3A_216 = arith.addi %parallel_loop3A_184, %parallel_loop3A_215 : vector<16xi32>
          %parallel_loop3A_217 = arith.constant 16 : i32
          %parallel_loop3A_218 = vector.broadcast %parallel_loop3A_217 : i32 to vector<16xi32>
          %parallel_loop3A_219 = arith.addi %parallel_loop3A_185, %parallel_loop3A_218 : vector<16xi32>
          %parallel_loop3A_220 = arith.constant 1 : i32
          %parallel_loop3A_221 = vector.broadcast %parallel_loop3A_220 : i32 to vector<16xi32>
          %parallel_loop3A_222 = arith.addi %parallel_loop3A_186, %parallel_loop3A_221 : vector<16xi32>
          %parallel_loop3A_223 = arith.constant 1 : i32
          %parallel_loop3A_224 = vector.broadcast %parallel_loop3A_223 : i32 to vector<16xi32>
          %parallel_loop3A_225 = arith.addi %parallel_loop3A_187, %parallel_loop3A_224 : vector<16xi32>
          %parallel_loop3A_226 = arith.addf %parallel_loop3A_188, %mul3A_155 : vector<16xf32>
          scf.yield %parallel_loop3A_216, %parallel_loop3A_219, %parallel_loop3A_222, %parallel_loop3A_225, %parallel_loop3A_226 : vector<16xi32>, vector<16xi32>, vector<16xi32>, vector<16xi32>, vector<16xf32>
        } {sc.loop_unroll_factor = 8 : i64, sc.parallel_access}
        %parallel_loop3A_175 = arith.constant 0 : i32
        %parallel_loop3A_176 = arith.constant 129 : i32
        %parallel_loop3A_177 = arith.constant 1 : i32
        %parallel_loop3A_178:2 = scf.for %parallel_loop3A_183 = %parallel_loop3A_175 to %parallel_loop3A_176 step %parallel_loop3A_177 iter_args(%parallel_loop3A_184 = %iota3A, %parallel_loop3A_185 = %broadcast_in_dim3A_3) -> (vector<16xi32>, vector<16xi32>)  : i32 {
          %parallel_loop3A_186 = tpu.vector_load_idx %arg16[%parallel_loop3A_184] : memref<2080xi32, #tpu.memory_space<vmem>>[vector<16xi32>], vector<16xi32>,
          tpu.vector_store_idx %arg16[%parallel_loop3A_184], %broadcast_in_dim3A_3 : memref<2080xi32, #tpu.memory_space<vmem>>[vector<16xi32>], vector<16xi32>,
          %parallel_loop3A_187 = arith.addi %parallel_loop3A_185, %parallel_loop3A_186 : vector<16xi32>
          %parallel_loop3A_188 = arith.constant 1 : i32
          %parallel_loop3A_189 = vector.broadcast %parallel_loop3A_188 : i32 to vector<16xi32>
          %parallel_loop3A_190 = arith.subi %parallel_loop3A_187, %parallel_loop3A_189 : vector<16xi32>
          %parallel_loop3A_191 = arith.constant 128 : i32
          %parallel_loop3A_192 = vector.broadcast %parallel_loop3A_191 : i32 to vector<16xi32>
          %parallel_loop3A_193 = arith.minsi %parallel_loop3A_187, %parallel_loop3A_192 : vector<16xi32>
          %parallel_loop3A_194 = arith.constant 16 : i32
          %parallel_loop3A_195 = vector.broadcast %parallel_loop3A_194 : i32 to vector<16xi32>
          %parallel_loop3A_196 = arith.muli %parallel_loop3A_190, %parallel_loop3A_195 : vector<16xi32>
          %parallel_loop3A_197 = arith.addi %parallel_loop3A_196, %iota3A : vector<16xi32>
          %parallel_loop3A_198 = tpu.vector_load_idx %arg15[%parallel_loop3A_197] : memref<2064xf32, #tpu.memory_space<vmem>>[vector<16xi32>], vector<16xf32>,
          %parallel_loop3A_199 = arith.constant 16 : i32
          %parallel_loop3A_200 = vector.broadcast %parallel_loop3A_199 : i32 to vector<16xi32>
          %parallel_loop3A_201 = arith.muli %parallel_loop3A_193, %parallel_loop3A_200 : vector<16xi32>
          %parallel_loop3A_202 = arith.addi %parallel_loop3A_201, %iota3A : vector<16xi32>
          %parallel_loop3A_203 = tpu.vector_load_idx %arg15[%parallel_loop3A_202] : memref<2064xf32, #tpu.memory_space<vmem>>[vector<16xi32>], vector<16xf32>,
          %parallel_loop3A_204 = arith.addi %mul3A_124, %parallel_loop3A_190 : vector<16xi32>
          %parallel_loop3A_205 = tpu.vector_load_idx %arg9[%parallel_loop3A_204] : memref<8256xf32, #tpu.memory_space<vmem>>[vector<16xi32>], vector<16xf32>,
          %parallel_loop3A_206 = arith.addi %mul3A_124, %parallel_loop3A_193 : vector<16xi32>
          %parallel_loop3A_207 = tpu.vector_load_idx %arg9[%parallel_loop3A_206] : memref<8256xf32, #tpu.memory_space<vmem>>[vector<16xi32>], vector<16xf32>,
          %parallel_loop3A_208 = arith.sitofp %parallel_loop3A_183 : i32 to f32
          %parallel_loop3A_209 = arith.constant 2.000000e+00 : f32
          %parallel_loop3A_210 = arith.mulf %parallel_loop3A_208, %parallel_loop3A_209 : f32
          %parallel_loop3A_211 = arith.constant 1.000000e+00 : f32
          %parallel_loop3A_212 = arith.addf %parallel_loop3A_210, %parallel_loop3A_211 : f32
          %parallel_loop3A_213 = arith.constant 0.00387596898 : f32
          %parallel_loop3A_214 = arith.mulf %parallel_loop3A_212, %parallel_loop3A_213 : f32
          %parallel_loop3A_215 = arith.subf %parallel_loop3A_203, %parallel_loop3A_198 : vector<16xf32>
          %parallel_loop3A_216 = arith.constant 1.000000e-30 : f32
          %parallel_loop3A_217 = vector.broadcast %parallel_loop3A_216 : f32 to vector<16xf32>
          %parallel_loop3A_218 = arith.maximumf %parallel_loop3A_215, %parallel_loop3A_217 : vector<16xf32>
          %parallel_loop3A_219 = vector.broadcast %parallel_loop3A_214 : f32 to vector<16xf32>
          %parallel_loop3A_220 = arith.subf %parallel_loop3A_219, %parallel_loop3A_198 : vector<16xf32>
          %parallel_loop3A_221 = arith.divf %parallel_loop3A_220, %parallel_loop3A_218 : vector<16xf32>
          %parallel_loop3A_222 = arith.constant 0.000000e+00 : f32
          %parallel_loop3A_223 = arith.constant 1.000000e+00 : f32
          %parallel_loop3A_224 = vector.broadcast %parallel_loop3A_222 : f32 to vector<16xf32>
          %parallel_loop3A_225 = arith.maximumf %parallel_loop3A_224, %parallel_loop3A_221 : vector<16xf32>
          %parallel_loop3A_226 = vector.broadcast %parallel_loop3A_223 : f32 to vector<16xf32>
          %parallel_loop3A_227 = arith.minimumf %parallel_loop3A_226, %parallel_loop3A_225 : vector<16xf32>
          %parallel_loop3A_228 = arith.subf %parallel_loop3A_207, %parallel_loop3A_205 : vector<16xf32>
          %parallel_loop3A_229 = arith.mulf %parallel_loop3A_227, %parallel_loop3A_228 : vector<16xf32>
          %parallel_loop3A_230 = arith.addf %parallel_loop3A_205, %parallel_loop3A_229 : vector<16xf32>
          %parallel_loop3A_231 = arith.addi %mul3A_127, %parallel_loop3A_187 : vector<16xi32>
          %parallel_loop3A_232 = vector.broadcast %parallel_loop3A_183 : i32 to vector<16xi32>
          %parallel_loop3A_233 = arith.addi %parallel_loop3A_231, %parallel_loop3A_232 : vector<16xi32>
          %parallel_loop3A_234 = arith.mulf %parallel_loop3A_230, %sub3A : vector<16xf32>
          %parallel_loop3A_235 = arith.addf %gather3A, %parallel_loop3A_234 : vector<16xf32>
          tpu.vector_store_idx %arg17[%parallel_loop3A_233], %parallel_loop3A_235 : memref<16512xf32, #tpu.memory_space<vmem>>[vector<16xi32>], vector<16xf32>,
          %parallel_loop3A_236 = arith.constant 16 : i32
          %parallel_loop3A_237 = vector.broadcast %parallel_loop3A_236 : i32 to vector<16xi32>
          %parallel_loop3A_238 = arith.addi %parallel_loop3A_184, %parallel_loop3A_237 : vector<16xi32>
          scf.yield %parallel_loop3A_238, %parallel_loop3A_187 : vector<16xi32>, vector<16xi32>
        } {sc.loop_unroll_factor = 8 : i64, sc.parallel_access}
        %add3A_179 = arith.constant 2064 : i32
        %add3A_180 = vector.broadcast %add3A_179 : i32 to vector<16xi32>
        %add3A_181 = arith.addi %add3A_180, %iota3A : vector<16xi32>
        tpu.vector_store_idx %arg16[%add3A_181], %broadcast_in_dim3A_3 : memref<2080xi32, #tpu.memory_space<vmem>>[vector<16xi32>], vector<16xi32>,
        %scan3A_182 = arith.constant 0 : i32
        scf.yield %scan3A_182 : i32
      }
      %scan3A_73 = arith.constant 4 : i32
      %mul3A_74 = arith.constant 64 : i32
      %mul3A_75 = arith.muli %mul3A_40, %mul3A_74 : i32
      %add3A_76 = arith.addi %mul3A_10, %mul3A_75 : i32
      %mul3A_77 = arith.constant 258 : i32
      %mul3A_78 = arith.muli %add3A_76, %mul3A_77 : i32
      %dma_start3A_79 = tpu.memref_slice %arg6[%mul3A_78] : memref<16908288xf32, #tpu.memory_space<hbm>> -> memref<16512xf32, #tpu.memory_space<hbm>>
      %dma_start3A_80 = tpu.memref_slice %arg6[%mul3A_78] : memref<16908288xf32, #tpu.memory_space<hbm>> -> memref<16512xf32, #tpu.memory_space<hbm>>
      tpu.enqueue_dma source(%arg17 : memref<16512xf32, #tpu.memory_space<vmem>>) target(%dma_start3A_80 : memref<16512xf32, #tpu.memory_space<hbm>>) target_semaphore(%arg21 : memref<!tpu.dma_semaphore, #tpu.memory_space<semaphore_mem>>)
      %lt3A = arith.constant 15 : i32
      %lt3A_81 = arith.cmpi slt, %scan3A_37, %lt3A : i32
      %convert_element_type3A_82 = arith.extui %lt3A_81 : i1 to i32
      %cond3A_83 = arith.constant 0 : i32
      %cond3A_84 = arith.cmpi ne, %convert_element_type3A_82, %cond3A_83 : i32
      scf.if %cond3A_84 {
        %add3A_116 = arith.constant 2 : i32
        %add3A_117 = arith.addi %mul3A_40, %add3A_116 : i32
        %mul3A_118 = arith.constant 64 : i32
        %mul3A_119 = arith.muli %add3A_117, %mul3A_118 : i32
        %add3A_120 = arith.addi %mul3A_10, %mul3A_119 : i32
        %mul3A_121 = arith.constant 128 : i32
        %mul3A_122 = arith.muli %add3A_120, %mul3A_121 : i32
        %mul3A_123 = arith.constant 129 : i32
        %mul3A_124 = arith.muli %add3A_120, %mul3A_123 : i32
        %dma_start3A_125 = tpu.memref_slice %arg2[%mul3A_122] : memref<8388608xf32, #tpu.memory_space<hbm>> -> memref<8192xf32, #tpu.memory_space<hbm>>
        %dma_start3A_126 = tpu.memref_slice %arg2[%mul3A_122] : memref<8388608xf32, #tpu.memory_space<hbm>> -> memref<8192xf32, #tpu.memory_space<hbm>>
        tpu.enqueue_dma source(%dma_start3A_126 : memref<8192xf32, #tpu.memory_space<hbm>>) target(%arg7 : memref<8192xf32, #tpu.memory_space<vmem>>) target_semaphore(%arg19 : memref<!tpu.dma_semaphore, #tpu.memory_space<semaphore_mem>>)
        %dma_start3A_127 = tpu.memref_slice %arg3[%mul3A_124] : memref<8454144xf32, #tpu.memory_space<hbm>> -> memref<8256xf32, #tpu.memory_space<hbm>>
        %dma_start3A_128 = tpu.memref_slice %arg3[%mul3A_124] : memref<8454144xf32, #tpu.memory_space<hbm>> -> memref<8256xf32, #tpu.memory_space<hbm>>
        tpu.enqueue_dma source(%dma_start3A_128 : memref<8256xf32, #tpu.memory_space<hbm>>) target(%arg9 : memref<8256xf32, #tpu.memory_space<vmem>>) target_semaphore(%arg19 : memref<!tpu.dma_semaphore, #tpu.memory_space<semaphore_mem>>)
      } else {
      }
      %gt3A_85 = arith.constant 0 : i32
      %gt3A_86 = arith.cmpi sgt, %scan3A_37, %gt3A_85 : i32
      %convert_element_type3A_87 = arith.extui %gt3A_86 : i1 to i32
      %cond3A_88 = arith.constant 0 : i32
      %cond3A_89 = arith.cmpi ne, %convert_element_type3A_87, %cond3A_88 : i32
      scf.if %cond3A_89 {
        %sub3A = arith.constant 2 : i32
        %sub3A_116 = arith.subi %add3A_42, %sub3A : i32
        %mul3A_117 = arith.constant 64 : i32
        %mul3A_118 = arith.muli %sub3A_116, %mul3A_117 : i32
        %add3A_119 = arith.addi %mul3A_10, %mul3A_118 : i32
        %mul3A_120 = arith.constant 258 : i32
        %mul3A_121 = arith.muli %add3A_119, %mul3A_120 : i32
        %dma_wait3A_122 = tpu.memref_slice %arg6[%mul3A_121] : memref<16908288xf32, #tpu.memory_space<hbm>> -> memref<16512xf32, #tpu.memory_space<hbm>>
        %dma_wait3A_123 = tpu.memref_slice %arg6[%mul3A_121] : memref<16908288xf32, #tpu.memory_space<hbm>> -> memref<16512xf32, #tpu.memory_space<hbm>>
        tpu.wait_dma2 semaphore(%arg22 : memref<!tpu.dma_semaphore, #tpu.memory_space<semaphore_mem>>) src(%arg18 : memref<16512xf32, #tpu.memory_space<vmem>>) dst(%dma_wait3A_123 : memref<16512xf32, #tpu.memory_space<hbm>>)
      } else {
      }
      %mul3A_90 = arith.constant 64 : i32
      %mul3A_91 = arith.muli %add3A_42, %mul3A_90 : i32
      %add3A_92 = arith.addi %mul3A_10, %mul3A_91 : i32
      %mul3A_93 = arith.constant 128 : i32
      %mul3A_94 = arith.muli %add3A_92, %mul3A_93 : i32
      %mul3A_95 = arith.constant 129 : i32
      %mul3A_96 = arith.muli %add3A_92, %mul3A_95 : i32
      %dma_wait3A_97 = tpu.memref_slice %arg2[%mul3A_94] : memref<8388608xf32, #tpu.memory_space<hbm>> -> memref<8192xf32, #tpu.memory_space<hbm>>
      %dma_wait3A_98 = tpu.memref_slice %arg2[%mul3A_94] : memref<8388608xf32, #tpu.memory_space<hbm>> -> memref<8192xf32, #tpu.memory_space<hbm>>
      tpu.wait_dma2 semaphore(%arg20 : memref<!tpu.dma_semaphore, #tpu.memory_space<semaphore_mem>>) src(%dma_wait3A_98 : memref<8192xf32, #tpu.memory_space<hbm>>) dst(%arg8 : memref<8192xf32, #tpu.memory_space<vmem>>)
      %dma_wait3A_99 = tpu.memref_slice %arg3[%mul3A_96] : memref<8454144xf32, #tpu.memory_space<hbm>> -> memref<8256xf32, #tpu.memory_space<hbm>>
      %dma_wait3A_100 = tpu.memref_slice %arg3[%mul3A_96] : memref<8454144xf32, #tpu.memory_space<hbm>> -> memref<8256xf32, #tpu.memory_space<hbm>>
      tpu.wait_dma2 semaphore(%arg20 : memref<!tpu.dma_semaphore, #tpu.memory_space<semaphore_mem>>) src(%dma_wait3A_100 : memref<8256xf32, #tpu.memory_space<hbm>>) dst(%arg10 : memref<8256xf32, #tpu.memory_space<vmem>>)
      %scan3A_101 = arith.constant 0 : i32
      %scan3A_102 = arith.constant 0 : i32
      %scan3A_103 = arith.constant 4 : i32
      %scan3A_104 = arith.addi %scan3A_102, %scan3A_103 : i32
      %scan3A_105 = arith.constant 1 : i32
      %scan3A_106 = scf.for %scan3A_116 = %scan3A_102 to %scan3A_104 step %scan3A_105 iter_args(%scan3A_117 = %scan3A_101) -> (i32)  : i32 {
        %mul3A_118 = arith.constant 16 : i32
        %mul3A_119 = arith.muli %scan3A_116, %mul3A_118 : i32
        %add3A_120 = vector.broadcast %mul3A_119 : i32 to vector<16xi32>
        %add3A_121 = arith.addi %add3A_120, %iota3A : vector<16xi32>
        %mul3A_122 = arith.constant 129 : i32
        %mul3A_123 = vector.broadcast %mul3A_122 : i32 to vector<16xi32>
        %mul3A_124 = arith.muli %add3A_121, %mul3A_123 : vector<16xi32>
        %mul3A_125 = arith.constant 258 : i32
        %mul3A_126 = vector.broadcast %mul3A_125 : i32 to vector<16xi32>
        %mul3A_127 = arith.muli %add3A_121, %mul3A_126 : vector<16xi32>
        %mul3A_128 = arith.constant 64 : i32
        %mul3A_129 = arith.muli %add3A_42, %mul3A_128 : i32
        %add3A_130 = vector.broadcast %mul3A_129 : i32 to vector<16xi32>
        %add3A_131 = arith.addi %add3A_130, %add3A_121 : vector<16xi32>
        %gather3A = tpu.vector_load_idx %arg11[%add3A_131] : memref<2048xf32, #tpu.memory_space<vmem>>[vector<16xi32>], vector<16xf32>,
        %gather3A_132 = tpu.vector_load_idx %arg12[%add3A_131] : memref<2048xf32, #tpu.memory_space<vmem>>[vector<16xi32>], vector<16xf32>,
        %sub3A = arith.subf %gather3A_132, %gather3A : vector<16xf32>
        %mul3A_133 = arith.constant 2048 : i32
        %mul3A_134 = arith.muli %scan3A_116, %mul3A_133 : i32
        %add3A_135 = vector.broadcast %mul3A_134 : i32 to vector<16xi32>
        %add3A_136 = arith.addi %add3A_135, %iota3A : vector<16xi32>
        %mul3A_137 = arith.constant 17 : i32
        %mul3A_138 = vector.broadcast %mul3A_137 : i32 to vector<16xi32>
        %mul3A_139 = arith.muli %iota3A, %mul3A_138 : vector<16xi32>
        %parallel_loop3A_140 = arith.constant 0 : i32
        %parallel_loop3A_141 = arith.constant 16 : i32
        %parallel_loop3A_142 = arith.constant 1 : i32
        %parallel_loop3A_143:2 = scf.for %parallel_loop3A_183 = %parallel_loop3A_140 to %parallel_loop3A_141 step %parallel_loop3A_142 iter_args(%parallel_loop3A_184 = %add3A_136, %parallel_loop3A_185 = %mul3A_139) -> (vector<16xi32>, vector<16xi32>)  : i32 {
          %parallel_loop3A_186 = arith.constant 0 : i32
          %parallel_loop3A_187 = vector.broadcast %parallel_loop3A_186 : i32 to vector<16xi32>
          %parallel_loop3A_188 = arith.addi %parallel_loop3A_184, %parallel_loop3A_187 : vector<16xi32>
          %parallel_loop3A_189 = tpu.vector_load_idx %arg8[%parallel_loop3A_188] : memref<8192xf32, #tpu.memory_space<vmem>>[vector<16xi32>], vector<16xf32>,
          %parallel_loop3A_190 = arith.constant 0 : i32
          %parallel_loop3A_191 = vector.broadcast %parallel_loop3A_190 : i32 to vector<16xi32>
          %parallel_loop3A_192 = arith.addi %parallel_loop3A_185, %parallel_loop3A_191 : vector<16xi32>
          tpu.vector_store_idx %arg13[%parallel_loop3A_192], %parallel_loop3A_189 : memref<2176xf32, #tpu.memory_space<vmem>>[vector<16xi32>], vector<16xf32>,
          %parallel_loop3A_193 = arith.constant 16 : i32
          %parallel_loop3A_194 = vector.broadcast %parallel_loop3A_193 : i32 to vector<16xi32>
          %parallel_loop3A_195 = arith.addi %parallel_loop3A_184, %parallel_loop3A_194 : vector<16xi32>
          %parallel_loop3A_196 = tpu.vector_load_idx %arg8[%parallel_loop3A_195] : memref<8192xf32, #tpu.memory_space<vmem>>[vector<16xi32>], vector<16xf32>,
          %parallel_loop3A_197 = arith.constant 272 : i32
          %parallel_loop3A_198 = vector.broadcast %parallel_loop3A_197 : i32 to vector<16xi32>
          %parallel_loop3A_199 = arith.addi %parallel_loop3A_185, %parallel_loop3A_198 : vector<16xi32>
          tpu.vector_store_idx %arg13[%parallel_loop3A_199], %parallel_loop3A_196 : memref<2176xf32, #tpu.memory_space<vmem>>[vector<16xi32>], vector<16xf32>,
          %parallel_loop3A_200 = arith.constant 32 : i32
          %parallel_loop3A_201 = vector.broadcast %parallel_loop3A_200 : i32 to vector<16xi32>
          %parallel_loop3A_202 = arith.addi %parallel_loop3A_184, %parallel_loop3A_201 : vector<16xi32>
          %parallel_loop3A_203 = tpu.vector_load_idx %arg8[%parallel_loop3A_202] : memref<8192xf32, #tpu.memory_space<vmem>>[vector<16xi32>], vector<16xf32>,
          %parallel_loop3A_204 = arith.constant 544 : i32
          %parallel_loop3A_205 = vector.broadcast %parallel_loop3A_204 : i32 to vector<16xi32>
          %parallel_loop3A_206 = arith.addi %parallel_loop3A_185, %parallel_loop3A_205 : vector<16xi32>
          tpu.vector_store_idx %arg13[%parallel_loop3A_206], %parallel_loop3A_203 : memref<2176xf32, #tpu.memory_space<vmem>>[vector<16xi32>], vector<16xf32>,
          %parallel_loop3A_207 = arith.constant 48 : i32
          %parallel_loop3A_208 = vector.broadcast %parallel_loop3A_207 : i32 to vector<16xi32>
          %parallel_loop3A_209 = arith.addi %parallel_loop3A_184, %parallel_loop3A_208 : vector<16xi32>
          %parallel_loop3A_210 = tpu.vector_load_idx %arg8[%parallel_loop3A_209] : memref<8192xf32, #tpu.memory_space<vmem>>[vector<16xi32>], vector<16xf32>,
          %parallel_loop3A_211 = arith.constant 816 : i32
          %parallel_loop3A_212 = vector.broadcast %parallel_loop3A_211 : i32 to vector<16xi32>
          %parallel_loop3A_213 = arith.addi %parallel_loop3A_185, %parallel_loop3A_212 : vector<16xi32>
          tpu.vector_store_idx %arg13[%parallel_loop3A_213], %parallel_loop3A_210 : memref<2176xf32, #tpu.memory_space<vmem>>[vector<16xi32>], vector<16xf32>,
          %parallel_loop3A_214 = arith.constant 64 : i32
          %parallel_loop3A_215 = vector.broadcast %parallel_loop3A_214 : i32 to vector<16xi32>
          %parallel_loop3A_216 = arith.addi %parallel_loop3A_184, %parallel_loop3A_215 : vector<16xi32>
          %parallel_loop3A_217 = tpu.vector_load_idx %arg8[%parallel_loop3A_216] : memref<8192xf32, #tpu.memory_space<vmem>>[vector<16xi32>], vector<16xf32>,
          %parallel_loop3A_218 = arith.constant 1088 : i32
          %parallel_loop3A_219 = vector.broadcast %parallel_loop3A_218 : i32 to vector<16xi32>
          %parallel_loop3A_220 = arith.addi %parallel_loop3A_185, %parallel_loop3A_219 : vector<16xi32>
          tpu.vector_store_idx %arg13[%parallel_loop3A_220], %parallel_loop3A_217 : memref<2176xf32, #tpu.memory_space<vmem>>[vector<16xi32>], vector<16xf32>,
          %parallel_loop3A_221 = arith.constant 80 : i32
          %parallel_loop3A_222 = vector.broadcast %parallel_loop3A_221 : i32 to vector<16xi32>
          %parallel_loop3A_223 = arith.addi %parallel_loop3A_184, %parallel_loop3A_222 : vector<16xi32>
          %parallel_loop3A_224 = tpu.vector_load_idx %arg8[%parallel_loop3A_223] : memref<8192xf32, #tpu.memory_space<vmem>>[vector<16xi32>], vector<16xf32>,
          %parallel_loop3A_225 = arith.constant 1360 : i32
          %parallel_loop3A_226 = vector.broadcast %parallel_loop3A_225 : i32 to vector<16xi32>
          %parallel_loop3A_227 = arith.addi %parallel_loop3A_185, %parallel_loop3A_226 : vector<16xi32>
          tpu.vector_store_idx %arg13[%parallel_loop3A_227], %parallel_loop3A_224 : memref<2176xf32, #tpu.memory_space<vmem>>[vector<16xi32>], vector<16xf32>,
          %parallel_loop3A_228 = arith.constant 96 : i32
          %parallel_loop3A_229 = vector.broadcast %parallel_loop3A_228 : i32 to vector<16xi32>
          %parallel_loop3A_230 = arith.addi %parallel_loop3A_184, %parallel_loop3A_229 : vector<16xi32>
          %parallel_loop3A_231 = tpu.vector_load_idx %arg8[%parallel_loop3A_230] : memref<8192xf32, #tpu.memory_space<vmem>>[vector<16xi32>], vector<16xf32>,
          %parallel_loop3A_232 = arith.constant 1632 : i32
          %parallel_loop3A_233 = vector.broadcast %parallel_loop3A_232 : i32 to vector<16xi32>
          %parallel_loop3A_234 = arith.addi %parallel_loop3A_185, %parallel_loop3A_233 : vector<16xi32>
          tpu.vector_store_idx %arg13[%parallel_loop3A_234], %parallel_loop3A_231 : memref<2176xf32, #tpu.memory_space<vmem>>[vector<16xi32>], vector<16xf32>,
          %parallel_loop3A_235 = arith.constant 112 : i32
          %parallel_loop3A_236 = vector.broadcast %parallel_loop3A_235 : i32 to vector<16xi32>
          %parallel_loop3A_237 = arith.addi %parallel_loop3A_184, %parallel_loop3A_236 : vector<16xi32>
          %parallel_loop3A_238 = tpu.vector_load_idx %arg8[%parallel_loop3A_237] : memref<8192xf32, #tpu.memory_space<vmem>>[vector<16xi32>], vector<16xf32>,
          %parallel_loop3A_239 = arith.constant 1904 : i32
          %parallel_loop3A_240 = vector.broadcast %parallel_loop3A_239 : i32 to vector<16xi32>
          %parallel_loop3A_241 = arith.addi %parallel_loop3A_185, %parallel_loop3A_240 : vector<16xi32>
          tpu.vector_store_idx %arg13[%parallel_loop3A_241], %parallel_loop3A_238 : memref<2176xf32, #tpu.memory_space<vmem>>[vector<16xi32>], vector<16xf32>,
          %parallel_loop3A_242 = arith.constant 128 : i32
          %parallel_loop3A_243 = vector.broadcast %parallel_loop3A_242 : i32 to vector<16xi32>
          %parallel_loop3A_244 = arith.addi %parallel_loop3A_184, %parallel_loop3A_243 : vector<16xi32>
          %parallel_loop3A_245 = arith.constant 1 : i32
          %parallel_loop3A_246 = vector.broadcast %parallel_loop3A_245 : i32 to vector<16xi32>
          %parallel_loop3A_247 = arith.addi %parallel_loop3A_185, %parallel_loop3A_246 : vector<16xi32>
          scf.yield %parallel_loop3A_244, %parallel_loop3A_247 : vector<16xi32>, vector<16xi32>
        } {sc.loop_unroll_factor = 2 : i64, sc.parallel_access}
        %parallel_loop3A_144 = arith.constant 0 : i32
        %parallel_loop3A_145 = arith.constant 128 : i32
        %parallel_loop3A_146 = arith.constant 1 : i32
        %parallel_loop3A_147:3 = scf.for %parallel_loop3A_183 = %parallel_loop3A_144 to %parallel_loop3A_145 step %parallel_loop3A_146 iter_args(%parallel_loop3A_184 = %iota3A, %parallel_loop3A_185 = %iota3A, %parallel_loop3A_186 = %broadcast_in_dim3A_5) -> (vector<16xi32>, vector<16xi32>, vector<16xf32>)  : i32 {
          %parallel_loop3A_187 = tpu.vector_load_idx %arg13[%parallel_loop3A_184] : memref<2176xf32, #tpu.memory_space<vmem>>[vector<16xi32>], vector<16xf32>,
          %parallel_loop3A_188 = arith.constant 0.00999999977 : f32
          %parallel_loop3A_189 = vector.broadcast %parallel_loop3A_188 : f32 to vector<16xf32>
          %parallel_loop3A_190 = arith.addf %parallel_loop3A_187, %parallel_loop3A_189 : vector<16xf32>
          %parallel_loop3A_191 = arith.addf %parallel_loop3A_186, %parallel_loop3A_190 : vector<16xf32>
          tpu.vector_store_idx %arg14[%parallel_loop3A_185], %parallel_loop3A_191 : memref<2048xf32, #tpu.memory_space<vmem>>[vector<16xi32>], vector<16xf32>,
          %parallel_loop3A_192 = arith.constant 17 : i32
          %parallel_loop3A_193 = vector.broadcast %parallel_loop3A_192 : i32 to vector<16xi32>
          %parallel_loop3A_194 = arith.addi %parallel_loop3A_184, %parallel_loop3A_193 : vector<16xi32>
          %parallel_loop3A_195 = arith.constant 16 : i32
          %parallel_loop3A_196 = vector.broadcast %parallel_loop3A_195 : i32 to vector<16xi32>
          %parallel_loop3A_197 = arith.addi %parallel_loop3A_185, %parallel_loop3A_196 : vector<16xi32>
          scf.yield %parallel_loop3A_194, %parallel_loop3A_197, %parallel_loop3A_191 : vector<16xi32>, vector<16xi32>, vector<16xf32>
        } {sc.loop_unroll_factor = 8 : i64, sc.parallel_access}
        %sub3A_148 = arith.constant 9.99999974E-6 : f32
        %sub3A_149 = vector.broadcast %sub3A_148 : f32 to vector<16xf32>
        %sub3A_150 = arith.subf %sub3A_149, %parallel_loop3A_147#2 : vector<16xf32>
        %max3A = arith.constant 0.000000e+00 : f32
        %max3A_151 = vector.broadcast %max3A : f32 to vector<16xf32>
        %max3A_152 = arith.maximumf %sub3A_150, %max3A_151 : vector<16xf32>
        %mul3A_153 = arith.constant 7.812500e-03 : f32
        %mul3A_154 = vector.broadcast %mul3A_153 : f32 to vector<16xf32>
        %mul3A_155 = arith.mulf %max3A_152, %mul3A_154 : vector<16xf32>
        %add3A_156 = arith.addf %parallel_loop3A_147#2, %max3A_152 : vector<16xf32>
        %div3A = arith.constant 1.000000e+00 : f32
        %div3A_157 = vector.broadcast %div3A : f32 to vector<16xf32>
        %div3A_158 = arith.divf %div3A_157, %add3A_156 : vector<16xf32>
        tpu.vector_store_idx %arg15[%iota3A], %broadcast_in_dim3A_5 : memref<2064xf32, #tpu.memory_space<vmem>>[vector<16xi32>], vector<16xf32>,
        tpu.vector_store_idx %arg16[%iota3A], %broadcast_in_dim3A_1 {add = true} : memref<2080xi32, #tpu.memory_space<vmem>>[vector<16xi32>], vector<16xi32>,
        %gather3A_159 = tpu.vector_load_idx %arg10[%mul3A_124] : memref<8256xf32, #tpu.memory_space<vmem>>[vector<16xi32>], vector<16xf32>,
        %mul3A_160 = arith.mulf %gather3A_159, %sub3A : vector<16xf32>
        %add3A_161 = arith.addf %gather3A, %mul3A_160 : vector<16xf32>
        tpu.vector_store_idx %arg18[%mul3A_127], %add3A_161 : memref<16512xf32, #tpu.memory_space<vmem>>[vector<16xi32>], vector<16xf32>,
        %add3A_162 = arith.constant 16 : i32
        %add3A_163 = vector.broadcast %add3A_162 : i32 to vector<16xi32>
        %add3A_164 = arith.addi %add3A_163, %iota3A : vector<16xi32>
        %add3A_165 = arith.constant 1 : i32
        %add3A_166 = vector.broadcast %add3A_165 : i32 to vector<16xi32>
        %add3A_167 = arith.addi %mul3A_124, %add3A_166 : vector<16xi32>
        %add3A_168 = arith.constant 1 : i32
        %add3A_169 = vector.broadcast %add3A_168 : i32 to vector<16xi32>
        %add3A_170 = arith.addi %mul3A_127, %add3A_169 : vector<16xi32>
        %parallel_loop3A_171 = arith.constant 1 : i32
        %parallel_loop3A_172 = arith.constant 129 : i32
        %parallel_loop3A_173 = arith.constant 1 : i32
        %parallel_loop3A_174:5 = scf.for %parallel_loop3A_183 = %parallel_loop3A_171 to %parallel_loop3A_172 step %parallel_loop3A_173 iter_args(%parallel_loop3A_184 = %iota3A, %parallel_loop3A_185 = %add3A_164, %parallel_loop3A_186 = %add3A_167, %parallel_loop3A_187 = %add3A_170, %parallel_loop3A_188 = %mul3A_155) -> (vector<16xi32>, vector<16xi32>, vector<16xi32>, vector<16xi32>, vector<16xf32>)  : i32 {
          %parallel_loop3A_189 = tpu.vector_load_idx %arg14[%parallel_loop3A_184] : memref<2048xf32, #tpu.memory_space<vmem>>[vector<16xi32>], vector<16xf32>,
          %parallel_loop3A_190 = arith.addf %parallel_loop3A_189, %parallel_loop3A_188 : vector<16xf32>
          %parallel_loop3A_191 = arith.mulf %parallel_loop3A_190, %div3A_158 : vector<16xf32>
          %parallel_loop3A_192 = arith.constant 1.000000e+00 : f32
          %parallel_loop3A_193 = vector.broadcast %parallel_loop3A_192 : f32 to vector<16xf32>
          %parallel_loop3A_194 = arith.minimumf %parallel_loop3A_193, %parallel_loop3A_191 : vector<16xf32>
          tpu.vector_store_idx %arg15[%parallel_loop3A_185], %parallel_loop3A_194 : memref<2064xf32, #tpu.memory_space<vmem>>[vector<16xi32>], vector<16xf32>,
          %parallel_loop3A_195 = arith.constant 1.290000e+02 : f32
          %parallel_loop3A_196 = vector.broadcast %parallel_loop3A_195 : f32 to vector<16xf32>
          %parallel_loop3A_197 = arith.mulf %parallel_loop3A_194, %parallel_loop3A_196 : vector<16xf32>
          %parallel_loop3A_198 = arith.constant 5.000000e-01 : f32
          %parallel_loop3A_199 = vector.broadcast %parallel_loop3A_198 : f32 to vector<16xf32>
          %parallel_loop3A_200 = arith.subf %parallel_loop3A_197, %parallel_loop3A_199 : vector<16xf32>
          %parallel_loop3A_201 = arith.fptosi %parallel_loop3A_200 : vector<16xf32> to vector<16xi32>
          %parallel_loop3A_202 = arith.sitofp %parallel_loop3A_201 : vector<16xi32> to vector<16xf32>
          %parallel_loop3A_203 = arith.cmpf olt, %parallel_loop3A_202, %parallel_loop3A_200 : vector<16xf32>
          %parallel_loop3A_204 = arith.select %parallel_loop3A_203, %broadcast_in_dim3A_1, %broadcast_in_dim3A_3 : vector<16xi1>, vector<16xi32>
          %parallel_loop3A_205 = arith.addi %parallel_loop3A_201, %parallel_loop3A_204 : vector<16xi32>
          %parallel_loop3A_206 = arith.constant 16 : i32
          %parallel_loop3A_207 = vector.broadcast %parallel_loop3A_206 : i32 to vector<16xi32>
          %parallel_loop3A_208 = arith.muli %parallel_loop3A_205, %parallel_loop3A_207 : vector<16xi32>
          %parallel_loop3A_209 = arith.addi %parallel_loop3A_208, %iota3A : vector<16xi32>
          tpu.vector_store_idx %arg16[%parallel_loop3A_209], %broadcast_in_dim3A_1 {add = true} : memref<2080xi32, #tpu.memory_space<vmem>>[vector<16xi32>], vector<16xi32>,
          %parallel_loop3A_210 = tpu.vector_load_idx %arg10[%parallel_loop3A_186] : memref<8256xf32, #tpu.memory_space<vmem>>[vector<16xi32>], vector<16xf32>,
          %parallel_loop3A_211 = arith.addi %parallel_loop3A_187, %parallel_loop3A_205 : vector<16xi32>
          %parallel_loop3A_212 = arith.mulf %parallel_loop3A_210, %sub3A : vector<16xf32>
          %parallel_loop3A_213 = arith.addf %gather3A, %parallel_loop3A_212 : vector<16xf32>
          tpu.vector_store_idx %arg18[%parallel_loop3A_211], %parallel_loop3A_213 : memref<16512xf32, #tpu.memory_space<vmem>>[vector<16xi32>], vector<16xf32>,
          %parallel_loop3A_214 = arith.constant 16 : i32
          %parallel_loop3A_215 = vector.broadcast %parallel_loop3A_214 : i32 to vector<16xi32>
          %parallel_loop3A_216 = arith.addi %parallel_loop3A_184, %parallel_loop3A_215 : vector<16xi32>
          %parallel_loop3A_217 = arith.constant 16 : i32
          %parallel_loop3A_218 = vector.broadcast %parallel_loop3A_217 : i32 to vector<16xi32>
          %parallel_loop3A_219 = arith.addi %parallel_loop3A_185, %parallel_loop3A_218 : vector<16xi32>
          %parallel_loop3A_220 = arith.constant 1 : i32
          %parallel_loop3A_221 = vector.broadcast %parallel_loop3A_220 : i32 to vector<16xi32>
          %parallel_loop3A_222 = arith.addi %parallel_loop3A_186, %parallel_loop3A_221 : vector<16xi32>
          %parallel_loop3A_223 = arith.constant 1 : i32
          %parallel_loop3A_224 = vector.broadcast %parallel_loop3A_223 : i32 to vector<16xi32>
          %parallel_loop3A_225 = arith.addi %parallel_loop3A_187, %parallel_loop3A_224 : vector<16xi32>
          %parallel_loop3A_226 = arith.addf %parallel_loop3A_188, %mul3A_155 : vector<16xf32>
          scf.yield %parallel_loop3A_216, %parallel_loop3A_219, %parallel_loop3A_222, %parallel_loop3A_225, %parallel_loop3A_226 : vector<16xi32>, vector<16xi32>, vector<16xi32>, vector<16xi32>, vector<16xf32>
        } {sc.loop_unroll_factor = 8 : i64, sc.parallel_access}
        %parallel_loop3A_175 = arith.constant 0 : i32
        %parallel_loop3A_176 = arith.constant 129 : i32
        %parallel_loop3A_177 = arith.constant 1 : i32
        %parallel_loop3A_178:2 = scf.for %parallel_loop3A_183 = %parallel_loop3A_175 to %parallel_loop3A_176 step %parallel_loop3A_177 iter_args(%parallel_loop3A_184 = %iota3A, %parallel_loop3A_185 = %broadcast_in_dim3A_3) -> (vector<16xi32>, vector<16xi32>)  : i32 {
          %parallel_loop3A_186 = tpu.vector_load_idx %arg16[%parallel_loop3A_184] : memref<2080xi32, #tpu.memory_space<vmem>>[vector<16xi32>], vector<16xi32>,
          tpu.vector_store_idx %arg16[%parallel_loop3A_184], %broadcast_in_dim3A_3 : memref<2080xi32, #tpu.memory_space<vmem>>[vector<16xi32>], vector<16xi32>,
          %parallel_loop3A_187 = arith.addi %parallel_loop3A_185, %parallel_loop3A_186 : vector<16xi32>
          %parallel_loop3A_188 = arith.constant 1 : i32
          %parallel_loop3A_189 = vector.broadcast %parallel_loop3A_188 : i32 to vector<16xi32>
          %parallel_loop3A_190 = arith.subi %parallel_loop3A_187, %parallel_loop3A_189 : vector<16xi32>
          %parallel_loop3A_191 = arith.constant 128 : i32
          %parallel_loop3A_192 = vector.broadcast %parallel_loop3A_191 : i32 to vector<16xi32>
          %parallel_loop3A_193 = arith.minsi %parallel_loop3A_187, %parallel_loop3A_192 : vector<16xi32>
          %parallel_loop3A_194 = arith.constant 16 : i32
          %parallel_loop3A_195 = vector.broadcast %parallel_loop3A_194 : i32 to vector<16xi32>
          %parallel_loop3A_196 = arith.muli %parallel_loop3A_190, %parallel_loop3A_195 : vector<16xi32>
          %parallel_loop3A_197 = arith.addi %parallel_loop3A_196, %iota3A : vector<16xi32>
          %parallel_loop3A_198 = tpu.vector_load_idx %arg15[%parallel_loop3A_197] : memref<2064xf32, #tpu.memory_space<vmem>>[vector<16xi32>], vector<16xf32>,
          %parallel_loop3A_199 = arith.constant 16 : i32
          %parallel_loop3A_200 = vector.broadcast %parallel_loop3A_199 : i32 to vector<16xi32>
          %parallel_loop3A_201 = arith.muli %parallel_loop3A_193, %parallel_loop3A_200 : vector<16xi32>
          %parallel_loop3A_202 = arith.addi %parallel_loop3A_201, %iota3A : vector<16xi32>
          %parallel_loop3A_203 = tpu.vector_load_idx %arg15[%parallel_loop3A_202] : memref<2064xf32, #tpu.memory_space<vmem>>[vector<16xi32>], vector<16xf32>,
          %parallel_loop3A_204 = arith.addi %mul3A_124, %parallel_loop3A_190 : vector<16xi32>
          %parallel_loop3A_205 = tpu.vector_load_idx %arg10[%parallel_loop3A_204] : memref<8256xf32, #tpu.memory_space<vmem>>[vector<16xi32>], vector<16xf32>,
          %parallel_loop3A_206 = arith.addi %mul3A_124, %parallel_loop3A_193 : vector<16xi32>
          %parallel_loop3A_207 = tpu.vector_load_idx %arg10[%parallel_loop3A_206] : memref<8256xf32, #tpu.memory_space<vmem>>[vector<16xi32>], vector<16xf32>,
          %parallel_loop3A_208 = arith.sitofp %parallel_loop3A_183 : i32 to f32
          %parallel_loop3A_209 = arith.constant 2.000000e+00 : f32
          %parallel_loop3A_210 = arith.mulf %parallel_loop3A_208, %parallel_loop3A_209 : f32
          %parallel_loop3A_211 = arith.constant 1.000000e+00 : f32
          %parallel_loop3A_212 = arith.addf %parallel_loop3A_210, %parallel_loop3A_211 : f32
          %parallel_loop3A_213 = arith.constant 0.00387596898 : f32
          %parallel_loop3A_214 = arith.mulf %parallel_loop3A_212, %parallel_loop3A_213 : f32
          %parallel_loop3A_215 = arith.subf %parallel_loop3A_203, %parallel_loop3A_198 : vector<16xf32>
          %parallel_loop3A_216 = arith.constant 1.000000e-30 : f32
          %parallel_loop3A_217 = vector.broadcast %parallel_loop3A_216 : f32 to vector<16xf32>
          %parallel_loop3A_218 = arith.maximumf %parallel_loop3A_215, %parallel_loop3A_217 : vector<16xf32>
          %parallel_loop3A_219 = vector.broadcast %parallel_loop3A_214 : f32 to vector<16xf32>
          %parallel_loop3A_220 = arith.subf %parallel_loop3A_219, %parallel_loop3A_198 : vector<16xf32>
          %parallel_loop3A_221 = arith.divf %parallel_loop3A_220, %parallel_loop3A_218 : vector<16xf32>
          %parallel_loop3A_222 = arith.constant 0.000000e+00 : f32
          %parallel_loop3A_223 = arith.constant 1.000000e+00 : f32
          %parallel_loop3A_224 = vector.broadcast %parallel_loop3A_222 : f32 to vector<16xf32>
          %parallel_loop3A_225 = arith.maximumf %parallel_loop3A_224, %parallel_loop3A_221 : vector<16xf32>
          %parallel_loop3A_226 = vector.broadcast %parallel_loop3A_223 : f32 to vector<16xf32>
          %parallel_loop3A_227 = arith.minimumf %parallel_loop3A_226, %parallel_loop3A_225 : vector<16xf32>
          %parallel_loop3A_228 = arith.subf %parallel_loop3A_207, %parallel_loop3A_205 : vector<16xf32>
          %parallel_loop3A_229 = arith.mulf %parallel_loop3A_227, %parallel_loop3A_228 : vector<16xf32>
          %parallel_loop3A_230 = arith.addf %parallel_loop3A_205, %parallel_loop3A_229 : vector<16xf32>
          %parallel_loop3A_231 = arith.addi %mul3A_127, %parallel_loop3A_187 : vector<16xi32>
          %parallel_loop3A_232 = vector.broadcast %parallel_loop3A_183 : i32 to vector<16xi32>
          %parallel_loop3A_233 = arith.addi %parallel_loop3A_231, %parallel_loop3A_232 : vector<16xi32>
          %parallel_loop3A_234 = arith.mulf %parallel_loop3A_230, %sub3A : vector<16xf32>
          %parallel_loop3A_235 = arith.addf %gather3A, %parallel_loop3A_234 : vector<16xf32>
          tpu.vector_store_idx %arg18[%parallel_loop3A_233], %parallel_loop3A_235 : memref<16512xf32, #tpu.memory_space<vmem>>[vector<16xi32>], vector<16xf32>,
          %parallel_loop3A_236 = arith.constant 16 : i32
          %parallel_loop3A_237 = vector.broadcast %parallel_loop3A_236 : i32 to vector<16xi32>
          %parallel_loop3A_238 = arith.addi %parallel_loop3A_184, %parallel_loop3A_237 : vector<16xi32>
          scf.yield %parallel_loop3A_238, %parallel_loop3A_187 : vector<16xi32>, vector<16xi32>
        } {sc.loop_unroll_factor = 8 : i64, sc.parallel_access}
        %add3A_179 = arith.constant 2064 : i32
        %add3A_180 = vector.broadcast %add3A_179 : i32 to vector<16xi32>
        %add3A_181 = arith.addi %add3A_180, %iota3A : vector<16xi32>
        tpu.vector_store_idx %arg16[%add3A_181], %broadcast_in_dim3A_3 : memref<2080xi32, #tpu.memory_space<vmem>>[vector<16xi32>], vector<16xi32>,
        %scan3A_182 = arith.constant 0 : i32
        scf.yield %scan3A_182 : i32
      }
      %scan3A_107 = arith.constant 4 : i32
      %mul3A_108 = arith.constant 64 : i32
      %mul3A_109 = arith.muli %add3A_42, %mul3A_108 : i32
      %add3A_110 = arith.addi %mul3A_10, %mul3A_109 : i32
      %mul3A_111 = arith.constant 258 : i32
      %mul3A_112 = arith.muli %add3A_110, %mul3A_111 : i32
      %dma_start3A_113 = tpu.memref_slice %arg6[%mul3A_112] : memref<16908288xf32, #tpu.memory_space<hbm>> -> memref<16512xf32, #tpu.memory_space<hbm>>
      %dma_start3A_114 = tpu.memref_slice %arg6[%mul3A_112] : memref<16908288xf32, #tpu.memory_space<hbm>> -> memref<16512xf32, #tpu.memory_space<hbm>>
      tpu.enqueue_dma source(%arg18 : memref<16512xf32, #tpu.memory_space<vmem>>) target(%dma_start3A_114 : memref<16512xf32, #tpu.memory_space<hbm>>) target_semaphore(%arg22 : memref<!tpu.dma_semaphore, #tpu.memory_space<semaphore_mem>>)
      %scan3A_115 = arith.constant 0 : i32
      scf.yield %scan3A_115 : i32
    }
    %scan3A_25 = arith.constant 16 : i32
    %add3A_26 = arith.constant 1920 : i32
    %add3A_27 = arith.addi %mul3A_10, %add3A_26 : i32
    %mul3A_28 = arith.constant 258 : i32
    %mul3A_29 = arith.muli %add3A_27, %mul3A_28 : i32
    %dma_wait3A = tpu.memref_slice %arg6[%mul3A_29] : memref<16908288xf32, #tpu.memory_space<hbm>> -> memref<16512xf32, #tpu.memory_space<hbm>>
    %dma_wait3A_30 = tpu.memref_slice %arg6[%mul3A_29] : memref<16908288xf32, #tpu.memory_space<hbm>> -> memref<16512xf32, #tpu.memory_space<hbm>>
    tpu.wait_dma2 semaphore(%arg21 : memref<!tpu.dma_semaphore, #tpu.memory_space<semaphore_mem>>) src(%arg17 : memref<16512xf32, #tpu.memory_space<vmem>>) dst(%dma_wait3A_30 : memref<16512xf32, #tpu.memory_space<hbm>>)
    %add3A_31 = arith.constant 1984 : i32
    %add3A_32 = arith.addi %mul3A_10, %add3A_31 : i32
    %mul3A_33 = arith.constant 258 : i32
    %mul3A_34 = arith.muli %add3A_32, %mul3A_33 : i32
    %dma_wait3A_35 = tpu.memref_slice %arg6[%mul3A_34] : memref<16908288xf32, #tpu.memory_space<hbm>> -> memref<16512xf32, #tpu.memory_space<hbm>>
    %dma_wait3A_36 = tpu.memref_slice %arg6[%mul3A_34] : memref<16908288xf32, #tpu.memory_space<hbm>> -> memref<16512xf32, #tpu.memory_space<hbm>>
    tpu.wait_dma2 semaphore(%arg22 : memref<!tpu.dma_semaphore, #tpu.memory_space<semaphore_mem>>) src(%arg18 : memref<16512xf32, #tpu.memory_space<vmem>>) dst(%dma_wait3A_36 : memref<16512xf32, #tpu.memory_space<hbm>>)
    return
  }
}

</mosaic_0001>

<sc_bundles>
// kernel: _run.3.cloned.1.call-start
scs
__scs_entry_jumppad:
0x0: {  	(pc) =	sbr.rel $0x88, $3  }
0x1: {  	(tag) =	ssettag $0x0;
	lr =	simm.s32 $0x1  }
0x2: {  	[smem:$0x3F9D] =	sst lr;
	_ =	strace $0xD0000000  }
0x3: {  	_ = 	snop  }
0x4: {  	_ = 	snop  }
0x5: {  	_ = 	snop  }
0x6: {  	_ = 	snop  }
0x7: {  	_ = 	snop  }
__scs_overlays_trampoline_lowered:
0x8: {  	[smem:$0x3FAC] =	sst s0  }
0x9: {  	[smem:$0x3FAD] =	sst s1  }
0xa: {  	[smem:$0x3FAE] =	sst s2  }
0xb: {  	[smem:$0x3FAF] =	sst s3  }
0xc: {  	[smem:$0x3FB0] =	sst s4  }
0xd: {  	[smem:$0x3FB1] =	sst s5  }
0xe: {  	[smem:$0x3FB2] =	sst s6  }
0xf: {  	[smem:$0x3FB3] =	sst s7  }
0x10: {  	[smem:$0x3FB4] =	sst s8  }
0x11: {  	[smem:$0x3FB5] =	sst s9;
	s0 =	simm.s32 @!p0 $0x0  }
0x12: {  	s1 =	sld [smem:$0x3F9B];
	s0 =	simm.s32 @p0 $0x1  }
0x13: {  	[smem:$0x3FB6] =	sst s0;
	s0 =	simm.s32 @!p1 $0x0  }
0x14: {  	s2 =	sld [smem:$0x3F9A];
	s0 =	simm.s32 @p1 $0x1  }
0x15: {  	[smem:$0x3FB7] =	sst s0;
	s0 =	simm.s32 @!p2 $0x0  }
0x16: {  	s3 =	sld [smem:$0x3FDB];
	s0 =	simm.s32 @p2 $0x1  }
0x17: {  	s4 =	simm.s32 $0x1BF5;
	[smem:$0x3FB9] =	sst s0  }
0x18: {  	s0 =	sld [smem:$0x3F9C];
	_ =	swait.ge [sflag:s4], $0x0  }
0x19: {  	s7 =	sld [smem:$0x3F9D]  }
0x1a: {  	s8 =	sadd.s32 $0xFFFFE003, lr  }
0x1b: {  	s9 =	sadd.s32 $0xFFFFFEF7, lr;
	s5 =	simm.s32 $0xFFFFFFFF;
	p2 =	slt.u32 s8, $0xFFFFF086  }
0x1c: {  	p1 =	slt.u32 s9, $0xF7A;
	s5 =	simm.s32 @!p2 $0x0  }
0x1d: {  	s5 =	simm.s32 @p1 $0x1;
	p0 =	seq.s32 s7, s2  }
0x1e: {  	s7 =	smul.u32 @!p0 $0xF7A, s2;
	p2 =	seq.s32 @!p0 s5, $0x0  }
0x1f: {  	s9 =	smul.u32 $0xF7A, s1;
	s8 =	simm.s32 @!p0 $0x1BF5;
	p2 =	por !p2, p0  }
0x20: {  	[sflag:s8] =	ssyncset.s32 @!p0 $0xFFFFF086;
	s6 =	sadd.s32 @!p0 s3, s7;
	s7 =	simm.s32 @!p0 $0x108  }
0x21: {  	s3 =	sadd.s32 s3, s9;
	s6 =	sadd.s32 @!p0 $0x88, s6;
	s7 =	simm.s32 @p2 $0x1082  }
0x22: {  	[simem:s7], [sflag:s8] =	dma.local @!p0 [hbm:s6], $0xF7A  }
0x23: {  	s9 =	sor.u32 $0xD0000000, s2;
	s6 =	simm.s32 $0x108;
	_ =	swait.ge @!p0 [sflag:s8], $0x0  }
0x24: {  	s3 =	sadd.s32 $0x88, s3;
	s6 =	simm.s32 @!p1 $0x1082;
	[sflag:s4] =	ssyncset.s32 $0xFFFFF086  }
0x25: {  	[simem:s6], [sflag:s4] =	dma.local [hbm:s3], $0xF7A  }
0x26: {  	[smem:$0x3F9D] =	sst s1;
	(tag) =	ssettag s2;
	_ =	strace s9  }
0x27: {  	s1 =	sld [smem:$0x3FAD]  }
0x28: {  	s2 =	sld [smem:$0x3FAE]  }
0x29: {  	s4 =	sld [smem:$0x3FB0]  }
0x2a: {  	p0 =	seq.s32 s5, $0x0;
	s5 =	sld [smem:$0x3FB1]  }
0x2b: {  	s6 =	sld [smem:$0x3FB2]  }
0x2c: {  	s7 =	sld [smem:$0x3FB3]  }
0x2d: {  	s3 =	simm.s32 $0x108;
	s8 =	sld [smem:$0x3FB4]  }
0x2e: {  	s3 =	simm.s32 @!p0 $0x1082;
	s9 =	sld [smem:$0x3FB5]  }
0x2f: {  	lr =	sadd.s32 s0, s3;
	s0 =	sld [smem:$0x3FAC]  }
0x30: {  	s3 =	sld [smem:$0x3FAF]  }
0x31: {  	[smem:$0x3FB8] =	sst s10  }
0x32: {  	s10 =	sld [smem:$0x3FB6];
	_ =	sdelay $0x3  }
0x33: {  	p0 =	seq.s32 s10, $0x1;
	s10 =	sld [smem:$0x3FB8];
	_ =	sdelay $0x3  }
0x34: {  	[smem:$0x3FB8] =	sst s10  }
0x35: {  	s10 =	sld [smem:$0x3FB7];
	_ =	sdelay $0x3  }
0x36: {  	p1 =	seq.s32 s10, $0x1;
	s10 =	sld [smem:$0x3FB8];
	_ =	sdelay $0x3  }
0x37: {  	[smem:$0x3FB8] =	sst s10  }
0x38: {  	s10 =	sld [smem:$0x3FB9]  }
0x39: {  	_ = 	snop;
	(pc) =	sbr.ind lr, $3  }
0x3a: {  	_ = 	snop  }
0x3b: {  	_ = 	snop  }
0x3c: {  	p2 =	seq.s32 s10, $0x1;
	s10 =	sld [smem:$0x3FB8]  }
0x3d: {  	_ =	shalt  }
0x3e: {  	_ =	shalt  }
0x3f: {  	_ =	shalt  }
0x40: {  	_ =	shalt  }
0x41: {  	_ =	shalt  }
0x42: {  	_ =	shalt  }
0x43: {  	_ =	shalt  }
0x44: {  	_ =	shalt  }
0x45: {  	_ =	shalt  }
0x46: {  	_ =	shalt  }
0x47: {  	_ =	shalt  }
0x48: {  	_ =	shalt  }
0x49: {  	_ =	shalt  }
0x4a: {  	_ =	shalt  }
0x4b: {  	_ =	shalt  }
0x4c: {  	_ =	shalt  }
0x4d: {  	_ =	shalt  }
0x4e: {  	_ =	shalt  }
0x4f: {  	_ =	shalt  }
0x50: {  	_ =	shalt  }
0x51: {  	_ =	shalt  }
0x52: {  	_ =	shalt  }
0x53: {  	_ =	shalt  }
0x54: {  	_ =	shalt  }
0x55: {  	_ =	shalt  }
0x56: {  	_ =	shalt  }
0x57: {  	_ =	shalt  }
0x58: {  	_ =	shalt  }
0x59: {  	_ =	shalt  }
0x5a: {  	_ =	shalt  }
0x5b: {  	_ =	shalt  }
0x5c: {  	_ =	shalt  }
0x5d: {  	_ =	shalt  }
0x5e: {  	_ =	shalt  }
0x5f: {  	_ =	shalt  }
0x60: {  	_ =	shalt  }
0x61: {  	_ =	shalt  }
0x62: {  	_ =	shalt  }
0x63: {  	_ =	shalt  }
0x64: {  	_ =	shalt  }
0x65: {  	_ =	shalt  }
0x66: {  	_ =	shalt  }
0x67: {  	_ =	shalt  }
0x68: {  	_ =	shalt  }
0x69: {  	_ =	shalt  }
0x6a: {  	_ =	shalt  }
0x6b: {  	_ =	shalt  }
0x6c: {  	_ =	shalt  }
0x6d: {  	_ =	shalt  }
0x6e: {  	_ =	shalt  }
0x6f: {  	_ =	shalt  }
0x70: {  	_ =	shalt  }
0x71: {  	_ =	shalt  }
0x72: {  	_ =	shalt  }
0x73: {  	_ =	shalt  }
0x74: {  	_ =	shalt  }
0x75: {  	_ =	shalt  }
0x76: {  	_ =	shalt  }
0x77: {  	_ =	shalt  }
0x78: {  	_ =	shalt  }
0x79: {  	_ =	shalt  }
0x7a: {  	_ =	shalt  }
0x7b: {  	_ =	shalt  }
0x7c: {  	_ =	shalt  }
0x7d: {  	_ =	shalt  }
0x7e: {  	_ =	shalt  }
0x7f: {  	_ =	shalt  }
0x80: {  	_ =	shalt  }
0x81: {  	_ =	shalt  }
0x82: {  	_ =	shalt  }
0x83: {  	_ =	shalt  }
0x84: {  	_ =	shalt  }
0x85: {  	_ =	shalt  }
0x86: {  	_ =	shalt  }
0x87: {  	_ =	shalt  }
.Lfunc_end0:
.L_simem_size_0:
called_computation_lowered:
.L_overlay_start_0:
0x88: {  	s2 =	sld [smem:$0x3FD9]  }
0x89: {  	s3 =	sld [smem:$0x3FFE];
	_ =	sdelay $0x1  }
0x8a: {  	s1 =	srdreg.scid  }
0x8b: {  	s0 =	sand.u32 $0x1, s1  }
0x8c: {  	s18 =	sshll.u32 s0, $0xA;
	s2 =	sadd.s32 s3, s2  }
0x8d: {  	s2 =	sadd.s32 s2, s18  }
0x8e: {  	[smem:$0x3FC4] =	sst s2  }
0x8f: {  	_ = 	snop  }
0x90: {  	s2 =	sld [smem:$0x3FC9]  }
0x91: {  	s19 =	sld [smem:$0x3FC8]  }
0x92: {  	s4 =	sld [smem:$0x3FC7]  }
0x93: {  	s5 =	sld [smem:$0x3FC6]  }
0x94: {  	s6 =	sld [smem:$0x3FD0];
	(tm) =	ssettm $0x1  }
0x95: {  	s7 =	sld [smem:$0x3FFB];
	_ =	sdelay $0x3  }
0x96: {  	_ =	strace s7  }
0x97: {  	s7 =	sld [smem:$0x3FFC];
	_ =	sdelay $0x3  }
0x98: {  	_ =	strace s7  }
0x99: {  	s7 =	sld [smem:$0x3FFD];
	_ =	sdelay $0x3  }
0x9a: {  	_ =	strace s7  }
0x9b: {  	_ =	strace $0x8FFFFFFF  }
0x9c: {  	s20 =	sld [smem:$0x3FDB];
	_ =	sdelay $0x1  }
0x9d: {  	s8 =	simm.s32 $_scs_section_size  }
0x9e: {  	s9 =	simm.s32 $_size__tile_overlayer_lowered;
	s10 =	simm.s32 $_tile_overlayer_lowered  }
0x9f: {  	s23 =	simm.s32 $0x1BFF;
	s22 =	sshll.u32 s10, $0x1;
	s7 =	sadd.s32 s8, s20  }
0xa0: {  	s11 =	simm.s32 $0x0;
	s21 =	sshll.u32 s9, $0x1;
	s9 =	sadd.s32 s22, s7  }
0xa1: {  	[timem:s11], [sflag:s23] =	dma.local [hbm:s9], s21  }
0xa2: {  	_ =	swait.ge [sflag:s23], s21  }
0xa3: {  	s8 =	ssub.s32 $0x0, s21;
	[sflag:s23] =	ssyncset.done $0x0  }
0xa4: {  	[sflag:s23] =	ssyncadd.s32 s8;
	_ =	sdelay $0x1  }
0xa5: {  	s24 =	simm.s32 $0x1B8B  }
0xa6: {  	_ =	swait.ge [sflag:s24], $0x1  }
0xa7: {  	[sflag:s24] =	ssyncset.done $0x0  }
0xa8: {  	s25 =	simm.s32 $0x1B8E;
	[sflag:s24] =	ssyncadd.s32 $0xFFFFFFFF  }
0xa9: {  	s26 =	simm.s32 $execute0_lowered;
	[smem:$0x3FD2] =	sst s25  }
0xaa: {  	s8 =	sshll.u32 s26, $0x1;
	_ =	strace $0x80000046;
	[dreg:$0x1] =	wrdreg $0xFFFFFFFF  }
0xab: {  	s28 =	simm.s32 $_size_execute0_lowered;
	s7 =	sadd.s32 s7, s8;
	[dreg:$0x0] =	wrdreg $0x0  }
0xac: {  	s8 =	sshll.u32 s28, $0x1;
	[dreg:$0x2] =	wrdreg s7  }
0xad: {  	[dreg:$0x3] =	wrdreg s8  }
0xae: {  	[dreg:$0x4] =	wrdreg $0xC0  }
0xaf: {  	_ =	task [dreg:s11], $0x5FFFF  }
0xb0: {  	[dreg:$0x1] =	wrdreg $0xFFFFFFFF  }
0xb1: {  	[dreg:$0x0] =	wrdreg $0x60  }
0xb2: {  	[dreg:$0x2] =	wrdreg s2  }
0xb3: {  	[dreg:$0x3] =	wrdreg s19  }
0xb4: {  	[dreg:$0x4] =	wrdreg s4  }
0xb5: {  	[dreg:$0x5] =	wrdreg s5  }
0xb6: {  	[dreg:$0x6] =	wrdreg s6  }
0xb7: {  	[dreg:$0x7] =	wrdreg $0x9  }
0xb8: {  	_ =	task.clear_ibuf [dreg:s11], $0x8FFFF;
	_ =	strace $0x90000046  }
0xb9: {  	s29 =	simm.s32 $0x9;
	_ =	strace $0x80000048  }
0xba: {  	_ =	swait.ge [sflag:s29], $0x1  }
0xbb: {  	[sflag:s29] =	ssyncadd.s32 $0xFFFFFFFF  }
0xbc: {  	_ =	strace $0x90000048  }
0xbd: {  	_ =	sfence  }
0xbe: {  	s30 =	sld [smem:$0x0];
	_ =	sdelay $0x2  }
0xbf: {  	s31 =	sshll.u32 s1, $0xD;
	s1 =	sshrl.u32 s1, $0x2  }
0xc0: {  	s3 =	sand.u32 $0x4000, s31;
	s1 =	sadd.s32 s1, s30  }
0xc1: {  	s0 =	sor.u32 s3, s0;
	s1 =	sshll.u32 s1, $0x11  }
0xc2: {  	s0 =	sor.u32 s1, s0  }
0xc3: {  	s0 =	sadd.s32 $0x8F2B, s0  }
0xc4: {  	[sflag:s0] =	ssyncadd.remote.s32 $0x1  }
0xc5: {  	_ =	sfence.sel $0xFFFF  }
0xc6: {  	[dreg:$0x0] =	wrdreg $0xFFFFFFFF;
	(pc) =	sbr.abs _section_cstart, $3  }
0xc7: {  	[dreg:$0x1] =	wrdreg $0xFFFFFFFF  }
0xc8: {  	_ =	task.clear_ibuf [dreg:s11], $0x2FFFF;
	_ =	strace $0x9FFFFFFF  }
0xc9: {  	(tm) =	ssettm $0x7FFFFFFF  }
tec
execute0_lowered:
.L_overlay_start_1:
0x0: {  	(tag) =	ssettag $0x1  }
0x1: {  	s1 =	rddreg [dreg:$0x0]  }
0x2: {  	s2 =	rddreg [dreg:$0x1]  }
0x3: {  	s0 =	rddreg [dreg:$0x2]  }
0x4: {  	s4 =	rddreg [dreg:$0x3]  }
0x5: {  	s5 =	srdreg.scid;
	s3 =	stileid.u32  }
0x6: {  	s13 =	simm.s32 $0xAA00;
	s14 =	simm.s32 $0x8100;
	s16 =	simm.s32 $0x8900  }
0x7: {  	s17 =	simm.s32 $0x4000;
	s18 =	simm.s32 $0x2000;
	s19 =	simm.s32 $0x6080  }
0x8: {  	s20 =	simm.s32 $0x1;
	s21 =	simm.s32 $0x9100;
	s22 =	simm.s32 $0x9980  }
0x9: {  	s23 =	simm.s32 $0xA180;
	s6 =	sand.u32 $0x1, s5;
	s9 =	sshll.u32 s3, $0x1  }
0xa: {  	s24 =	simm.s32 $0xB280;
	s5 =	simm.s32 $0x0;
	s25 =	sor.u32 s6, s9  }
0xb: {  	s7 =	ssub.s32 $0x2, s6;
	[smem:$0x7FF] =	sst s5;
	s9 =	sshll.u32 s25, $0x8  }
0xc: {  	_ =	strace $0x80000047;
	s6 =	sshll.u32 s25, $0xB;
	s0 =	sadd.s32 s0, s9  }
0xd: {  	s10 =	smul.u32 $0x8100, s25;
	s26 =	sadd.s32 s4, s9;
	[dreg:$0x6] =	wrdreg s0  }
0xe: {  	s28 =	sshll.u32 s25, $0xF;
	s30 =	sor.u32 $0x80, s6;
	[dreg:$0x7] =	wrdreg s26  }
0xf: {  	v1 =	vlaneseq.u32;
	s8 =	sshrl.u32 s7, $0x1;
	s0 =	sadd.s32 s1, s28;
	[dreg:$0xa] =	wrdreg s30  }
0x10: {  	v2 =	vmul.u32 $0x11, v1;
	s7 =	ssub.s32 s7, s8;
	s29 =	sadd.s32 s2, s10;
	[dreg:$0x8] =	wrdreg s0  }
0x11: {  	s25 =	simm.s32 $0x2;
	s31 =	smax.u32 s7, $0x1;
	[dreg:$0x9] =	wrdreg s29  }
0x12: {  	v0 =	vimm.s32 $0x0;
	v4 =	vimm.s32 $0x1;
	[tilespmem:$0x1FFF0] =	vst v2;
	s26 =	simm.s32 $0xF300;
	s2 =	simm.s32 $0x0;
	[dreg:$0xb] =	wrdreg s31  }
.LBB2_1:
0x13: {  	v7 =	vadd.s32 $0x10, v1  }
0x14: {  	v3 =	vadd.s32 $0x70, v1  }
0x15: {  	v9 =	vadd.s32 $0x20, v1  }
0x16: {  	[dreg:$0xc] =	wrdreg s2;
	v6 =	vadd.s32 $0x30, v1  }
0x17: {  	v5 =	vadd.s32 $0x40, v1;
	[tilespmem:v1+s13+$0x0] =	vst.idx.msk $0xffff, v0  }
0x18: {  	[tilespmem:v7+s13+$0x0] =	vst.idx.msk $0xffff, v0;
	v7 =	vadd.s32 $0x50, v1  }
0x19: {  	v8 =	vadd.s32 $0x60, v1;
	[tilespmem:v3+s13+$0x0] =	vst.idx.msk $0xffff, v0  }
0x1a: {  	s0 =	simm.s32 $0x0;
	[tilespmem:v9+s13+$0x0] =	vst.idx.msk $0xffff, v0;
	v3 =	vadd.s32 $0x80, v1  }
.LBB2_2:
0x1b: {  	v9 =	vadd.s32 $0x10, v3;
	v10 =	vadd.s32 $0x20, v3;
	v11 =	vadd.s32 $0x70, v3;
	s0 =	sadd.s32 $0x8, s0;
	[tilespmem:v6+s13+$0x0] =	vst.idx.msk $0xffff, v0  }
0x1c: {  	v6 =	vadd.s32 $0x30, v3;
	v12 =	vadd.s32 $0x50, v3;
	p0 =	slt.u32 s0, $0x78;
	[tilespmem:v5+s13+$0x0] =	vst.idx.msk $0xffff, v0;
	v5 =	vadd.s32 $0x40, v3  }
0x1d: {  	v13 =	vadd.s32 $0x60, v3;
	[tilespmem:v7+s13+$0x0] =	vst.idx.msk $0xffff, v0;
	v7 =	vmov v12  }
.Ltmp0:
0x1e: {  	[tilespmem:v8+s13+$0x0] =	vst.idx.msk $0xffff, v0;
	v8 =	vmov v13;
	(pc) =	sbr.rel @p0 .LBB2_2-.Ltmp0, $4  }
0x1f: {  	[tilespmem:v3+s13+$0x0] =	vst.idx.msk $0xffff, v0  }
0x20: {  	s4 =	simm.s32 $0x2;
	[tilespmem:v11+s13+$0x0] =	vst.idx.msk $0xffff, v0  }
0x21: {  	[tilespmem:v9+s13+$0x0] =	vst.idx.msk $0xffff, v0  }
0x22: {  	v3 =	vadd.s32 $0x80, v3;
	[tilespmem:v10+s13+$0x0] =	vst.idx.msk $0xffff, v0  }
0x23: {  	_ =	sdelay $0x3  }
0x24: {  	[tilespmem:v6+s13+$0x0] =	vst.idx.msk $0xffff, v0  }
0x25: {  	[tilespmem:v5+s13+$0x0] =	vst.idx.msk $0xffff, v0  }
0x26: {  	[tilespmem:v7+s13+$0x0] =	vst.idx.msk $0xffff, v0  }
0x27: {  	[tilespmem:v8+s13+$0x0] =	vst.idx.msk $0xffff, v0  }
.LBB2_4:
0x28: {  	p0 =	sne.s32 s4, $0x1  }
.Ltmp1:
0x29: {  	_ = 	snop;
	(pc) =	sbr.rel @p0 .LBB2_4-.Ltmp1, $2  }
0x2a: {  	_ =	sdelay $0x2  }
0x2b: {  	[tilespmem:v3+s13+$0x0] =	vst.idx.msk $0xffff, v0;
	v3 =	vadd.s32 $0x10, v3;
	s4 =	sadd.s32 $0xFFFFFFFF, s4  }
0x2c: {  	s31 =	simm.s32 $0x0;
	s0 =	rddreg [dreg:$0x6];
	s1 =	simm.s32 $0x5  }
0x2d: {  	[tilespmem:s14], [sflag:$0x5] =	stream.linear.gather [hbm4b:s0+s31], $0x800, $0x38;
	[tilespmem:$0x13380] =	vst v63  }
0x2e: {  	_ =	swait.ge [sflag:s1], $0x800  }
0x2f: {  	[sflag:s1] =	ssyncset.done $0x0  }
0x30: {  	s28 =	rddreg [dreg:$0x7];
	[sflag:s1] =	ssyncadd.s32 $0xFFFFF800  }
0x31: {  	[tilespmem:s16], [sflag:$0x5] =	stream.linear.gather [hbm4b:s28+s31], $0x800, $0x38;
	[tilespmem:$0x13380] =	vst v63  }
0x32: {  	_ =	swait.ge [sflag:s1], $0x800  }
0x33: {  	[sflag:s1] =	ssyncset.done $0x0  }
0x34: {  	s29 =	rddreg [dreg:$0x8];
	[sflag:s1] =	ssyncadd.s32 $0xFFFFF800  }
0x35: {  	[tilespmem:s31], [sflag:$0x1] =	stream.linear.gather [hbm4b:s29+s31], $0x2000, $0x38;
	[tilespmem:$0x13380] =	vst v63  }
0x36: {  	s30 =	rddreg [dreg:$0x9]  }
0x37: {  	[tilespmem:s17], [sflag:$0x1] =	stream.linear.gather [hbm4b:s30+s31], $0x2040, $0x38;
	[tilespmem:$0x13380] =	vst v63  }
.LBB2_6:
0x38: {  	s7 =	sshll.u32 s31, $0x7  }
0x39: {  	s4 =	sor.u32 $0x40, s7  }
0x3a: {  	s0 =	sor.u32 s6, s4  }
0x3b: {  	s8 =	sshll.u32 s0, $0x4;
	s9 =	smul.u32 $0x81, s0  }
0x3c: {  	s1 =	rddreg [dreg:$0x0];
	s8 =	sand.u32 $0x1FFFFC00, s8  }
0x3d: {  	s30 =	rddreg [dreg:$0x1];
	s8 =	sadd.s32 s1, s8;
	s29 =	sshrl.u32 s9, $0x3  }
0x3e: {  	[tilespmem:s18], [sflag:$0x2] =	stream.linear.gather [hbm4b:s8+s5], $0x2000, $0x38;
	[tilespmem:$0x13380] =	vst v63  }
0x3f: {  	p0 =	seq.s32 s31, $0x0;
	s8 =	sadd.s32 s30, s29  }
0x40: {  	[tilespmem:s19], [sflag:$0x2] =	stream.linear.gather [hbm4b:s8+s5], $0x2040, $0x38;
	[tilespmem:$0x13380] =	vst v63  }
0x41: {  	s8 =	simm.s32 @!p0 $0x3  }
0x42: {  	_ =	swait.ge @!p0 [sflag:s8], $0x4080  }
0x43: {  	[sflag:s8] =	ssyncset.done @!p0 $0x0  }
0x44: {  	[sflag:s8] =	ssyncadd.s32 @!p0 $0xFFFFBF80  }
0x45: {  	_ =	swait.ge [sflag:s20], $0x2000  }
0x46: {  	[sflag:s20] =	ssyncset.done $0x0  }
0x47: {  	[sflag:s20] =	ssyncadd.s32 $0xFFFFE000  }
0x48: {  	_ =	swait.ge [sflag:s20], $0x2040  }
0x49: {  	v2 =	vmov s7;
	[sflag:s20] =	ssyncset.done $0x0  }
0x4a: {  	s8 =	simm.s32 $0x0;
	[tilespmem:$0x1FFE0] =	vst v2;
	[sflag:s20] =	ssyncadd.s32 $0xFFFFDFC0  }
.LBB2_7:
0x4b: {  	v2 =	vld [tilespmem:$0x1FFE0];
	_ =	sdelay $0x2  }
0x4c: {  	s30 =	sshll.u32 s8, $0x4  }
0x4d: {  	v45 =	vor.u32 s30, v1  }
0x4e: {  	v5 =	vor.u32 v2, v45  }
0x4f: {  	s9 =	sshll.u32 s8, $0xB  }
0x50: {  	v7 =	vor.u32 s9, v1;
	_ =	sdelay $0x1  }
0x51: {  	v3 =	vadd.s32 $0x80, v7;
	v2 =	vld [tilespmem:$0x1FFF0]  }
0x52: {  	v48 =	vld.idx.msk [tilespmem:v5+s14+$0x0], $0xffff  }
0x53: {  	v5 =	vld.idx.msk [tilespmem:v5+s16+$0x0], $0xffff  }
0x54: {  	v6 =	vld.idx.msk [tilespmem:v7+s5+$0x0], $0xffff  }
0x55: {  	v8 =	vadd.s32 $0x10, v7  }
0x56: {  	v3 =	vld.idx.msk [tilespmem:v3+s5+$0x0], $0xffff;
	v10 =	vadd.s32 $0x1, v2  }
0x57: {  	v9 =	vadd.s32 $0x90, v7  }
0x58: {  	[tilespmem:$0x1FD50] =	vst v5  }
0x59: {  	[tilespmem:v2+s21+$0x0] =	vst.idx.msk $0xffff, v6  }
0x5a: {  	v12 =	vadd.s32 $0x110, v2;
	v5 =	vld.idx.msk [tilespmem:v8+s5+$0x0], $0xffff;
	[tilespmem:$0x1FD60] =	vst v10  }
0x5b: {  	v6 =	vadd.s32 $0x20, v7;
	[tilespmem:v10+s21+$0x0] =	vst.idx.msk $0xffff, v3  }
0x5c: {  	v10 =	vadd.s32 $0x111, v2;
	v8 =	vld.idx.msk [tilespmem:v9+s5+$0x0], $0xffff  }
0x5d: {  	v9 =	vadd.s32 $0xA0, v7  }
0x5e: {  	v3 =	vadd.s32 $0x100, v7;
	[tilespmem:$0x1FD70] =	vst v12  }
0x5f: {  	v11 =	vadd.s32 $0x80, v3;
	[tilespmem:v12+s21+$0x0] =	vst.idx.msk $0xffff, v5  }
0x60: {  	v15 =	vadd.s32 $0x220, v2;
	v5 =	vld.idx.msk [tilespmem:v6+s5+$0x0], $0xffff;
	[tilespmem:$0x1FD80] =	vst v10  }
0x61: {  	v6 =	vadd.s32 $0x30, v7;
	[tilespmem:v10+s21+$0x0] =	vst.idx.msk $0xffff, v8  }
0x62: {  	v10 =	vadd.s32 $0x221, v2;
	v8 =	vld.idx.msk [tilespmem:v9+s5+$0x0], $0xffff  }
0x63: {  	v20 =	vadd.s32 $0x2, v2;
	v12 =	vadd.s32 $0xB0, v7;
	v9 =	vld.idx.msk [tilespmem:v3+s5+$0x0], $0xffff  }
0x64: {  	v13 =	vadd.s32 $0x10, v3;
	v11 =	vld.idx.msk [tilespmem:v11+s5+$0x0], $0xffff;
	[tilespmem:$0x1FD90] =	vst v15  }
0x65: {  	v16 =	vadd.s32 $0x1, v20;
	[tilespmem:v15+s21+$0x0] =	vst.idx.msk $0xffff, v5  }
0x66: {  	v14 =	vadd.s32 $0x90, v3;
	v6 =	vld.idx.msk [tilespmem:v6+s5+$0x0], $0xffff;
	[tilespmem:$0x1FDA0] =	vst v10  }
0x67: {  	v17 =	vadd.s32 $0x330, v2;
	[tilespmem:v10+s21+$0x0] =	vst.idx.msk $0xffff, v8  }
0x68: {  	v8 =	vadd.s32 $0x40, v7;
	[tilespmem:v20+s21+$0x0] =	vst.idx.msk $0xffff, v9;
	v9 =	vld.idx.msk [tilespmem:v12+s5+$0x0], $0xffff  }
0x69: {  	v10 =	vadd.s32 $0x331, v2;
	v12 =	vld.idx.msk [tilespmem:v13+s5+$0x0], $0xffff;
	[tilespmem:$0x1FDB0] =	vst v16  }
0x6a: {  	[tilespmem:v16+s21+$0x0] =	vst.idx.msk $0xffff, v11  }
0x6b: {  	v18 =	vadd.s32 $0x110, v20;
	v11 =	vadd.s32 $0xC0, v7;
	v14 =	vld.idx.msk [tilespmem:v14+s5+$0x0], $0xffff;
	[tilespmem:$0x1FDC0] =	vst v17  }
0x6c: {  	v13 =	vadd.s32 $0x20, v3;
	[tilespmem:v17+s21+$0x0] =	vst.idx.msk $0xffff, v6  }
0x6d: {  	v5 =	vadd.s32 $0x100, v3;
	v16 =	vadd.s32 $0x111, v20;
	v8 =	vld.idx.msk [tilespmem:v8+s5+$0x0], $0xffff;
	[tilespmem:$0x1FDD0] =	vst v10  }
0x6e: {  	v6 =	vadd.s32 $0x80, v5;
	[tilespmem:v10+s21+$0x0] =	vst.idx.msk $0xffff, v9  }
0x6f: {  	v15 =	vadd.s32 $0xA0, v3;
	[tilespmem:$0x1FDE0] =	vst v18  }
0x70: {  	v19 =	vadd.s32 $0x440, v2;
	[tilespmem:v18+s21+$0x0] =	vst.idx.msk $0xffff, v12;
	v11 =	vld.idx.msk [tilespmem:v11+s5+$0x0], $0xffff  }
0x71: {  	v9 =	vadd.s32 $0x50, v7;
	v12 =	vld.idx.msk [tilespmem:v13+s5+$0x0], $0xffff;
	[tilespmem:$0x1FDF0] =	vst v16  }
0x72: {  	v10 =	vadd.s32 $0x441, v2;
	[tilespmem:v16+s21+$0x0] =	vst.idx.msk $0xffff, v14;
	v16 =	vld.idx.msk [tilespmem:v5+s5+$0x0], $0xffff  }
0x73: {  	v6 =	vld.idx.msk [tilespmem:v6+s5+$0x0], $0xffff  }
0x74: {  	v21 =	vadd.s32 $0x220, v20;
	v13 =	vadd.s32 $0xD0, v7;
	v15 =	vld.idx.msk [tilespmem:v15+s5+$0x0], $0xffff;
	[tilespmem:$0x1FE00] =	vst v19  }
0x75: {  	v14 =	vadd.s32 $0x30, v3;
	[tilespmem:v19+s21+$0x0] =	vst.idx.msk $0xffff, v8  }
0x76: {  	v22 =	vadd.s32 $0x221, v20;
	v9 =	vld.idx.msk [tilespmem:v9+s5+$0x0], $0xffff;
	[tilespmem:$0x1FE10] =	vst v10  }
0x77: {  	v33 =	vadd.s32 $0x2, v20;
	v17 =	vadd.s32 $0xB0, v3;
	[tilespmem:v10+s21+$0x0] =	vst.idx.msk $0xffff, v11  }
0x78: {  	v18 =	vadd.s32 $0x10, v5;
	[tilespmem:$0x1FE20] =	vst v21  }
0x79: {  	v23 =	vadd.s32 $0x1, v33;
	[tilespmem:v21+s21+$0x0] =	vst.idx.msk $0xffff, v12;
	v12 =	vld.idx.msk [tilespmem:v13+s5+$0x0], $0xffff  }
0x7a: {  	v8 =	vadd.s32 $0x90, v5;
	v13 =	vld.idx.msk [tilespmem:v14+s5+$0x0], $0xffff;
	[tilespmem:$0x1FE30] =	vst v22  }
0x7b: {  	v24 =	vadd.s32 $0x550, v2;
	[tilespmem:v22+s21+$0x0] =	vst.idx.msk $0xffff, v15  }
0x7c: {  	v11 =	vadd.s32 $0x60, v7;
	[tilespmem:v33+s21+$0x0] =	vst.idx.msk $0xffff, v16;
	v16 =	vld.idx.msk [tilespmem:v17+s5+$0x0], $0xffff  }
0x7d: {  	v10 =	vadd.s32 $0x551, v2;
	v17 =	vld.idx.msk [tilespmem:v18+s5+$0x0], $0xffff;
	[tilespmem:$0x1FE40] =	vst v23  }
0x7e: {  	[tilespmem:v23+s21+$0x0] =	vst.idx.msk $0xffff, v6  }
0x7f: {  	v25 =	vadd.s32 $0x330, v20;
	v14 =	vadd.s32 $0xE0, v7;
	v22 =	vld.idx.msk [tilespmem:v8+s5+$0x0], $0xffff;
	[tilespmem:$0x1FE50] =	vst v24  }
0x80: {  	v15 =	vadd.s32 $0x40, v3;
	[tilespmem:v24+s21+$0x0] =	vst.idx.msk $0xffff, v9  }
0x81: {  	v27 =	vadd.s32 $0x331, v20;
	v11 =	vld.idx.msk [tilespmem:v11+s5+$0x0], $0xffff;
	[tilespmem:$0x1FE60] =	vst v10  }
0x82: {  	[tilespmem:v10+s21+$0x0] =	vst.idx.msk $0xffff, v12  }
0x83: {  	v28 =	vadd.s32 $0x110, v33;
	v18 =	vadd.s32 $0xC0, v3;
	[tilespmem:$0x1FE70] =	vst v25  }
0x84: {  	v21 =	vadd.s32 $0x20, v5;
	v8 =	vadd.s32 $0x100, v5;
	[tilespmem:v25+s21+$0x0] =	vst.idx.msk $0xffff, v13;
	v13 =	vld.idx.msk [tilespmem:v14+s5+$0x0], $0xffff  }
0x85: {  	v29 =	vadd.s32 $0x111, v33;
	v9 =	vadd.s32 $0x80, v8;
	v24 =	vld.idx.msk [tilespmem:v15+s5+$0x0], $0xffff;
	[tilespmem:$0x1FE80] =	vst v27  }
0x86: {  	v12 =	vadd.s32 $0xA0, v5;
	[tilespmem:v27+s21+$0x0] =	vst.idx.msk $0xffff, v16  }
0x87: {  	v30 =	vadd.s32 $0x661, v2;
	[tilespmem:$0x1FE90] =	vst v28  }
0x88: {  	[tilespmem:v28+s21+$0x0] =	vst.idx.msk $0xffff, v17;
	v16 =	vld.idx.msk [tilespmem:v18+s5+$0x0], $0xffff  }
0x89: {  	v31 =	vadd.s32 $0x440, v20;
	v18 =	vld.idx.msk [tilespmem:v21+s5+$0x0], $0xffff;
	[tilespmem:$0x1FEA0] =	vst v29  }
0x8a: {  	v17 =	vadd.s32 $0xF0, v7;
	[tilespmem:v29+s21+$0x0] =	vst.idx.msk $0xffff, v22;
	v22 =	vld.idx.msk [tilespmem:v9+s5+$0x0], $0xffff  }
0x8b: {  	v34 =	vadd.s32 $0x441, v20;
	v28 =	vld.idx.msk [tilespmem:v12+s5+$0x0], $0xffff;
	[tilespmem:$0x1FEB0] =	vst v30  }
0x8c: {  	v23 =	vadd.s32 $0x50, v3;
	[tilespmem:v30+s21+$0x0] =	vst.idx.msk $0xffff, v13  }
0x8d: {  	v36 =	vadd.s32 $0x220, v33;
	v14 =	vadd.s32 $0x2, v33;
	v13 =	vld.idx.msk [tilespmem:v8+s5+$0x0], $0xffff;
	[tilespmem:$0x1FEC0] =	vst v31  }
0x8e: {  	v25 =	vadd.s32 $0x1, v14;
	v21 =	vadd.s32 $0xD0, v3;
	[tilespmem:v31+s21+$0x0] =	vst.idx.msk $0xffff, v24  }
0x8f: {  	v27 =	vadd.s32 $0x30, v5;
	v17 =	vld.idx.msk [tilespmem:v17+s5+$0x0], $0xffff;
	[tilespmem:$0x1FED0] =	vst v34  }
0x90: {  	v38 =	vadd.s32 $0x221, v33;
	[tilespmem:v34+s21+$0x0] =	vst.idx.msk $0xffff, v16  }
0x91: {  	v23 =	vld.idx.msk [tilespmem:v23+s5+$0x0], $0xffff;
	[tilespmem:$0x1FEE0] =	vst v36  }
0x92: {  	v29 =	vadd.s32 $0xB0, v5;
	[tilespmem:v36+s21+$0x0] =	vst.idx.msk $0xffff, v18  }
0x93: {  	v32 =	vadd.s32 $0x660, v2;
	v18 =	vld.idx.msk [tilespmem:v21+s5+$0x0], $0xffff;
	[tilespmem:v25+s21+$0x0] =	vst.idx.msk $0xffff, v22  }
0x94: {  	v24 =	vadd.s32 $0x10, v8;
	v21 =	vld.idx.msk [tilespmem:v27+s5+$0x0], $0xffff;
	[tilespmem:$0x1FEF0] =	vst v38  }
0x95: {  	v10 =	vadd.s32 $0x770, v2;
	v2 =	vadd.s32 $0x771, v2;
	[tilespmem:v38+s21+$0x0] =	vst.idx.msk $0xffff, v28  }
0x96: {  	v16 =	vadd.s32 $0x90, v8;
	[tilespmem:v14+s21+$0x0] =	vst.idx.msk $0xffff, v13  }
0x97: {  	v35 =	vadd.s32 $0x550, v20;
	v51 =	vld.idx.msk [tilespmem:v29+s5+$0x0], $0xffff;
	[tilespmem:$0x1FF00] =	vst v32  }
0x98: {  	v19 =	vadd.s32 $0x70, v7;
	[tilespmem:v32+s21+$0x0] =	vst.idx.msk $0xffff, v11  }
0x99: {  	v44 =	vadd.s32 $0x551, v20;
	v52 =	vld.idx.msk [tilespmem:v24+s5+$0x0], $0xffff;
	[tilespmem:$0x1FF10] =	vst v2  }
0x9a: {  	v26 =	vadd.s32 $0x60, v3;
	[tilespmem:v2+s21+$0x0] =	vst.idx.msk $0xffff, v17  }
0x9b: {  	v39 =	vadd.s32 $0x330, v33;
	v53 =	vld.idx.msk [tilespmem:v16+s5+$0x0], $0xffff;
	[tilespmem:$0x1FF20] =	vst v35  }
0x9c: {  	v28 =	vadd.s32 $0xE0, v3;
	[tilespmem:v35+s21+$0x0] =	vst.idx.msk $0xffff, v23  }
0x9d: {  	v46 =	vld.idx.msk [tilespmem:v19+s5+$0x0], $0xffff;
	[tilespmem:$0x1FF30] =	vst v44  }
0x9e: {  	v37 =	vadd.s32 $0x660, v20;
	[tilespmem:v44+s21+$0x0] =	vst.idx.msk $0xffff, v18  }
0x9f: {  	v40 =	vadd.s32 $0x770, v20;
	v63 =	vadd.s32 $0x440, v33;
	v41 =	vadd.s32 $0x550, v33;
	v44 =	vld.idx.msk [tilespmem:v26+s5+$0x0], $0xffff;
	[tilespmem:$0x1FF40] =	vst v39  }
0xa0: {  	v42 =	vadd.s32 $0x660, v33;
	v43 =	vadd.s32 $0x770, v33;
	v55 =	vadd.s32 $0x331, v33;
	[tilespmem:v39+s21+$0x0] =	vst.idx.msk $0xffff, v21  }
0xa1: {  	v54 =	vadd.s32 $0xC0, v5;
	v6 =	vadd.s32 $0x70, v3;
	v57 =	vadd.s32 $0xA0, v8;
	v49 =	vld.idx.msk [tilespmem:v28+s5+$0x0], $0xffff;
	[tilespmem:$0x1FF50] =	vst v20  }
0xa2: {  	v15 =	vadd.s32 $0x40, v5;
	v50 =	vadd.s32 $0x110, v14;
	v56 =	vadd.s32 $0x111, v14;
	[tilespmem:$0x1FF60] =	vst v33  }
0xa3: {  	v7 =	vadd.s32 $0x70, v5;
	v9 =	vadd.s32 $0x60, v5;
	v12 =	vadd.s32 $0x50, v5;
	[tilespmem:$0x1FF70] =	vst v10  }
0xa4: {  	v30 =	vadd.s32 $0x30, v8;
	v31 =	vadd.s32 $0x20, v8;
	v34 =	vadd.s32 $0x330, v14;
	[tilespmem:$0x1FF80] =	vst v40  }
0xa5: {  	v22 =	vadd.s32 $0x550, v14;
	v25 =	vadd.s32 $0x660, v14;
	v27 =	vadd.s32 $0x40, v8;
	[tilespmem:$0x1FF90] =	vst v37  }
0xa6: {  	v13 =	vadd.s32 $0x60, v8;
	v38 =	vadd.s32 $0x220, v14;
	v24 =	vadd.s32 $0x50, v8;
	[tilespmem:$0x1FFA0] =	vst v42  }
0xa7: {  	v29 =	vmovc v63;
	v11 =	vadd.s32 $0x70, v8;
	v32 =	vadd.s32 $0x440, v14;
	v17 =	vadd.s32 $0x770, v14;
	[tilespmem:$0x1FFB0] =	vst v43  }
0xa8: {  	v16 =	vmovc v43;
	v23 =	vmovc v42;
	v19 =	vmov v14;
	v21 =	vmov v33;
	v33 =	vmov v10;
	[tilespmem:$0x1FFC0] =	vst v63  }
0xa9: {  	s9 =	simm.s32 $0x6;
	v18 =	vmovc v40;
	v26 =	vmovc v37;
	v39 =	vadd.s32 $0x100, v8;
	v28 =	vmov v20;
	[tilespmem:$0x1FFD0] =	vst v41;
	v37 =	vmov v41  }
.LBB2_8:
0xaa: {  	v35 =	vadd.s32 $0x10, v39;
	v58 =	vadd.s32 $0x80, v39;
	s9 =	sadd.s32 $0x2, s9;
	v59 =	vld.idx.msk [tilespmem:v15+s5+$0x0], $0xffff;
	[tilespmem:v55+s21+$0x0] =	vst.idx.msk $0xffff, v51;
	v51 =	vadd.s32 $0x661, v28;
	v15 =	vmovc v27  }
0xab: {  	v55 =	vadd.s32 $0x20, v39;
	v60 =	vadd.s32 $0x30, v39;
	p0 =	slt.u32 s9, $0xE;
	[tilespmem:v50+s21+$0x0] =	vst.idx.msk $0xffff, v52;
	v52 =	vld.idx.msk [tilespmem:v54+s5+$0x0], $0xffff;
	v54 =	vadd.s32 $0xF0, v3;
	v3 =	vmovc v5  }
0xac: {  	v27 =	vadd.s32 $0x40, v39;
	v61 =	vadd.s32 $0x50, v39;
	v62 =	vld.idx.msk [tilespmem:v31+s5+$0x0], $0xffff;
	[tilespmem:v56+s21+$0x0] =	vst.idx.msk $0xffff, v53;
	v53 =	vadd.s32 $0x441, v21;
	v31 =	vmovc v55  }
0xad: {  	v63 =	vadd.s32 $0x60, v39;
	v36 =	vadd.s32 $0x70, v39;
	v56 =	vadd.s32 $0xD0, v3;
	v55 =	vld.idx.msk [tilespmem:v57+s5+$0x0], $0xffff;
	[tilespmem:v33+s21+$0x0] =	vst.idx.msk $0xffff, v46;
	v33 =	vmovc v18  }
0xae: {  	v57 =	vadd.s32 $0x221, v14;
	v18 =	vmovc v16;
	v46 =	vld.idx.msk [tilespmem:v39+s5+$0x0], $0xffff;
	[tilespmem:v26+s21+$0x0] =	vst.idx.msk $0xffff, v44;
	v26 =	vmov v23;
	v23 =	vmov v25  }
0xaf: {  	v5 =	vmovc v8;
	v14 =	vadd.s32 $0x2, v14;
	v16 =	vmov v17;
	v44 =	vld.idx.msk [tilespmem:v58+s5+$0x0], $0xffff;
	v58 =	vadd.s32 $0xB0, v8;
	[tilespmem:v51+s21+$0x0] =	vst.idx.msk $0xffff, v49  }
0xb0: {  	v50 =	vadd.s32 $0x110, v14;
	v8 =	vadd.s32 $0x220, v14;
	v49 =	vadd.s32 $0x1, v14;
	[tilespmem:v29+s21+$0x0] =	vst.idx.msk $0xffff, v59;
	v59 =	vld.idx.msk [tilespmem:v54+s5+$0x0], $0xffff;
	v29 =	vmovc v32  }
0xb1: {  	v42 =	vadd.s32 $0x771, v28;
	v40 =	vadd.s32 $0x330, v14;
	v54 =	vadd.s32 $0x90, v39;
	v41 =	vld.idx.msk [tilespmem:v12+s5+$0x0], $0xffff;
	[tilespmem:v53+s21+$0x0] =	vst.idx.msk $0xffff, v52;
	v12 =	vmovc v24  }
0xb2: {  	v43 =	vadd.s32 $0x550, v14;
	v25 =	vadd.s32 $0x660, v14;
	v32 =	vadd.s32 $0x440, v14;
	v24 =	vmovc v61;
	[tilespmem:v38+s21+$0x0] =	vst.idx.msk $0xffff, v62;
	v62 =	vld.idx.msk [tilespmem:v56+s5+$0x0], $0xffff  }
0xb3: {  	v47 =	vadd.s32 $0x551, v21;
	v28 =	vmovc v21;
	v17 =	vadd.s32 $0x770, v14;
	v61 =	vld.idx.msk [tilespmem:v30+s5+$0x0], $0xffff;
	[tilespmem:v57+s21+$0x0] =	vst.idx.msk $0xffff, v55;
	v30 =	vmov v60  }
0xb4: {  	v21 =	vmovc v19;
	v19 =	vmov v14;
	v38 =	vmov v8;
	[tilespmem:v14+s21+$0x0] =	vst.idx.msk $0xffff, v46;
	v51 =	vld.idx.msk [tilespmem:v58+s5+$0x0], $0xffff;
	v58 =	vadd.s32 $0xE0, v3  }
.Ltmp2:
0xb5: {  	v8 =	vmov v39;
	v55 =	vadd.s32 $0x331, v21;
	v52 =	vld.idx.msk [tilespmem:v35+s5+$0x0], $0xffff;
	[tilespmem:v49+s21+$0x0] =	vst.idx.msk $0xffff, v44;
	(pc) =	sbr.rel @p0 .LBB2_8-.Ltmp2, $4  }
0xb6: {  	v53 =	vld.idx.msk [tilespmem:v54+s5+$0x0], $0xffff;
	v54 =	vadd.s32 $0xC0, v5;
	[tilespmem:v42+s21+$0x0] =	vst.idx.msk $0xffff, v59  }
0xb7: {  	v56 =	vadd.s32 $0x111, v14;
	[tilespmem:v37+s21+$0x0] =	vst.idx.msk $0xffff, v41;
	v46 =	vld.idx.msk [tilespmem:v6+s5+$0x0], $0xffff;
	v6 =	vmovc v7;
	v7 =	vmov v11;
	v11 =	vmov v36  }
0xb8: {  	v57 =	vadd.s32 $0xA0, v39;
	v37 =	vmovc v22;
	v44 =	vld.idx.msk [tilespmem:v9+s5+$0x0], $0xffff;
	[tilespmem:v47+s21+$0x0] =	vst.idx.msk $0xffff, v62;
	v9 =	vmov v13;
	v13 =	vmov v63  }
0xb9: {  	v39 =	vadd.s32 $0x100, v39;
	v22 =	vmov v43;
	[tilespmem:v34+s21+$0x0] =	vst.idx.msk $0xffff, v61;
	v49 =	vld.idx.msk [tilespmem:v58+s5+$0x0], $0xffff;
	v34 =	vmov v40  }
0xba: {  	_ =	sdelay $0x3  }
0xbb: {  	[tilespmem:v50+s21+$0x0] =	vst.idx.msk $0xffff, v52  }
0xbc: {  	[tilespmem:v56+s21+$0x0] =	vst.idx.msk $0xffff, v53;
	v31 =	vld.idx.msk [tilespmem:v31+s5+$0x0], $0xffff  }
0xbd: {  	v14 =	vadd.s32 $0x221, v14;
	v35 =	vld.idx.msk [tilespmem:v57+s5+$0x0], $0xffff  }
0xbe: {  	v36 =	vadd.s32 $0xB0, v8;
	_ =	sdelay $0x2  }
0xbf: {  	[tilespmem:v38+s21+$0x0] =	vst.idx.msk $0xffff, v31  }
0xc0: {  	[tilespmem:v14+s21+$0x0] =	vst.idx.msk $0xffff, v35;
	v30 =	vld.idx.msk [tilespmem:v30+s5+$0x0], $0xffff  }
0xc1: {  	v50 =	vadd.s32 $0x331, v19;
	v14 =	vld.idx.msk [tilespmem:v36+s5+$0x0], $0xffff  }
0xc2: {  	v52 =	vadd.s32 $0xC0, v8;
	_ =	sdelay $0x1  }
0xc3: {  	[tilespmem:v55+s21+$0x0] =	vst.idx.msk $0xffff, v51;
	v15 =	vld.idx.msk [tilespmem:v15+s5+$0x0], $0xffff  }
0xc4: {  	v53 =	vld.idx.msk [tilespmem:v54+s5+$0x0], $0xffff;
	v54 =	vadd.s32 $0x441, v21;
	[tilespmem:v34+s21+$0x0] =	vst.idx.msk $0xffff, v30  }
0xc5: {  	v39 =	vadd.s32 $0xD0, v5;
	[tilespmem:v50+s21+$0x0] =	vst.idx.msk $0xffff, v14;
	v27 =	vld.idx.msk [tilespmem:v27+s5+$0x0], $0xffff  }
0xc6: {  	v55 =	vadd.s32 $0x441, v19;
	v14 =	vld.idx.msk [tilespmem:v52+s5+$0x0], $0xffff  }
0xc7: {  	v56 =	vadd.s32 $0xD0, v8  }
0xc8: {  	v61 =	vadd.s32 $0x661, v28;
	[tilespmem:v29+s21+$0x0] =	vst.idx.msk $0xffff, v15  }
0xc9: {  	v3 =	vadd.s32 $0xF0, v3;
	[tilespmem:v54+s21+$0x0] =	vst.idx.msk $0xffff, v53;
	v12 =	vld.idx.msk [tilespmem:v12+s5+$0x0], $0xffff  }
0xca: {  	v57 =	vadd.s32 $0x551, v21;
	v15 =	vld.idx.msk [tilespmem:v39+s5+$0x0], $0xffff;
	[tilespmem:v32+s21+$0x0] =	vst.idx.msk $0xffff, v27  }
0xcb: {  	v58 =	vadd.s32 $0xE0, v5;
	[tilespmem:v55+s21+$0x0] =	vst.idx.msk $0xffff, v14;
	v24 =	vld.idx.msk [tilespmem:v24+s5+$0x0], $0xffff  }
0xcc: {  	v59 =	vadd.s32 $0x551, v19;
	v14 =	vld.idx.msk [tilespmem:v56+s5+$0x0], $0xffff  }
0xcd: {  	v60 =	vadd.s32 $0xE0, v8;
	[tilespmem:v61+s21+$0x0] =	vst.idx.msk $0xffff, v49  }
0xce: {  	v63 =	vadd.s32 $0x771, v28;
	v3 =	vld.idx.msk [tilespmem:v3+s5+$0x0], $0xffff;
	[tilespmem:v37+s21+$0x0] =	vst.idx.msk $0xffff, v12  }
0xcf: {  	[tilespmem:v57+s21+$0x0] =	vst.idx.msk $0xffff, v15;
	v9 =	vld.idx.msk [tilespmem:v9+s5+$0x0], $0xffff  }
0xd0: {  	v15 =	vadd.s32 $0x661, v21;
	v12 =	vld.idx.msk [tilespmem:v58+s5+$0x0], $0xffff;
	[tilespmem:v22+s21+$0x0] =	vst.idx.msk $0xffff, v24  }
0xd1: {  	v5 =	vadd.s32 $0xF0, v5;
	[tilespmem:v59+s21+$0x0] =	vst.idx.msk $0xffff, v14;
	v13 =	vld.idx.msk [tilespmem:v13+s5+$0x0], $0xffff  }
0xd2: {  	v62 =	vadd.s32 $0x661, v19;
	[tilespmem:v26+s21+$0x0] =	vst.idx.msk $0xffff, v44;
	v14 =	vld.idx.msk [tilespmem:v60+s5+$0x0], $0xffff  }
0xd3: {  	v8 =	vadd.s32 $0xF0, v8;
	[tilespmem:v63+s21+$0x0] =	vst.idx.msk $0xffff, v3  }
0xd4: {  	v6 =	vld.idx.msk [tilespmem:v6+s5+$0x0], $0xffff;
	[tilespmem:v23+s21+$0x0] =	vst.idx.msk $0xffff, v9  }
0xd5: {  	[tilespmem:v15+s21+$0x0] =	vst.idx.msk $0xffff, v12;
	v7 =	vld.idx.msk [tilespmem:v7+s5+$0x0], $0xffff  }
0xd6: {  	v9 =	vadd.s32 $0x771, v21;
	v5 =	vld.idx.msk [tilespmem:v5+s5+$0x0], $0xffff;
	[tilespmem:v25+s21+$0x0] =	vst.idx.msk $0xffff, v13  }
0xd7: {  	[tilespmem:v62+s21+$0x0] =	vst.idx.msk $0xffff, v14;
	v3 =	vld.idx.msk [tilespmem:v11+s5+$0x0], $0xffff  }
0xd8: {  	[tilespmem:v33+s21+$0x0] =	vst.idx.msk $0xffff, v46;
	v12 =	vadd.s32 $0x771, v19;
	v8 =	vld.idx.msk [tilespmem:v8+s5+$0x0], $0xffff  }
0xd9: {  	[tilespmem:v18+s21+$0x0] =	vst.idx.msk $0xffff, v6;
	v11 =	vlaneseq.u32  }
0xda: {  	[tilespmem:v16+s21+$0x0] =	vst.idx.msk $0xffff, v7  }
0xdb: {  	[tilespmem:v9+s21+$0x0] =	vst.idx.msk $0xffff, v5;
	v5 =	vadd.s32 $0x11, v11  }
0xdc: {  	[tilespmem:v17+s21+$0x0] =	vst.idx.msk $0xffff, v3  }
0xdd: {  	v3 =	vadd.s32 $0x22, v11;
	[tilespmem:v12+s21+$0x0] =	vst.idx.msk $0xffff, v8  }
0xde: {  	v7 =	vadd.s32 $0x33, v11;
	v6 =	vld.idx.msk [tilespmem:v11+s21+$0x0], $0xffff;
	_ =	sdelay $0x1  }
0xdf: {  	v5 =	vld.idx.msk [tilespmem:v5+s21+$0x0], $0xffff  }
0xe0: {  	v8 =	vadd.s32 $0x44, v11  }
0xe1: {  	v12 =	vld.idx.msk [tilespmem:v3+s21+$0x0], $0xffff  }
0xe2: {  	v14 =	vadd.s32 $0x55, v11;
	v16 =	vld.idx.msk [tilespmem:v7+s21+$0x0], $0xffff;
	v6 =	vadd.f32 $9.999999770e-03, v6  }
0xe3: {  	p0 =	por $0x1, $0x1;
	v9 =	vimm.f32 $0.0e+00;
	v17 =	vadd.s32 $0x66, v11;
	v3 =	vadd.s32 $0x10, v11  }
.Ltmp3:
0xe4: {  	v5 =	vadd.f32 $9.999999770e-03, v5;
	v6 =	vadd.f32 v6, v9;
	(pc) =	sbr.rel @!p0 .LBB2_11-.Ltmp3, $4  }
0xe5: {  	v13 =	vadd.s32 $0x77, v11;
	v7 =	vadd.s32 $0x20, v11;
	v9 =	vld.idx.msk [tilespmem:v8+s21+$0x0], $0xffff  }
0xe6: {  	v15 =	vadd.f32 $9.999999770e-03, v12;
	v5 =	vadd.f32 v5, v6  }
0xe7: {  	v16 =	vadd.f32 $9.999999770e-03, v16;
	v8 =	vadd.s32 $0x30, v11;
	v12 =	vld.idx.msk [tilespmem:v14+s21+$0x0], $0xffff;
	[tilespmem:v11+s22+$0x0] =	vst.idx.msk $0xffff, v6  }
0xe8: {  	s9 =	simm.s32 $0x0;
	v14 =	vld.idx.msk [tilespmem:v17+s21+$0x0], $0xffff;
	v6 =	vadd.s32 $0x88, v11;
	[tilespmem:v3+s22+$0x0] =	vst.idx.msk $0xffff, v5;
	v15 =	vadd.f32 v15, v5;
	v5 =	vlaneseq.u32  }
.LBB2_10:
0xe9: {  	v17 =	vadd.s32 $0x11, v6;
	s9 =	sadd.s32 $0x8, s9;
	v18 =	vadd.s32 $0x40, v5  }
0xea: {  	v9 =	vadd.f32 $9.999999770e-03, v9;
	p0 =	slt.u32 s9, $0x78;
	[tilespmem:v7+s22+$0x0] =	vst.idx.msk $0xffff, v15;
	v7 =	vadd.f32 v16, v15;
	v13 =	vld.idx.msk [tilespmem:v13+s21+$0x0], $0xffff  }
0xeb: {  	v15 =	vadd.s32 $0x22, v6;
	v16 =	vadd.s32 $0x50, v5  }
0xec: {  	v19 =	vld.idx.msk [tilespmem:v6+s21+$0x0], $0xffff;
	[tilespmem:v8+s22+$0x0] =	vst.idx.msk $0xffff, v7;
	v7 =	vadd.f32 v9, v7;
	v8 =	vadd.f32 $9.999999770e-03, v12  }
0xed: {  	v9 =	vadd.s32 $0x33, v6;
	v12 =	vadd.s32 $0x60, v5  }
0xee: {  	v17 =	vld.idx.msk [tilespmem:v17+s21+$0x0], $0xffff;
	[tilespmem:v18+s22+$0x0] =	vst.idx.msk $0xffff, v7;
	v7 =	vadd.f32 v8, v7;
	v8 =	vadd.f32 $9.999999770e-03, v14  }
0xef: {  	v14 =	vadd.s32 $0x44, v6;
	v18 =	vadd.s32 $0x70, v5  }
0xf0: {  	v15 =	vld.idx.msk [tilespmem:v15+s21+$0x0], $0xffff;
	[tilespmem:v16+s22+$0x0] =	vst.idx.msk $0xffff, v7;
	v7 =	vadd.f32 v8, v7;
	v8 =	vadd.f32 $9.999999770e-03, v13  }
0xf1: {  	v5 =	vadd.s32 $0x80, v5;
	v16 =	vadd.s32 $0x55, v6  }
0xf2: {  	v13 =	vadd.f32 $9.999999770e-03, v19;
	v19 =	vld.idx.msk [tilespmem:v9+s21+$0x0], $0xffff;
	[tilespmem:v12+s22+$0x0] =	vst.idx.msk $0xffff, v7;
	v7 =	vadd.f32 v8, v7  }
0xf3: {  	v22 =	vadd.s32 $0x66, v6;
	v21 =	vadd.s32 $0x10, v5  }
.Ltmp4:
0xf4: {  	v12 =	vadd.f32 $9.999999770e-03, v17;
	v8 =	vadd.f32 v13, v7;
	v9 =	vld.idx.msk [tilespmem:v14+s21+$0x0], $0xffff;
	[tilespmem:v18+s22+$0x0] =	vst.idx.msk $0xffff, v7;
	(pc) =	sbr.rel @p0 .LBB2_10-.Ltmp4, $4  }
0xf5: {  	v7 =	vadd.s32 $0x20, v5;
	v13 =	vadd.s32 $0x77, v6  }
0xf6: {  	v15 =	vadd.f32 $9.999999770e-03, v15;
	[tilespmem:v5+s22+$0x0] =	vst.idx.msk $0xffff, v8;
	v14 =	vadd.f32 v12, v8;
	v12 =	vld.idx.msk [tilespmem:v16+s21+$0x0], $0xffff  }
0xf7: {  	v6 =	vadd.s32 $0x88, v6;
	v8 =	vadd.s32 $0x30, v5  }
0xf8: {  	v16 =	vadd.f32 $9.999999770e-03, v19;
	[tilespmem:v21+s22+$0x0] =	vst.idx.msk $0xffff, v14;
	v15 =	vadd.f32 v15, v14;
	v14 =	vld.idx.msk [tilespmem:v22+s21+$0x0], $0xffff  }
.LBB2_11:
0xf9: {  	_ =	sdelay $0x2  }
0xfa: {  	v6 =	vadd.f32 v16, v15;
	v9 =	vadd.f32 $9.999999770e-03, v9  }
0xfb: {  	v13 =	vld.idx.msk [tilespmem:v13+s21+$0x0], $0xffff  }
0xfc: {  	v9 =	vadd.f32 v9, v6;
	v12 =	vadd.f32 $9.999999770e-03, v12;
	_ =	sdelay $0x1  }
0xfd: {  	v16 =	vadd.s32 $0x40, v5;
	v14 =	vadd.f32 $9.999999770e-03, v14;
	v12 =	vadd.f32 v12, v9  }
0xfe: {  	v17 =	vadd.s32 $0x50, v5  }
0xff: {  	v18 =	vadd.s32 $0x60, v5;
	v13 =	vadd.f32 $9.999999770e-03, v13;
	v14 =	vadd.f32 v14, v12  }
0x100: {  	[tilespmem:v7+s22+$0x0] =	vst.idx.msk $0xffff, v15;
	v5 =	vadd.s32 $0x70, v5  }
0x101: {  	[tilespmem:v8+s22+$0x0] =	vst.idx.msk $0xffff, v6;
	v6 =	vadd.f32 v13, v14  }
0x102: {  	v49 =	vmul.u32 $0x81, v45;
	[tilespmem:v16+s22+$0x0] =	vst.idx.msk $0xffff, v9  }
0x103: {  	[tilespmem:v17+s22+$0x0] =	vst.idx.msk $0xffff, v12;
	v7 =	vsub.f32 $9.999999740e-06, v6  }
0x104: {  	[tilespmem:v18+s22+$0x0] =	vst.idx.msk $0xffff, v14  }
0x105: {  	v2 =	vimm.f32 $0.0e+00;
	[tilespmem:v5+s22+$0x0] =	vst.idx.msk $0xffff, v6;
	v5 =	vmax.f32 v7, $0.0e+00  }
0x106: {  	[tilespmem:v11+s23+$0x0] =	vst.idx.msk $0xffff, v2;
	v2 =	vld [tilespmem:$0x1FD50];
	v6 =	vadd.f32 v5, v6  }
0x107: {  	[tilespmem:v11+s13+$0x0] =	vst.idx.add.s32.msk $0xffff, v4  }
0x108: {  	(erf) = vrcp.f32 v6;
	v6 =	vld.idx.msk [tilespmem:v49+s17+$0x0], $0xffff;
	_ =	sdelay $0x2  }
0x109: {  	v50 =	vmul.u32 $0x102, v45;
	v47 =	vsub.f32 v2, v48;
	_ =	sdelay $0x1  }
0x10a: {  	v6 =	vmul.f32 v6, v47;
	_ =	sdelay $0x1  }
0x10b: {  	v6 =	vadd.f32 v6, v48;
	_ =	sdelay $0x1  }
0x10c: {  	[tilespmem:v50+s24+$0x0] =	vst.idx.msk $0xffff, v6  }
0x10d: {  	v51 =	vmul.f32 $7.812500000e-03, v5;
	v5 =	vld.idx.msk [tilespmem:v11+s22+$0x0], $0xffff;
	_ =	sdelay $0x4  }
0x10e: {  	v5 =	vadd.f32 v5, v51  }
0x10f: {  	v45 =	vpop (erf)  }
0x110: {  	v5 =	vmul.f32 v5, v45;
	_ =	sdelay $0x1  }
0x111: {  	v17 =	vmin.f32 v5, $1.000000000e+00  }
0x112: {  	v5 =	vmul.f32 $1.290000000e+02, v17;
	_ =	sdelay $0x1  }
0x113: {  	v5 =	vadd.f32 $-5.000000000e-01, v5;
	_ =	sdelay $0x1  }
0x114: {  	v23 =	vadd.s32 $0x50, v11;
	v6 =	vtrunc.f32 v5  }
0x115: {  	v29 =	vadd.s32 $0x60, v11;
	v7 =	vcvt.f32.s32 v6;
	vm0 =	vgt.f32 v5, v6  }
0x116: {  	v15 =	vor.u32 $0x1, v50;
	v5 =	vadd.s32 $0x20, v11;
	v6 =	vsel vm0, $0x1, v0  }
0x117: {  	v21 =	vadd.s32 $0x1, v49;
	v19 =	vadd.s32 $0x7, v49;
	v6 =	vadd.s32 v7, v6  }
0x118: {  	v10 =	vadd.s32 $0x8, v15;
	v9 =	vadd.s32 $0x30, v11;
	v2 =	vadd.s32 v15, v6  }
0x119: {  	v16 =	vor.u32 $0x10, v11;
	v12 =	vadd.s32 $0x80, v11;
	v13 =	vadd.s32 $0x40, v11;
	[tilespmem:$0x1FD40] =	vst v2  }
0x11a: {  	v8 =	vadd.s32 $0x80, v16;
	v25 =	vadd.s32 $0x10, v16;
	v26 =	vadd.s32 $0x20, v16;
	v14 =	vld.idx.msk [tilespmem:v3+s22+$0x0], $0xffff  }
0x11b: {  	v28 =	vadd.s32 $0x30, v16;
	v31 =	vadd.s32 $0x60, v16;
	v24 =	vadd.f32 v51, v51;
	v22 =	vld.idx.msk [tilespmem:v5+s22+$0x0], $0xffff  }
0x11c: {  	v33 =	vadd.s32 $0x70, v16;
	v32 =	vadd.s32 $0x10, v12;
	v35 =	vadd.s32 $0x30, v12  }
0x11d: {  	v54 =	vadd.s32 $0x40, v12;
	v30 =	vadd.f32 v24, v51;
	v11 =	vadd.s32 $0x70, v11;
	v27 =	vld.idx.msk [tilespmem:v9+s22+$0x0], $0xffff  }
0x11e: {  	v7 =	vshll.u32 v6, $0x4;
	v6 =	vadd.s32 $0x40, v16;
	v2 =	vadd.s32 $0x50, v16;
	v13 =	vld.idx.msk [tilespmem:v13+s22+$0x0], $0xffff  }
0x11f: {  	v18 =	vor.u32 v1, v7;
	[tilespmem:$0x1FD30] =	vst v2;
	v14 =	vadd.f32 v14, v24;
	v24 =	vadd.f32 v30, v51  }
0x120: {  	v7 =	vadd.s32 $0x60, v8;
	v5 =	vadd.s32 $0x8, v49;
	v23 =	vld.idx.msk [tilespmem:v23+s22+$0x0], $0xffff;
	v22 =	vadd.f32 v22, v30  }
0x121: {  	v9 =	vadd.s32 $0x70, v8;
	v14 =	vmul.f32 v14, v45;
	v34 =	vadd.f32 v24, v51  }
0x122: {  	v30 =	vadd.s32 $0x20, v12;
	v22 =	vmul.f32 v22, v45;
	v24 =	vadd.f32 v27, v24  }
0x123: {  	v27 =	vld.idx.msk [tilespmem:v29+s22+$0x0], $0xffff;
	v29 =	vmin.f32 v14, $1.000000000e+00;
	v13 =	vadd.f32 v13, v34;
	v14 =	vadd.f32 v34, v51  }
0x124: {  	v24 =	vmul.f32 v24, v45;
	v22 =	vmin.f32 v22, $1.000000000e+00;
	v62 =	vmul.f32 $1.290000000e+02, v29  }
0x125: {  	v11 =	vld.idx.msk [tilespmem:v11+s22+$0x0], $0xffff;
	v37 =	vmul.f32 $1.290000000e+02, v22;
	v13 =	vmul.f32 v13, v45;
	v23 =	vadd.f32 v23, v14  }
0x126: {  	v14 =	vadd.f32 v14, v51;
	v24 =	vmin.f32 v24, $1.000000000e+00;
	v34 =	vadd.f32 $-5.000000000e-01, v62  }
0x127: {  	v37 =	vadd.f32 $-5.000000000e-01, v37;
	v38 =	vmul.f32 $1.290000000e+02, v24;
	v23 =	vmul.f32 v23, v45  }
0x128: {  	v36 =	vld.idx.msk [tilespmem:v12+s22+$0x0], $0xffff;
	v27 =	vadd.f32 v27, v14;
	v14 =	vadd.f32 v14, v51;
	v13 =	vmin.f32 v13, $1.000000000e+00  }
0x129: {  	v38 =	vadd.f32 $-5.000000000e-01, v38;
	v40 =	vmul.f32 $1.290000000e+02, v13;
	v42 =	vtrunc.f32 v34  }
0x12a: {  	v27 =	vmul.f32 v27, v45;
	v11 =	vadd.f32 v11, v14;
	v39 =	vadd.f32 v14, v51  }
0x12b: {  	v14 =	vmin.f32 v23, $1.000000000e+00;
	vm2 =	vgt.f32 v34, v42;
	v63 =	vadd.f32 $-5.000000000e-01, v40  }
0x12c: {  	v58 =	vmul.f32 $1.290000000e+02, v14;
	v46 =	vtrunc.f32 v38;
	v62 =	vsel vm2, $0x1, v0  }
0x12d: {  	v23 =	vadd.f32 v36, v39;
	v27 =	vmin.f32 v27, $1.000000000e+00;
	v11 =	vmul.f32 v11, v45  }
0x12e: {  	vm4 =	vgt.f32 v38, v46;
	v41 =	vmul.f32 $1.290000000e+02, v27;
	v40 =	vadd.f32 $-5.000000000e-01, v58  }
0x12f: {  	[tilespmem:v16+s23+$0x0] =	vst.idx.msk $0xffff, v17;
	v55 =	vtrunc.f32 v63;
	v23 =	vmul.f32 v23, v45;
	v43 =	vmin.f32 v11, $1.000000000e+00  }
0x130: {  	[tilespmem:v18+s13+$0x0] =	vst.idx.add.s32.msk $0xffff, v4;
	vm5 =	vgt.f32 v63, v55;
	v41 =	vadd.f32 $-5.000000000e-01, v41;
	v44 =	vmul.f32 $1.290000000e+02, v43  }
0x131: {  	v56 =	vtrunc.f32 v40;
	v18 =	vsel vm5, $0x1, v0;
	[tilespmem:v33+s23+$0x0] =	vst.idx.msk $0xffff, v43;
	v43 =	vadd.s32 $0x30, v8  }
0x132: {  	v11 =	vmin.f32 v23, $1.000000000e+00;
	v23 =	vtrunc.f32 v37;
	v36 =	vcvt.f32.s32 v56  }
0x133: {  	vm7 =	vgt.f32 v40, v56;
	v56 =	vsel vm4, $0x1, v0;
	v52 =	vmul.f32 $1.290000000e+02, v11  }
0x134: {  	v53 =	vtrunc.f32 v41;
	v44 =	vadd.f32 $-5.000000000e-01, v44;
	v60 =	vcvt.f32.s32 v23  }
0x135: {  	vm3 =	vgt.f32 v37, v23;
	v23 =	vcvt.f32.s32 v46;
	v37 =	vcvt.f32.s32 v55  }
0x136: {  	v57 =	vcvt.f32.s32 v53;
	vm15 =	vgt.f32 v41, v53;
	v41 =	vcvt.f32.s32 v42  }
0x137: {  	v17 =	vsel vm3, $0x1, v0;
	v52 =	vadd.f32 $-5.000000000e-01, v52;
	v58 =	vtrunc.f32 v44  }
0x138: {  	v63 =	vsel vm15, $0x1, v0;
	v34 =	vadd.s32 v60, v17;
	v23 =	vadd.s32 v23, v56  }
0x139: {  	v37 =	vadd.s32 v37, v18;
	v53 =	vcvt.f32.s32 v58;
	vm1 =	vgt.f32 v44, v58  }
0x13a: {  	[tilespmem:v25+s23+$0x0] =	vst.idx.msk $0xffff, v29;
	v40 =	vadd.s32 v41, v62;
	v60 =	vadd.s32 v57, v63;
	v25 =	vshll.u32 v34, $0x4  }
0x13b: {  	[tilespmem:v28+s23+$0x0] =	vst.idx.msk $0xffff, v24;
	v24 =	vshll.u32 v23, $0x4;
	v28 =	vshll.u32 v37, $0x4;
	v23 =	vadd.s32 v23, v15  }
0x13c: {  	v57 =	vadd.s32 $0x80, v8;
	v44 =	vadd.s32 $0x40, v8;
	v59 =	vtrunc.f32 v52  }
0x13d: {  	[tilespmem:v26+s23+$0x0] =	vst.idx.msk $0xffff, v22;
	v16 =	vsel vm1, $0x1, v0;
	v18 =	vshll.u32 v60, $0x4;
	v22 =	vshll.u32 v40, $0x4  }
0x13e: {  	v17 =	vld.idx.msk [tilespmem:v21+s17+$0x0], $0xffff;
	v62 =	vor.u32 v1, v25;
	v24 =	vor.u32 v1, v24;
	v28 =	vor.u32 v1, v28  }
0x13f: {  	[tilespmem:v31+s23+$0x0] =	vst.idx.msk $0xffff, v27;
	v61 =	vcvt.f32.s32 v59;
	vm6 =	vgt.f32 v52, v59;
	v59 =	vsel vm7, $0x1, v0  }
0x140: {  	v16 =	vadd.s32 v53, v16;
	v31 =	vor.u32 v1, v22;
	v38 =	vor.u32 v1, v18  }
0x141: {  	v18 =	vadd.s32 v60, v15;
	v52 =	vadd.s32 $0x8, v10;
	v29 =	vadd.s32 v36, v59  }
0x142: {  	v21 =	vshll.u32 v16, $0x4;
	v16 =	vadd.s32 v16, v15;
	v27 =	vshll.u32 v29, $0x4  }
0x143: {  	v17 =	vmul.f32 v17, v47;
	v22 =	vadd.s32 $0x7, v16;
	v29 =	vadd.s32 v29, v15  }
0x144: {  	v16 =	vadd.s32 v40, v15;
	v55 =	vadd.s32 $0x5, v29;
	v29 =	vadd.f32 v39, v51  }
0x145: {  	v32 =	vld.idx.msk [tilespmem:v32+s22+$0x0], $0xffff;
	v53 =	vadd.s32 $0x8, v5;
	v25 =	vadd.f32 v17, v48;
	v17 =	vadd.s32 $0x1, v16  }
0x146: {  	v16 =	vadd.s32 v34, v15;
	[tilespmem:v38+s13+$0x0] =	vst.idx.add.s32.msk $0xffff, v4;
	v34 =	vadd.f32 v29, v51;
	v38 =	vadd.s32 $0x60, v12  }
0x147: {  	v33 =	vld.idx.msk [tilespmem:v54+s22+$0x0], $0xffff;
	v60 =	vadd.s32 $0x50, v8;
	v58 =	vsel vm6, $0x1, v0;
	v18 =	vadd.s32 $0x6, v18  }
0x148: {  	v59 =	vadd.s32 $0x50, v12;
	v46 =	vor.u32 v1, v27;
	v27 =	vld.idx.msk [tilespmem:v30+s22+$0x0], $0xffff;
	v41 =	vadd.f32 v34, v51  }
0x149: {  	v61 =	vadd.s32 v61, v58;
	v42 =	vor.u32 v1, v21;
	v40 =	vadd.s32 $0x70, v12;
	v30 =	vld.idx.msk [tilespmem:v35+s22+$0x0], $0xffff  }
0x14a: {  	v26 =	vshll.u32 v61, $0x4;
	[tilespmem:v24+s13+$0x0] =	vst.idx.add.s32.msk $0xffff, v4;
	v24 =	vadd.s32 $0x3, v49;
	v63 =	vadd.f32 v41, v51  }
0x14b: {  	v56 =	vadd.s32 v10, v61;
	v35 =	vadd.s32 $0x5, v49;
	v29 =	vadd.f32 v32, v29;
	v32 =	vld.idx.msk [tilespmem:v38+s22+$0x0], $0xffff  }
0x14c: {  	v39 =	vadd.s32 $0x6, v49;
	v21 =	vor.u32 v1, v26;
	[tilespmem:v62+s13+$0x0] =	vst.idx.add.s32.msk $0xffff, v4;
	v38 =	vadd.f32 v63, v51  }
0x14d: {  	v26 =	vadd.s32 v37, v15;
	v15 =	vadd.s32 $0x3, v23;
	v23 =	vadd.s32 $0x2, v49;
	[tilespmem:v31+s13+$0x0] =	vst.idx.add.s32.msk $0xffff, v4  }
0x14e: {  	v62 =	vadd.s32 $0x80, v12;
	v37 =	vadd.s32 $0x10, v8;
	v40 =	vld.idx.msk [tilespmem:v40+s22+$0x0], $0xffff;
	v20 =	vadd.f32 v38, v51  }
0x14f: {  	v16 =	vadd.s32 $0x2, v16;
	v54 =	vadd.s32 $0x4, v26;
	v61 =	vld.idx.msk [tilespmem:v24+s17+$0x0], $0xffff;
	v30 =	vadd.f32 v30, v41  }
0x150: {  	v31 =	vadd.s32 $0x4, v49;
	v59 =	vld.idx.msk [tilespmem:v59+s22+$0x0], $0xffff;
	v41 =	vadd.f32 v20, v51;
	v20 =	vadd.f32 v32, v20  }
0x151: {  	v26 =	vadd.s32 $0x1, v5;
	v12 =	vadd.s32 $0x20, v62;
	v19 =	vld.idx.msk [tilespmem:v19+s17+$0x0], $0xffff;
	v29 =	vmul.f32 v29, v45  }
0x152: {  	[tilespmem:v42+s13+$0x0] =	vst.idx.add.s32.msk $0xffff, v4;
	v42 =	vadd.s32 $0x20, v8;
	v34 =	vadd.f32 v27, v34;
	v20 =	vmul.f32 v20, v45  }
0x153: {  	v36 =	vld.idx.msk [tilespmem:v5+s17+$0x0], $0xffff;
	v29 =	vmin.f32 v29, $1.000000000e+00;
	v32 =	vadd.f32 v33, v63;
	v63 =	vadd.f32 v40, v41  }
0x154: {  	v58 =	vld.idx.msk [tilespmem:v23+s17+$0x0], $0xffff;
	v27 =	vmul.f32 v61, v47;
	v61 =	vmul.f32 $1.290000000e+02, v29;
	v20 =	vmin.f32 v20, $1.000000000e+00  }
0x155: {  	v31 =	vld.idx.msk [tilespmem:v31+s17+$0x0], $0xffff;
	v38 =	vadd.f32 v59, v38;
	v33 =	vmul.f32 v63, v45;
	v63 =	vmul.f32 $1.290000000e+02, v20  }
0x156: {  	[tilespmem:v6+s23+$0x0] =	vst.idx.msk $0xffff, v13;
	v24 =	vadd.s32 $0x10, v62;
	v34 =	vmul.f32 v34, v45;
	v40 =	vadd.f32 $-5.000000000e-01, v61;
	v61 =	vld.idx.msk [tilespmem:v62+s22+$0x0], $0xffff  }
0x157: {  	v30 =	vmul.f32 v30, v45;
	v13 =	vmul.f32 v38, v45;
	v38 =	vadd.f32 $-5.000000000e-01, v63;
	v63 =	vld [tilespmem:$0x1FD30]  }
0x158: {  	v23 =	vadd.s32 $0x30, v62;
	v19 =	vmul.f32 v19, v47;
	v34 =	vmin.f32 v34, $1.000000000e+00  }
0x159: {  	v36 =	vmul.f32 v36, v47;
	v59 =	vmul.f32 $1.290000000e+02, v34;
	v30 =	vmin.f32 v30, $1.000000000e+00;
	[tilespmem:v28+s13+$0x0] =	vst.idx.add.s32.msk $0xffff, v4  }
0x15a: {  	v58 =	vmul.f32 v58, v47;
	v2 =	vmul.f32 $1.290000000e+02, v30;
	v6 =	vadd.f32 v41, v51;
	v35 =	vld.idx.msk [tilespmem:v35+s17+$0x0], $0xffff  }
0x15b: {  	v36 =	vadd.f32 v36, v48;
	v31 =	vmul.f32 v31, v47;
	v33 =	vmin.f32 v33, $1.000000000e+00  }
0x15c: {  	v59 =	vadd.f32 $-5.000000000e-01, v59;
	v3 =	vmul.f32 $1.290000000e+02, v33;
	v41 =	vadd.f32 v61, v6  }
0x15d: {  	v2 =	vadd.f32 $-5.000000000e-01, v2;
	v32 =	vmul.f32 v32, v45;
	v13 =	vmin.f32 v13, $1.000000000e+00  }
0x15e: {  	v61 =	vmul.f32 $1.290000000e+02, v13;
	[tilespmem:v8+s23+$0x0] =	vst.idx.msk $0xffff, v11;
	v3 =	vadd.f32 $-5.000000000e-01, v3;
	v41 =	vmul.f32 v41, v45  }
0x15f: {  	v8 =	vmul.f32 v35, v47;
	[tilespmem:v63+s23+$0x0] =	vst.idx.msk $0xffff, v14;
	v14 =	vmin.f32 v32, $1.000000000e+00;
	v32 =	vtrunc.f32 v38  }
0x160: {  	v41 =	vmin.f32 v41, $1.000000000e+00;
	v63 =	vtrunc.f32 v3;
	v28 =	vmul.f32 $1.290000000e+02, v14;
	[tilespmem:v46+s13+$0x0] =	vst.idx.add.s32.msk $0xffff, v4  }
0x161: {  	vm9 =	vgt.f32 v3, v63;
	v3 =	vtrunc.f32 v40;
	v46 =	vadd.f32 $-5.000000000e-01, v61;
	v61 =	vld [tilespmem:$0x1FD40];
	[tilespmem:v22+s24+$0x0] =	vst.idx.msk $0xffff, v36  }
0x162: {  	vm8 =	vgt.f32 v38, v32;
	v38 =	vcvt.f32.s32 v63;
	vm10 =	vgt.f32 v40, v3;
	[tilespmem:v37+s23+$0x0] =	vst.idx.msk $0xffff, v29  }
0x163: {  	v40 =	vtrunc.f32 v59;
	v63 =	vsel vm9, $0x1, v0;
	v3 =	vcvt.f32.s32 v3;
	[tilespmem:v42+s23+$0x0] =	vst.idx.msk $0xffff, v34  }
0x164: {  	v29 =	vcvt.f32.s32 v32;
	v34 =	vadd.s32 $0x40, v62;
	[tilespmem:v44+s23+$0x0] =	vst.idx.msk $0xffff, v14;
	v14 =	vsel vm8, $0x1, v0  }
0x165: {  	v37 =	vadd.f32 v19, v48;
	vm11 =	vgt.f32 v59, v40;
	v38 =	vadd.s32 v38, v63  }
0x166: {  	[tilespmem:v43+s23+$0x0] =	vst.idx.msk $0xffff, v30;
	v59 =	vtrunc.f32 v2;
	v28 =	vadd.f32 $-5.000000000e-01, v28;
	v63 =	vcvt.f32.s32 v40  }
0x167: {  	[tilespmem:v21+s13+$0x0] =	vst.idx.add.s32.msk $0xffff, v4;
	v22 =	vtrunc.f32 v46;
	vm12 =	vgt.f32 v2, v59;
	v2 =	vsel vm10, $0x1, v0  }
0x168: {  	[tilespmem:v7+s23+$0x0] =	vst.idx.msk $0xffff, v20;
	v42 =	vcvt.f32.s32 v59;
	vm14 =	vgt.f32 v46, v22;
	v22 =	vcvt.f32.s32 v22;
	v59 =	vld.idx.msk [tilespmem:v26+s17+$0x0], $0xffff  }
0x169: {  	v14 =	vadd.s32 v29, v14;
	v7 =	vshll.u32 v38, $0x4;
	v26 =	vld.idx.msk [tilespmem:v24+s22+$0x0], $0xffff;
	v24 =	vadd.f32 v8, v48  }
0x16a: {  	[tilespmem:v18+s24+$0x0] =	vst.idx.msk $0xffff, v37;
	v37 =	vadd.s32 $0x6, v5;
	v18 =	vadd.s32 $0x30, v57;
	v2 =	vadd.s32 v3, v2  }
0x16b: {  	v39 =	vld.idx.msk [tilespmem:v39+s17+$0x0], $0xffff;
	[tilespmem:v57+s23+$0x0] =	vst.idx.msk $0xffff, v41;
	v3 =	vmul.f32 $1.290000000e+02, v41;
	v30 =	vsel vm12, $0x1, v0;
	v35 =	vsel vm14, $0x1, v0  }
0x16c: {  	v36 =	vor.u32 v1, v7;
	v7 =	vadd.s32 v38, v10;
	v41 =	vadd.f32 v27, v48  }
0x16d: {  	[tilespmem:v60+s23+$0x0] =	vst.idx.msk $0xffff, v13;
	v27 =	vadd.s32 $0x7, v5;
	v29 =	vadd.s32 v42, v30;
	v13 =	vadd.s32 v22, v35  }
0x16e: {  	v20 =	vshll.u32 v2, $0x4;
	v42 =	vadd.f32 v31, v48;
	v7 =	vadd.s32 $0x7, v7  }
0x16f: {  	v2 =	vadd.s32 v2, v10;
	v31 =	vadd.s32 $0x10, v57;
	v3 =	vadd.f32 $-5.000000000e-01, v3  }
0x170: {  	[tilespmem:v9+s23+$0x0] =	vst.idx.msk $0xffff, v33;
	v11 =	vmul.f32 v39, v47;
	v9 =	vshll.u32 v29, $0x4;
	v20 =	vor.u32 v1, v20  }
0x171: {  	[tilespmem:v16+s24+$0x0] =	vst.idx.msk $0xffff, v41;
	v39 =	vadd.s32 $0x50, v62;
	v16 =	vadd.s32 $0x50, v57;
	v40 =	vtrunc.f32 v3  }
0x172: {  	v9 =	vor.u32 v1, v9;
	[tilespmem:v61+s24+$0x0] =	vst.idx.msk $0xffff, v25;
	v25 =	vtrunc.f32 v28;
	vm15 =	vgt.f32 v3, v40  }
0x173: {  	v23 =	vld.idx.msk [tilespmem:v23+s22+$0x0], $0xffff;
	v3 =	vcvt.f32.s32 v40;
	v61 =	vshll.u32 v13, $0x4;
	v40 =	vadd.f32 v58, v48  }
0x174: {  	[tilespmem:v36+s13+$0x0] =	vst.idx.add.s32.msk $0xffff, v4;
	vm13 =	vgt.f32 v28, v25;
	v28 =	vsel vm11, $0x1, v0;
	v25 =	vcvt.f32.s32 v25  }
0x175: {  	v46 =	vsel vm15, $0x1, v0;
	v33 =	vor.u32 v1, v61;
	v38 =	vld.idx.msk [tilespmem:v53+s17+$0x0], $0xffff;
	v28 =	vadd.s32 v63, v28  }
0x176: {  	v21 =	vsel vm13, $0x1, v0;
	v3 =	vadd.s32 v3, v46;
	v46 =	vld.idx.msk [tilespmem:v12+s22+$0x0], $0xffff;
	v22 =	vshll.u32 v28, $0x4  }
0x177: {  	v12 =	vmul.f32 v59, v47;
	[tilespmem:v20+s13+$0x0] =	vst.idx.add.s32.msk $0xffff, v4;
	v30 =	vshll.u32 v3, $0x4;
	v63 =	vor.u32 v1, v22  }
0x178: {  	[tilespmem:v17+s24+$0x0] =	vst.idx.msk $0xffff, v40;
	v25 =	vadd.s32 v25, v21;
	v21 =	vshll.u32 v14, $0x4;
	v30 =	vor.u32 v1, v30  }
0x179: {  	v17 =	vadd.s32 $0x40, v57;
	[tilespmem:v9+s13+$0x0] =	vst.idx.add.s32.msk $0xffff, v4;
	v60 =	vshll.u32 v25, $0x4;
	v35 =	vor.u32 v1, v21  }
0x17a: {  	v14 =	vadd.s32 v14, v10;
	v8 =	vadd.s32 v28, v10;
	v21 =	vld.idx.msk [tilespmem:v34+s22+$0x0], $0xffff;
	v32 =	vor.u32 v1, v60  }
0x17b: {  	v9 =	vadd.s32 v13, v10;
	v58 =	vadd.s32 $0x2, v8;
	v8 =	vadd.s32 v25, v10;
	[tilespmem:v33+s13+$0x0] =	vst.idx.add.s32.msk $0xffff, v4  }
0x17c: {  	v60 =	vadd.s32 $0x1, v2;
	v2 =	vadd.s32 v29, v10;
	v10 =	vadd.s32 $0x3, v5;
	[tilespmem:v63+s13+$0x0] =	vst.idx.add.s32.msk $0xffff, v4  }
0x17d: {  	v22 =	vadd.f32 v11, v48;
	v59 =	vadd.s32 $0x3, v2;
	v2 =	vadd.s32 $0x2, v5;
	[tilespmem:v30+s13+$0x0] =	vst.idx.add.s32.msk $0xffff, v4  }
0x17e: {  	v19 =	vadd.f32 v12, v48;
	v61 =	vadd.s32 $0x6, v14;
	v29 =	vadd.s32 $0x4, v5;
	[tilespmem:v35+s13+$0x0] =	vst.idx.add.s32.msk $0xffff, v4  }
0x17f: {  	v13 =	vadd.s32 $0x5, v9;
	v11 =	vadd.s32 v52, v3;
	v34 =	vadd.s32 $0x5, v5;
	[tilespmem:v32+s13+$0x0] =	vst.idx.add.s32.msk $0xffff, v4  }
0x180: {  	v9 =	vadd.s32 $0x80, v57;
	v12 =	vadd.s32 $0x8, v52;
	v3 =	vadd.s32 $0x8, v53;
	v28 =	vld.idx.msk [tilespmem:v27+s17+$0x0], $0xffff  }
0x181: {  	v14 =	vadd.s32 $0x4, v8;
	v8 =	vadd.s32 $0x80, v62;
	v32 =	vadd.s32 $0x1, v53;
	v33 =	vld.idx.msk [tilespmem:v10+s17+$0x0], $0xffff  }
0x182: {  	s9 =	simm.s32 $0x11;
	[tilespmem:v15+s24+$0x0] =	vst.idx.msk $0xffff, v42;
	v5 =	vadd.s32 $0x60, v57;
	v63 =	vadd.s32 $0x7, v53;
	v27 =	vadd.s32 $0x20, v57;
	v30 =	vld.idx.msk [tilespmem:v2+s17+$0x0], $0xffff  }
.LBB2_12:
0x183: {  	v25 =	vadd.s32 $0x10, v8;
	v2 =	vadd.f32 v6, v51;
	v10 =	vadd.s32 $0x70, v57;
	v6 =	vld.idx.msk [tilespmem:v29+s17+$0x0], $0xffff;
	[tilespmem:v54+s24+$0x0] =	vst.idx.msk $0xffff, v24  }
0x184: {  	v24 =	vadd.s32 $0x20, v8;
	v15 =	vadd.s32 $0x30, v8;
	v20 =	vadd.s32 $0x60, v62;
	v54 =	vmovc v14;
	v29 =	vld.idx.msk [tilespmem:v34+s17+$0x0], $0xffff;
	[tilespmem:v55+s24+$0x0] =	vst.idx.msk $0xffff, v22  }
0x185: {  	v35 =	vmul.f32 v38, v47;
	v26 =	vadd.f32 v26, v2;
	v2 =	vadd.f32 v2, v51;
	v34 =	vld.idx.msk [tilespmem:v37+s17+$0x0], $0xffff  }
0x186: {  	v14 =	vadd.s32 $0x40, v8;
	v36 =	vadd.s32 $0x70, v62;
	v22 =	vld.idx.msk [tilespmem:v32+s17+$0x0], $0xffff;
	[tilespmem:v56+s24+$0x0] =	vst.idx.msk $0xffff, v19;
	v19 =	vmul.f32 v28, v47  }
0x187: {  	v26 =	vmul.f32 v26, v45;
	v32 =	vadd.f32 v46, v2;
	v2 =	vadd.f32 v2, v51;
	v37 =	vld.idx.msk [tilespmem:v39+s22+$0x0], $0xffff  }
0x188: {  	v55 =	vmovc v13;
	v30 =	vmul.f32 v30, v47;
	v28 =	vmul.f32 v33, v47;
	v33 =	vadd.f32 v35, v48  }
0x189: {  	v35 =	vmul.f32 v32, v45;
	v23 =	vadd.f32 v23, v2;
	v2 =	vadd.f32 v2, v51;
	v20 =	vld.idx.msk [tilespmem:v20+s22+$0x0], $0xffff  }
0x18a: {  	v26 =	vmin.f32 v26, $1.000000000e+00;
	v32 =	vmul.f32 v6, v47;
	v13 =	vmul.f32 v29, v47;
	[tilespmem:v7+s24+$0x0] =	vst.idx.msk $0xffff, v33  }
0x18b: {  	v6 =	vmul.f32 v23, v45;
	v7 =	vadd.f32 v21, v2;
	v2 =	vadd.f32 v2, v51;
	v21 =	vld.idx.msk [tilespmem:v36+s22+$0x0], $0xffff  }
0x18c: {  	v56 =	vmovc v11;
	v23 =	vmul.f32 $1.290000000e+02, v26;
	[tilespmem:v31+s23+$0x0] =	vst.idx.msk $0xffff, v26;
	v26 =	vmin.f32 v35, $1.000000000e+00;
	v31 =	vmul.f32 v34, v47  }
0x18d: {  	v11 =	vld.idx.msk [tilespmem:v8+s22+$0x0], $0xffff;
	v7 =	vmul.f32 v7, v45;
	v29 =	vadd.f32 v37, v2;
	v2 =	vadd.f32 v2, v51  }
0x18e: {  	v62 =	vmovc v8;
	v57 =	vmovc v9;
	v23 =	vadd.f32 $-5.000000000e-01, v23;
	v33 =	vmul.f32 $1.290000000e+02, v26;
	v6 =	vmin.f32 v6, $1.000000000e+00;
	[tilespmem:v27+s23+$0x0] =	vst.idx.msk $0xffff, v26  }
0x18f: {  	v27 =	vmovc v53;
	v26 =	vmul.f32 v29, v45;
	v20 =	vadd.f32 v20, v2;
	v2 =	vadd.f32 v2, v51  }
0x190: {  	v53 =	vmovc v3;
	v29 =	vadd.f32 $-5.000000000e-01, v33;
	v33 =	vmul.f32 $1.290000000e+02, v6;
	v7 =	vmin.f32 v7, $1.000000000e+00;
	[tilespmem:v18+s23+$0x0] =	vst.idx.msk $0xffff, v6  }
0x191: {  	v18 =	vmul.f32 v20, v45;
	v20 =	vadd.f32 v21, v2;
	v6 =	vadd.f32 v2, v51  }
0x192: {  	v2 =	vadd.f32 $-5.000000000e-01, v33;
	v21 =	vmul.f32 $1.290000000e+02, v7;
	[tilespmem:v17+s23+$0x0] =	vst.idx.msk $0xffff, v7;
	v7 =	vmin.f32 v26, $1.000000000e+00  }
0x193: {  	v11 =	vadd.f32 v11, v6;
	[tilespmem:v16+s23+$0x0] =	vst.idx.msk $0xffff, v7;
	v16 =	vmin.f32 v18, $1.000000000e+00;
	v17 =	vmul.f32 v20, v45  }
0x194: {  	v18 =	vadd.f32 $-5.000000000e-01, v21;
	v7 =	vmul.f32 $1.290000000e+02, v7;
	v20 =	vmul.f32 $1.290000000e+02, v16;
	[tilespmem:v5+s23+$0x0] =	vst.idx.msk $0xffff, v16  }
0x195: {  	v5 =	vmul.f32 v11, v45;
	v11 =	vtrunc.f32 v23;
	v16 =	vmin.f32 v17, $1.000000000e+00  }
0x196: {  	v7 =	vadd.f32 $-5.000000000e-01, v7;
	v17 =	vadd.f32 $-5.000000000e-01, v20;
	v20 =	vmul.f32 $1.290000000e+02, v16;
	[tilespmem:v10+s23+$0x0] =	vst.idx.msk $0xffff, v16  }
0x197: {  	v10 =	vtrunc.f32 v29;
	v16 =	vtrunc.f32 v2;
	v5 =	vmin.f32 v5, $1.000000000e+00  }
0x198: {  	[tilespmem:v9+s23+$0x0] =	vst.idx.msk $0xffff, v5;
	v5 =	vmul.f32 $1.290000000e+02, v5;
	v21 =	vtrunc.f32 v17;
	v20 =	vadd.f32 $-5.000000000e-01, v20  }
0x199: {  	v26 =	vtrunc.f32 v18;
	v33 =	vtrunc.f32 v7;
	vm0 =	vgt.f32 v17, v21  }
0x19a: {  	v17 =	vcvt.f32.s32 v21;
	v5 =	vadd.f32 $-5.000000000e-01, v5;
	v21 =	vtrunc.f32 v20  }
0x19b: {  	s9 =	sadd.s32 $0x8, s9;
	v34 =	vcvt.f32.s32 v11;
	v35 =	vcvt.f32.s32 v21;
	vm1 =	vgt.f32 v20, v21  }
0x19c: {  	p0 =	slt.u32 s9, $0x79;
	vm2 =	vgt.f32 v23, v11;
	v11 =	vcvt.f32.s32 v10;
	v20 =	vtrunc.f32 v5  }
0x19d: {  	vm3 =	vgt.f32 v29, v10;
	v10 =	vcvt.f32.s32 v16;
	vm4 =	vgt.f32 v2, v16  }
0x19e: {  	vm5 =	vgt.f32 v18, v26;
	v2 =	vcvt.f32.s32 v26;
	v16 =	vcvt.f32.s32 v33  }
0x19f: {  	vm7 =	vgt.f32 v7, v33;
	v18 =	vcvt.f32.s32 v20;
	vm6 =	vgt.f32 v5, v20  }
0x1a0: {  	v7 =	vsel vm0, $0x1, v0;
	v5 =	vsel vm2, $0x1, v0;
	v20 =	vsel vm1, $0x1, v0  }
0x1a1: {  	v26 =	vsel vm5, $0x1, v0;
	v23 =	vsel vm4, $0x1, v0;
	v21 =	vsel vm3, $0x1, v0  }
0x1a2: {  	v33 =	vsel vm7, $0x1, v0;
	v29 =	vsel vm6, $0x1, v0;
	v20 =	vadd.s32 v35, v20  }
0x1a3: {  	v7 =	vadd.s32 v17, v7;
	v11 =	vadd.s32 v11, v21;
	v5 =	vadd.s32 v34, v5  }
0x1a4: {  	v10 =	vadd.s32 v10, v23;
	v2 =	vadd.s32 v2, v26;
	v16 =	vadd.s32 v16, v33  }
0x1a5: {  	v17 =	vadd.s32 v18, v29;
	v18 =	vshll.u32 v7, $0x4;
	v21 =	vshll.u32 v20, $0x4  }
0x1a6: {  	v33 =	vshll.u32 v10, $0x4;
	v23 =	vshll.u32 v5, $0x4;
	v29 =	vshll.u32 v11, $0x4  }
0x1a7: {  	v36 =	vshll.u32 v16, $0x4;
	v35 =	vshll.u32 v2, $0x4;
	v34 =	vshll.u32 v17, $0x4  }
0x1a8: {  	v37 =	vor.u32 v1, v23;
	v18 =	vor.u32 v1, v18;
	v38 =	vor.u32 v1, v21  }
0x1a9: {  	v26 =	vld.idx.msk [tilespmem:v25+s22+$0x0], $0xffff;
	v25 =	vor.u32 v1, v29;
	v29 =	vor.u32 v1, v33;
	v33 =	vor.u32 v1, v35  }
0x1aa: {  	v36 =	vor.u32 v1, v36;
	v34 =	vor.u32 v1, v34;
	v35 =	vmul.f32 v22, v47;
	v46 =	vld.idx.msk [tilespmem:v24+s22+$0x0], $0xffff  }
0x1ab: {  	v23 =	vld.idx.msk [tilespmem:v15+s22+$0x0], $0xffff;
	v15 =	vadd.s32 v20, v52;
	v20 =	vadd.f32 v30, v48;
	v30 =	vadd.f32 v19, v48  }
0x1ac: {  	v39 =	vadd.f32 v28, v48;
	v40 =	vadd.f32 v32, v48;
	v21 =	vld.idx.msk [tilespmem:v14+s22+$0x0], $0xffff;
	v14 =	vadd.s32 v7, v52  }
0x1ad: {  	v22 =	vadd.f32 v31, v48;
	v24 =	vadd.f32 v13, v48;
	v7 =	vadd.s32 $0x7, v15;
	[tilespmem:v37+s13+$0x0] =	vst.idx.add.s32.msk $0xffff, v4  }
0x1ae: {  	v5 =	vadd.s32 v5, v52;
	v19 =	vadd.f32 v35, v48;
	v15 =	vadd.s32 $0x6, v14;
	[tilespmem:v25+s13+$0x0] =	vst.idx.add.s32.msk $0xffff, v4  }
0x1af: {  	v10 =	vadd.s32 v10, v52;
	v11 =	vadd.s32 v11, v52;
	v5 =	vadd.s32 $0x1, v5;
	[tilespmem:v29+s13+$0x0] =	vst.idx.add.s32.msk $0xffff, v4  }
0x1b0: {  	v2 =	vadd.s32 v2, v52;
	v25 =	vadd.s32 $0x2, v11;
	v11 =	vadd.s32 v16, v52;
	[tilespmem:v33+s13+$0x0] =	vst.idx.add.s32.msk $0xffff, v4  }
0x1b1: {  	v10 =	vadd.s32 $0x3, v10;
	v14 =	vadd.s32 $0x4, v2;
	v52 =	vmovc v12;
	v13 =	vadd.s32 $0x5, v11;
	[tilespmem:v36+s13+$0x0] =	vst.idx.add.s32.msk $0xffff, v4  }
0x1b2: {  	v2 =	vadd.s32 $0x2, v27;
	v11 =	vadd.s32 v12, v17;
	[tilespmem:v34+s13+$0x0] =	vst.idx.add.s32.msk $0xffff, v4  }
0x1b3: {  	v8 =	vadd.s32 $0x80, v8;
	v33 =	vadd.s32 $0x3, v27;
	[tilespmem:v18+s13+$0x0] =	vst.idx.add.s32.msk $0xffff, v4  }
.Ltmp5:
0x1b4: {  	v9 =	vadd.s32 $0x80, v9;
	v12 =	vadd.s32 $0x8, v12;
	v29 =	vadd.s32 $0x4, v27;
	[tilespmem:v38+s13+$0x0] =	vst.idx.add.s32.msk $0xffff, v4;
	(pc) =	sbr.rel @p0 .LBB2_12-.Ltmp5, $4  }
0x1b5: {  	v32 =	vadd.s32 $0x1, v53;
	v34 =	vadd.s32 $0x5, v27;
	v38 =	vld.idx.msk [tilespmem:v3+s17+$0x0], $0xffff;
	v3 =	vadd.s32 $0x8, v3;
	[tilespmem:v61+s24+$0x0] =	vst.idx.msk $0xffff, v30;
	v61 =	vmovc v15  }
0x1b6: {  	v31 =	vadd.s32 $0x10, v57;
	v37 =	vadd.s32 $0x6, v27;
	v28 =	vld.idx.msk [tilespmem:v63+s17+$0x0], $0xffff;
	v63 =	vadd.s32 $0x7, v53;
	[tilespmem:v60+s24+$0x0] =	vst.idx.msk $0xffff, v20;
	v60 =	vmovc v5  }
0x1b7: {  	v17 =	vadd.s32 $0x40, v57;
	v27 =	vadd.s32 $0x20, v57;
	v18 =	vadd.s32 $0x30, v57;
	v30 =	vld.idx.msk [tilespmem:v2+s17+$0x0], $0xffff;
	[tilespmem:v58+s24+$0x0] =	vst.idx.msk $0xffff, v39;
	v58 =	vmovc v25  }
0x1b8: {  	v16 =	vadd.s32 $0x50, v57;
	v5 =	vadd.s32 $0x60, v57;
	v39 =	vadd.s32 $0x50, v62;
	v33 =	vld.idx.msk [tilespmem:v33+s17+$0x0], $0xffff;
	[tilespmem:v59+s24+$0x0] =	vst.idx.msk $0xffff, v40;
	v59 =	vmovc v10  }
0x1b9: {  	v2 =	vadd.f32 v6, v51;
	_ =	sdelay $0x1  }
0x1ba: {  	v6 =	vadd.f32 v2, v51  }
0x1bb: {  	v8 =	vadd.s32 $0x60, v62  }
0x1bc: {  	v9 =	vadd.s32 $0x70, v62;
	v10 =	vadd.f32 v6, v51;
	_ =	sdelay $0x1  }
0x1bd: {  	v12 =	vadd.f32 v10, v51;
	_ =	sdelay $0x1  }
0x1be: {  	v2 =	vadd.f32 v26, v2;
	v8 =	vld.idx.msk [tilespmem:v8+s22+$0x0], $0xffff;
	v15 =	vadd.f32 v12, v51  }
0x1bf: {  	v6 =	vadd.f32 v46, v6;
	v9 =	vld.idx.msk [tilespmem:v9+s22+$0x0], $0xffff  }
0x1c0: {  	v25 =	vld.idx.msk [tilespmem:v39+s22+$0x0], $0xffff;
	v2 =	vmul.f32 v2, v45;
	v20 =	vadd.f32 v15, v51  }
0x1c1: {  	[tilespmem:v55+s24+$0x0] =	vst.idx.msk $0xffff, v22;
	v22 =	vadd.s32 $0x70, v57;
	v38 =	vmul.f32 v38, v47;
	v6 =	vmul.f32 v6, v45  }
0x1c2: {  	v10 =	vadd.f32 v23, v10;
	v2 =	vmin.f32 v2, $1.000000000e+00;
	v26 =	vadd.f32 v20, v51  }
0x1c3: {  	v12 =	vadd.f32 v21, v12;
	v6 =	vmin.f32 v6, $1.000000000e+00;
	v8 =	vadd.f32 v8, v20  }
0x1c4: {  	v10 =	vmul.f32 v10, v45;
	v23 =	vmul.f32 $1.290000000e+02, v6;
	v9 =	vadd.f32 v9, v26  }
0x1c5: {  	v12 =	vmul.f32 v12, v45;
	v15 =	vadd.f32 v25, v15;
	v8 =	vmul.f32 v8, v45  }
0x1c6: {  	[tilespmem:v27+s23+$0x0] =	vst.idx.msk $0xffff, v6;
	v6 =	vld.idx.msk [tilespmem:v34+s17+$0x0], $0xffff;
	v10 =	vmin.f32 v10, $1.000000000e+00;
	v23 =	vadd.f32 $-5.000000000e-01, v23;
	v9 =	vmul.f32 v9, v45  }
0x1c7: {  	v20 =	vmul.f32 $1.290000000e+02, v2;
	v15 =	vmul.f32 v15, v45;
	v8 =	vmin.f32 v8, $1.000000000e+00  }
0x1c8: {  	v12 =	vmin.f32 v12, $1.000000000e+00;
	v21 =	vmul.f32 $1.290000000e+02, v8;
	v9 =	vmin.f32 v9, $1.000000000e+00  }
0x1c9: {  	v35 =	vmul.f32 $1.290000000e+02, v12;
	v20 =	vadd.f32 $-5.000000000e-01, v20;
	v25 =	vmul.f32 $1.290000000e+02, v9  }
0x1ca: {  	v26 =	vmul.f32 $1.290000000e+02, v10;
	v15 =	vmin.f32 v15, $1.000000000e+00;
	v21 =	vadd.f32 $-5.000000000e-01, v21  }
0x1cb: {  	v6 =	vmul.f32 v6, v47;
	v46 =	vmul.f32 $1.290000000e+02, v15;
	v25 =	vadd.f32 $-5.000000000e-01, v25  }
0x1cc: {  	v35 =	vadd.f32 $-5.000000000e-01, v35;
	v26 =	vadd.f32 $-5.000000000e-01, v26;
	v36 =	vtrunc.f32 v21  }
0x1cd: {  	v6 =	vadd.f32 v6, v48;
	vm0 =	vgt.f32 v21, v36;
	v21 =	vtrunc.f32 v25  }
0x1ce: {  	v39 =	vadd.f32 $-5.000000000e-01, v46;
	vm1 =	vgt.f32 v25, v21;
	v25 =	vtrunc.f32 v20  }
0x1cf: {  	[tilespmem:v54+s24+$0x0] =	vst.idx.msk $0xffff, v24;
	v54 =	vcvt.f32.s32 v36;
	v21 =	vcvt.f32.s32 v21;
	vm2 =	vgt.f32 v20, v25  }
0x1d0: {  	[tilespmem:v31+s23+$0x0] =	vst.idx.msk $0xffff, v2;
	v2 =	vld.idx.msk [tilespmem:v29+s17+$0x0], $0xffff;
	v20 =	vtrunc.f32 v23;
	v25 =	vcvt.f32.s32 v25;
	v29 =	vsel vm1, $0x1, v0  }
0x1d1: {  	vm3 =	vgt.f32 v23, v20;
	v23 =	vtrunc.f32 v26;
	v51 =	vsel vm2, $0x1, v0  }
0x1d2: {  	[tilespmem:v22+s23+$0x0] =	vst.idx.msk $0xffff, v9;
	v20 =	vcvt.f32.s32 v20;
	v9 =	vadd.s32 v21, v29;
	vm4 =	vgt.f32 v26, v23  }
0x1d3: {  	v26 =	vtrunc.f32 v35;
	v24 =	vadd.s32 v25, v51;
	v25 =	vtrunc.f32 v39  }
0x1d4: {  	[tilespmem:v56+s24+$0x0] =	vst.idx.msk $0xffff, v19;
	v19 =	vcvt.f32.s32 v23;
	v27 =	vsel vm3, $0x1, v0;
	v22 =	vshll.u32 v9, $0x4  }
0x1d5: {  	vm5 =	vgt.f32 v35, v26;
	v23 =	vcvt.f32.s32 v26;
	vm7 =	vgt.f32 v39, v25  }
0x1d6: {  	v32 =	vld.idx.msk [tilespmem:v32+s17+$0x0], $0xffff;
	v25 =	vcvt.f32.s32 v25;
	v26 =	vsel vm0, $0x1, v0;
	v31 =	vsel vm4, $0x1, v0  }
0x1d7: {  	[tilespmem:v18+s23+$0x0] =	vst.idx.msk $0xffff, v10;
	v20 =	vadd.s32 v20, v27;
	v27 =	vshll.u32 v24, $0x4;
	v22 =	vor.u32 v1, v22  }
0x1d8: {  	[tilespmem:v17+s23+$0x0] =	vst.idx.msk $0xffff, v12;
	v10 =	vld.idx.msk [tilespmem:v37+s17+$0x0], $0xffff;
	v57 =	vsel vm5, $0x1, v0;
	v18 =	vsel vm7, $0x1, v0;
	v27 =	vor.u32 v1, v27  }
0x1d9: {  	[tilespmem:v5+s23+$0x0] =	vst.idx.msk $0xffff, v8;
	v19 =	vadd.s32 v19, v31;
	v31 =	vshll.u32 v20, $0x4;
	v5 =	vadd.s32 v54, v26  }
0x1da: {  	[tilespmem:v16+s23+$0x0] =	vst.idx.msk $0xffff, v15;
	v12 =	vadd.s32 v23, v57;
	v17 =	vshll.u32 v19, $0x4;
	v23 =	vor.u32 v1, v31  }
0x1db: {  	[tilespmem:v14+s24+$0x0] =	vst.idx.msk $0xffff, v6;
	v15 =	vadd.s32 v25, v18;
	v18 =	vshll.u32 v5, $0x4;
	v17 =	vor.u32 v1, v17  }
0x1dc: {  	v26 =	vadd.f32 v38, v48;
	v16 =	vshll.u32 v12, $0x4;
	v18 =	vor.u32 v1, v18;
	[tilespmem:v22+s13+$0x0] =	vst.idx.add.s32.msk $0xffff, v4  }
0x1dd: {  	v2 =	vmul.f32 v2, v47;
	v8 =	vshll.u32 v15, $0x4;
	v16 =	vor.u32 v1, v16;
	[tilespmem:v27+s13+$0x0] =	vst.idx.add.s32.msk $0xffff, v4  }
0x1de: {  	v10 =	vmul.f32 v10, v47;
	[tilespmem:v7+s24+$0x0] =	vst.idx.msk $0xffff, v26;
	v8 =	vor.u32 v1, v8;
	v3 =	vld.idx.msk [tilespmem:v3+s17+$0x0], $0xffff  }
0x1df: {  	v9 =	vadd.s32 v9, v52;
	v25 =	vmul.f32 v30, v47;
	[tilespmem:v23+s13+$0x0] =	vst.idx.add.s32.msk $0xffff, v4  }
0x1e0: {  	v21 =	vmul.f32 v28, v47;
	v7 =	vadd.s32 $0x7, v9;
	v9 =	vadd.s32 $0x6, v53;
	[tilespmem:v17+s13+$0x0] =	vst.idx.add.s32.msk $0xffff, v4  }
0x1e1: {  	v2 =	vadd.f32 v2, v48;
	v17 =	vadd.f32 v25, v48;
	v25 =	vadd.s32 $0x3, v53;
	[tilespmem:v18+s13+$0x0] =	vst.idx.add.s32.msk $0xffff, v4  }
0x1e2: {  	v23 =	vmul.f32 v33, v47;
	v18 =	vadd.f32 v21, v48;
	v21 =	vadd.s32 $0x4, v53;
	[tilespmem:v16+s13+$0x0] =	vst.idx.add.s32.msk $0xffff, v4  }
0x1e3: {  	v10 =	vadd.f32 v10, v48;
	[tilespmem:v8+s13+$0x0] =	vst.idx.add.s32.msk $0xffff, v4;
	v8 =	vadd.s32 $0x2, v53  }
0x1e4: {  	[tilespmem:v59+s24+$0x0] =	vst.idx.msk $0xffff, v2;
	v22 =	vadd.f32 v23, v48;
	v23 =	vadd.s32 $0x5, v53;
	v26 =	vld.idx.msk [tilespmem:v63+s17+$0x0], $0xffff  }
0x1e5: {  	[tilespmem:v13+s24+$0x0] =	vst.idx.msk $0xffff, v10;
	v6 =	vld.idx.msk [tilespmem:v9+s17+$0x0], $0xffff  }
0x1e6: {  	[tilespmem:v60+s24+$0x0] =	vst.idx.msk $0xffff, v17;
	v17 =	vld.idx.msk [tilespmem:v25+s17+$0x0], $0xffff  }
0x1e7: {  	v24 =	vadd.s32 v24, v52;
	v5 =	vadd.s32 v5, v52;
	v16 =	vmul.f32 v32, v47;
	v21 =	vld.idx.msk [tilespmem:v21+s17+$0x0], $0xffff  }
0x1e8: {  	v20 =	vadd.s32 v20, v52;
	v5 =	vadd.s32 $0x6, v5;
	v3 =	vmul.f32 v3, v47;
	v8 =	vld.idx.msk [tilespmem:v8+s17+$0x0], $0xffff  }
0x1e9: {  	v19 =	vadd.s32 v19, v52;
	v16 =	vadd.f32 v16, v48;
	v2 =	vld.idx.msk [tilespmem:v23+s17+$0x0], $0xffff;
	v9 =	vmul.f32 v26, v47  }
0x1ea: {  	v12 =	vadd.s32 v12, v52;
	[tilespmem:v61+s24+$0x0] =	vst.idx.msk $0xffff, v18;
	v3 =	vadd.f32 v3, v48  }
0x1eb: {  	v15 =	vadd.s32 v15, v52;
	v10 =	vadd.s32 $0x3, v19;
	[tilespmem:v11+s24+$0x0] =	vst.idx.msk $0xffff, v16;
	v9 =	vadd.f32 v9, v48  }
0x1ec: {  	v12 =	vadd.s32 $0x4, v12;
	v18 =	vadd.s32 $0x1, v24;
	[tilespmem:v7+s24+$0x0] =	vst.idx.msk $0xffff, v3;
	v13 =	vmul.f32 v21, v47  }
0x1ed: {  	v7 =	vadd.s32 $0x5, v15;
	v11 =	vmul.f32 v17, v47;
	[tilespmem:v5+s24+$0x0] =	vst.idx.msk $0xffff, v9;
	v8 =	vmul.f32 v8, v47  }
0x1ee: {  	v5 =	vmul.f32 v6, v47;
	v2 =	vmul.f32 v2, v47;
	v6 =	vadd.f32 v13, v48  }
0x1ef: {  	v14 =	vadd.s32 $0x2, v20;
	[tilespmem:v58+s24+$0x0] =	vst.idx.msk $0xffff, v22;
	v3 =	vadd.f32 v8, v48  }
0x1f0: {  	v8 =	vadd.f32 v11, v48;
	v2 =	vadd.f32 v2, v48;
	v11 =	vlaneseq.u32;
	[tilespmem:v10+s24+$0x0] =	vst.idx.msk $0xffff, v6  }
0x1f1: {  	[tilespmem:v18+s24+$0x0] =	vst.idx.msk $0xffff, v3;
	v3 =	vadd.f32 v5, v48  }
0x1f2: {  	[tilespmem:v12+s24+$0x0] =	vst.idx.msk $0xffff, v2;
	v2 =	vadd.s32 $0x10, v11  }
0x1f3: {  	[tilespmem:v7+s24+$0x0] =	vst.idx.msk $0xffff, v3;
	v7 =	vadd.s32 $0x20, v11  }
0x1f4: {  	[tilespmem:v14+s24+$0x0] =	vst.idx.msk $0xffff, v8;
	v8 =	vadd.s32 $0x30, v11  }
0x1f5: {  	v9 =	vadd.s32 $0x40, v11;
	v5 =	vld.idx.msk [tilespmem:v11+s13+$0x0], $0xffff  }
0x1f6: {  	v10 =	vadd.s32 $0x50, v11  }
0x1f7: {  	s15 =	simm.s32 $0x5;
	v12 =	vld.idx.msk [tilespmem:v2+s13+$0x0], $0xffff  }
0x1f8: {  	s10 =	simm.s32 $0x7;
	s3 =	simm.s32 $0x1;
	v44 =	vadd.s32 s15, v50;
	v45 =	vor.u32 $0xFFFFFFF0, v1;
	v51 =	vadd.s32 $0xFFFFFFFF, v49;
	v13 =	vld.idx.msk [tilespmem:v7+s13+$0x0], $0xffff  }
0x1f9: {  	v54 =	vadd.s32 s10, v50;
	v60 =	vadd.s32 s3, v50;
	v3 =	vimm.s32 $0x0;
	v16 =	vld.idx.msk [tilespmem:v8+s13+$0x0], $0xffff  }
0x1fa: {  	v6 =	vadd.s32 $0x60, v11;
	v17 =	vadd.s32 $0x70, v11;
	v18 =	vld.idx.msk [tilespmem:v9+s13+$0x0], $0xffff;
	v15 =	vadd.s32 v3, v5  }
0x1fb: {  	v19 =	vld.idx.msk [tilespmem:v10+s13+$0x0], $0xffff;
	[tilespmem:v8+s13+$0x0] =	vst.idx.msk $0xffff, v0;
	v3 =	vshll.u32 v15, $0x4;
	vm8 =	vlt.s32 v15, $0x80;
	v8 =	vadd.s32 v51, v15  }
0x1fc: {  	v14 =	vadd.s32 v15, v12;
	v3 =	vadd.s32 v45, v3;
	v21 =	vnsel vm8, $0x80, v15  }
0x1fd: {  	vm9 =	vlt.s32 v14, $0x80;
	v22 =	vshll.u32 v21, $0x4;
	v5 =	vadd.s32 v14, v13  }
0x1fe: {  	v61 =	vadd.s32 v49, v21;
	v62 =	vshll.u32 v14, $0x4;
	v16 =	vadd.s32 v5, v16  }
0x1ff: {  	v20 =	vld.idx.msk [tilespmem:v6+s13+$0x0], $0xffff;
	v58 =	vadd.s32 v51, v14;
	v21 =	vnsel vm9, $0x80, v14;
	v56 =	vadd.s32 v16, v18  }
0x200: {  	v34 =	vadd.s32 v45, v62;
	v12 =	vadd.s32 v56, v19;
	v19 =	vor.u32 v1, v22  }
0x201: {  	v13 =	vld.idx.msk [tilespmem:v17+s13+$0x0], $0xffff;
	vm10 =	vlt.s32 v5, $0x80;
	v40 =	vadd.s32 v51, v5;
	vm11 =	vlt.s32 v16, $0x80  }
0x202: {  	[tilespmem:v11+s13+$0x0] =	vst.idx.msk $0xffff, v0;
	v18 =	vshll.u32 v16, $0x4;
	vm12 =	vlt.s32 v56, $0x80;
	v29 =	vnsel vm11, $0x80, v16  }
0x203: {  	[tilespmem:v10+s13+$0x0] =	vst.idx.msk $0xffff, v0;
	v10 =	vadd.s32 v45, v18;
	v57 =	vadd.s32 v51, v56;
	vm13 =	vlt.s32 v12, $0x80  }
0x204: {  	v3 =	vld.idx.msk [tilespmem:v3+s23+$0x0], $0xffff;
	v53 =	vadd.s32 v12, v20;
	v27 =	vshll.u32 v12, $0x4;
	v22 =	vnsel vm13, $0x80, v12  }
0x205: {  	v20 =	vnsel vm10, $0x80, v5;
	v27 =	vadd.s32 v45, v27;
	v23 =	vshll.u32 v22, $0x4;
	v19 =	vld.idx.msk [tilespmem:v19+s23+$0x0], $0xffff  }
0x206: {  	v25 =	vnsel vm12, $0x80, v56;
	v52 =	vadd.s32 v53, v13;
	v23 =	vor.u32 v1, v23  }
0x207: {  	[tilespmem:v9+s13+$0x0] =	vst.idx.msk $0xffff, v0;
	v13 =	vshll.u32 v56, $0x4;
	v24 =	vshll.u32 v20, $0x4;
	vm14 =	vlt.s32 v52, $0x80  }
0x208: {  	[tilespmem:v2+s13+$0x0] =	vst.idx.msk $0xffff, v0;
	v63 =	vld.idx.msk [tilespmem:v8+s17+$0x0], $0xffff;
	v31 =	vshll.u32 v52, $0x4;
	v13 =	vadd.s32 v45, v13;
	v26 =	vnsel vm14, $0x80, v52  }
0x209: {  	[tilespmem:v17+s13+$0x0] =	vst.idx.msk $0xffff, v0;
	v33 =	vld.idx.msk [tilespmem:v61+s17+$0x0], $0xffff;
	v18 =	vshll.u32 v25, $0x4;
	v31 =	vadd.s32 v45, v31;
	v28 =	vshll.u32 v26, $0x4  }
0x20a: {  	v17 =	vshll.u32 v53, $0x4;
	v2 =	vor.u32 v1, v28;
	v27 =	vld.idx.msk [tilespmem:v27+s23+$0x0], $0xffff;
	v19 =	vsub.f32 v19, v3  }
0x20b: {  	v18 =	vor.u32 v1, v18;
	v32 =	vadd.s32 v45, v17;
	v28 =	vshll.u32 v29, $0x4;
	v23 =	vld.idx.msk [tilespmem:v23+s23+$0x0], $0xffff  }
0x20c: {  	s9 =	simm.s32 $0x0;
	[tilespmem:v7+s13+$0x0] =	vst.idx.msk $0xffff, v0;
	v17 =	vshll.u32 v5, $0x4;
	v10 =	vld.idx.msk [tilespmem:v10+s23+$0x0], $0xffff;
	v7 =	vor.u32 v1, v28;
	v19 =	vmax.f32 v19, $1.000000000e-30  }
0x20d: {  	s12 =	scvt.s32.f32 s9;
	v24 =	vor.u32 v1, v24;
	v9 =	vadd.s32 v45, v17;
	v17 =	vld.idx.msk [tilespmem:v13+s23+$0x0], $0xffff;
	(erf) = vrcp.f32 v19  }
0x20e: {  	vm15 =	vlt.s32 v53, $0x80;
	v35 =	vadd.s32 v49, v25;
	v55 =	vadd.s32 v51, v53;
	v31 =	vld.idx.msk [tilespmem:v31+s23+$0x0], $0xffff  }
0x20f: {  	s12 =	sadd.f32 s12, s12;
	v20 =	vadd.s32 v49, v20;
	v30 =	vnsel vm15, $0x80, v53;
	v22 =	vadd.s32 v49, v22;
	v2 =	vld.idx.msk [tilespmem:v2+s23+$0x0], $0xffff  }
0x210: {  	s1 =	simm.s32 $0x3;
	v25 =	vadd.s32 v51, v52;
	v18 =	vld.idx.msk [tilespmem:v18+s23+$0x0], $0xffff;
	v19 =	vshll.u32 v21, $0x4;
	v8 =	vsub.f32 v23, v27  }
0x211: {  	s2 =	scvt.s32.f32 s1;
	s12 =	sadd.f32 $1.000000000e+00, s12;
	v28 =	vshll.u32 v30, $0x4;
	v13 =	vor.u32 v1, v19;
	v23 =	vadd.s32 v49, v30;
	v30 =	vld.idx.msk [tilespmem:v7+s23+$0x0], $0xffff  }
0x212: {  	s30 =	scvt.s32.f32 s15;
	v26 =	vadd.s32 v49, v26;
	v24 =	vld.idx.msk [tilespmem:v24+s23+$0x0], $0xffff;
	v19 =	vadd.s32 v51, v12;
	v8 =	vmax.f32 v8, $1.000000000e-30  }
0x213: {  	s2 =	sadd.f32 s2, s2;
	s28 =	smul.f32 $3.875968980e-03, s12;
	v29 =	vadd.s32 v49, v29;
	v33 =	vsub.f32 v33, v63;
	v7 =	vld.idx.msk [tilespmem:v9+s23+$0x0], $0xffff;
	(erf) = vrcp.f32 v8  }
0x214: {  	s30 =	sadd.f32 s30, s30;
	s12 =	simm.s32 $0x6;
	v28 =	vor.u32 v1, v28;
	v21 =	vadd.s32 v49, v21;
	v2 =	vsub.f32 v2, v31  }
0x215: {  	s29 =	simm.s32 $0x4;
	s2 =	sadd.f32 $1.000000000e+00, s2;
	v34 =	vld.idx.msk [tilespmem:v34+s23+$0x0], $0xffff;
	v61 =	vsub.f32 v18, v17;
	v9 =	vsub.f32 s28, v3;
	v3 =	vadd.s32 s12, v50  }
0x216: {  	s15 =	scvt.s32.f32 s29;
	v8 =	vadd.s32 v51, v16;
	v2 =	vmax.f32 v2, $1.000000000e-30;
	v41 =	vld.idx.msk [tilespmem:v13+s23+$0x0], $0xffff;
	v30 =	vsub.f32 v30, v10;
	v43 =	vpop (erf)  }
0x217: {  	s30 =	sadd.f32 $1.000000000e+00, s30;
	s2 =	smul.f32 $3.875968980e-03, s2;
	v13 =	vadd.s32 s29, v50;
	v59 =	vld.idx.msk [tilespmem:v19+s17+$0x0], $0xffff;
	v19 =	vadd.s32 s1, v50;
	v9 =	vmul.f32 v43, v9  }
0x218: {  	s10 =	scvt.s32.f32 s10;
	v25 =	vld.idx.msk [tilespmem:v25+s17+$0x0], $0xffff;
	(erf) = vrcp.f32 v2;
	v24 =	vsub.f32 v24, v7;
	v30 =	vmax.f32 v30, $1.000000000e-30  }
0x219: {  	[tilespmem:v6+s13+$0x0] =	vst.idx.msk $0xffff, v0;
	v2 =	vld.idx.msk [tilespmem:v22+s17+$0x0], $0xffff;
	s1 =	smul.f32 $3.875968980e-03, s30;
	v10 =	vsub.f32 s2, v10;
	s29 =	sadd.f32 s15, s15;
	(erf) = vrcp.f32 v30;
	v22 =	vmax.f32 v9, $0.0e+00  }
0x21a: {  	s10 =	sadd.f32 s10, s10;
	v6 =	vadd.s32 v16, v19;
	v16 =	vld.idx.msk [tilespmem:v28+s23+$0x0], $0xffff;
	v28 =	vadd.s32 s9, v50;
	v22 =	vmin.f32 v22, $1.000000000e+00  }
0x21b: {  	s28 =	simm.s32 $0x2;
	v23 =	vld.idx.msk [tilespmem:v23+s17+$0x0], $0xffff;
	v27 =	vsub.f32 s1, v27;
	s2 =	sadd.f32 $1.000000000e+00, s29;
	v30 =	vsub.f32 v41, v34;
	v22 =	vmul.f32 v22, v33  }
0x21c: {  	s10 =	sadd.f32 $1.000000000e+00, s10;
	s3 =	scvt.s32.f32 s3;
	v42 =	vadd.s32 s28, v50;
	v19 =	vld.idx.msk [tilespmem:v32+s23+$0x0], $0xffff;
	v62 =	vadd.s32 v15, v28;
	v15 =	vmax.f32 v24, $1.000000000e-30;
	v18 =	vpop (erf)  }
0x21d: {  	v8 =	vld.idx.msk [tilespmem:v8+s17+$0x0], $0xffff;
	s2 =	smul.f32 $3.875968980e-03, s2;
	v30 =	vmax.f32 v30, $1.000000000e-30;
	v24 =	vmul.f32 v18, v27;
	v22 =	vadd.f32 v22, v63  }
0x21e: {  	s11 =	smul.f32 $3.875968980e-03, s10;
	s3 =	sadd.f32 s3, s3;
	v5 =	vadd.s32 v5, v42;
	v2 =	vsub.f32 v2, v59;
	v9 =	vld.idx.msk [tilespmem:v58+s17+$0x0], $0xffff;
	(erf) = vrcp.f32 v30  }
0x21f: {  	s12 =	scvt.s32.f32 s12;
	v17 =	vsub.f32 s2, v17;
	v18 =	vld.idx.msk [tilespmem:v20+s17+$0x0], $0xffff;
	v20 =	vmul.f32 v22, v47;
	v22 =	vmax.f32 v24, $0.0e+00  }
0x220: {  	s3 =	sadd.f32 $1.000000000e+00, s3;
	s9 =	scvt.s32.f32 s28;
	(erf) = vrcp.f32 v15;
	v24 =	vsub.f32 s11, v31;
	v31 =	vld.idx.msk [tilespmem:v26+s17+$0x0], $0xffff;
	v22 =	vmin.f32 v22, $1.000000000e+00  }
0x221: {  	s30 =	sadd.f32 s12, s12;
	v30 =	vmax.f32 v61, $1.000000000e-30;
	v15 =	vpop (erf);
	v63 =	vld.idx.msk [tilespmem:v29+s17+$0x0], $0xffff;
	v20 =	vadd.f32 v20, v48;
	v2 =	vmul.f32 v22, v2  }
0x222: {  	s1 =	sadd.f32 s9, s9;
	v22 =	vsub.f32 v16, v19;
	v29 =	vmul.f32 v15, v24;
	v16 =	vld.idx.msk [tilespmem:v55+s17+$0x0], $0xffff;
	v55 =	vadd.s32 $0x80, v11;
	v11 =	vpop (erf)  }
0x223: {  	s9 =	sadd.f32 $1.000000000e+00, s30;
	v26 =	vld.idx.msk [tilespmem:v35+s17+$0x0], $0xffff;
	v15 =	vadd.s32 v14, v60;
	(erf) = vrcp.f32 v30;
	v28 =	vmul.f32 v11, v10  }
0x224: {  	s3 =	smul.f32 $3.875968980e-03, s3;
	s1 =	sadd.f32 $1.000000000e+00, s1;
	v14 =	vld.idx.msk [tilespmem:v57+s17+$0x0], $0xffff;
	v11 =	vadd.s32 v12, v44;
	v24 =	vadd.f32 v2, v59;
	v2 =	vmax.f32 v22, $1.000000000e-30  }
0x225: {  	s12 =	smul.f32 $3.875968980e-03, s9;
	v10 =	vmax.f32 v29, $0.0e+00;
	v29 =	vld.idx.msk [tilespmem:v21+s17+$0x0], $0xffff;
	v31 =	vsub.f32 v31, v25;
	(erf) = vrcp.f32 v2  }
0x226: {  	s9 =	simm.s32 $0x8;
	s28 =	smul.f32 $3.875968980e-03, s1;
	v27 =	vsub.f32 s3, v34;
	[tilespmem:v62+s24+$0x0] =	vst.idx.msk $0xffff, v20;
	v21 =	vld.idx.msk [tilespmem:v40+s17+$0x0], $0xffff;
	v22 =	vsub.f32 v63, v8;
	v30 =	vmin.f32 v10, $1.000000000e+00  }
.LBB2_14:
0x227: {  	p0 =	slt.u32 s9, $0x78;
	v2 =	vadd.s32 v56, v13;
	v10 =	vsub.f32 v23, v16;
	v12 =	vmul.f32 v30, v31;
	v13 =	vpop (erf);
	s10 =	smov.u32 s9;
	s9 =	sadd.s32 $0x8, s9  }
0x228: {  	v19 =	vsub.f32 s12, v19;
	v20 =	vadd.s32 v52, v54;
	v7 =	vsub.f32 s28, v7  }
0x229: {  	v23 =	vmax.f32 v28, $0.0e+00;
	v26 =	vsub.f32 v26, v14;
	v12 =	vadd.f32 v12, v25;
	v25 =	vpop (erf)  }
0x22a: {  	v28 =	vsub.f32 v29, v9;
	v7 =	vmul.f32 v25, v7;
	v25 =	vmul.f32 v24, v47  }
0x22b: {  	v13 =	vmul.f32 v13, v27;
	v23 =	vmin.f32 v23, $1.000000000e+00;
	v12 =	vmul.f32 v12, v47  }
0x22c: {  	v22 =	vmul.f32 v23, v22;
	v18 =	vsub.f32 v18, v21;
	v7 =	vmax.f32 v7, $0.0e+00  }
0x22d: {  	v13 =	vmax.f32 v13, $0.0e+00;
	v23 =	vadd.f32 v25, v48;
	v12 =	vadd.f32 v12, v48;
	v24 =	vpop (erf)  }
0x22e: {  	s1 =	sadd.s32 $0x7, s10;
	v13 =	vmin.f32 v13, $1.000000000e+00;
	v7 =	vmin.f32 v7, $1.000000000e+00;
	v17 =	vmul.f32 v24, v17;
	v24 =	vpop (erf)  }
0x22f: {  	s2 =	scvt.s32.f32 s1;
	v54 =	vadd.s32 s1, v50;
	v7 =	vmul.f32 v7, v18;
	v18 =	vmul.f32 v24, v19;
	[tilespmem:v20+s24+$0x0] =	vst.idx.msk $0xffff, v12  }
0x230: {  	v19 =	vadd.s32 $0x10, v55;
	v12 =	vmul.f32 v13, v28;
	v13 =	vmax.f32 v17, $0.0e+00;
	[tilespmem:v11+s24+$0x0] =	vst.idx.msk $0xffff, v23  }
0x231: {  	s1 =	sadd.f32 s2, s2;
	v17 =	vadd.s32 $0x20, v55;
	v11 =	vmin.f32 v13, $1.000000000e+00;
	v13 =	vmax.f32 v18, $0.0e+00  }
0x232: {  	v20 =	vadd.f32 v7, v21;
	v18 =	vadd.s32 $0x30, v55;
	v11 =	vmul.f32 v11, v26  }
0x233: {  	s12 =	sadd.f32 $1.000000000e+00, s1;
	v7 =	vadd.s32 $0x40, v55;
	v9 =	vadd.f32 v12, v9;
	v12 =	vmin.f32 v13, $1.000000000e+00  }
0x234: {  	v21 =	vadd.s32 $0x50, v55;
	v10 =	vmul.f32 v12, v10;
	v13 =	vld.idx.msk [tilespmem:v55+s13+$0x0], $0xffff;
	v11 =	vadd.f32 v11, v14  }
0x235: {  	v8 =	vadd.f32 v22, v8;
	v9 =	vmul.f32 v9, v47;
	v14 =	vadd.s32 $0x60, v55;
	v12 =	vld.idx.msk [tilespmem:v19+s13+$0x0], $0xffff  }
0x236: {  	v23 =	vadd.s32 $0x70, v55;
	v20 =	vmul.f32 v20, v47;
	v10 =	vadd.f32 v10, v16;
	v22 =	vld.idx.msk [tilespmem:v17+s13+$0x0], $0xffff  }
0x237: {  	v8 =	vmul.f32 v8, v47;
	v9 =	vadd.f32 v9, v48;
	v11 =	vmul.f32 v11, v47;
	v16 =	vld.idx.msk [tilespmem:v18+s13+$0x0], $0xffff  }
0x238: {  	v3 =	vadd.s32 v53, v3;
	v20 =	vadd.f32 v20, v48;
	v10 =	vmul.f32 v10, v47;
	v24 =	vld.idx.msk [tilespmem:v7+s13+$0x0], $0xffff  }
0x239: {  	v25 =	vld.idx.msk [tilespmem:v21+s13+$0x0], $0xffff;
	[tilespmem:v15+s24+$0x0] =	vst.idx.msk $0xffff, v9;
	v9 =	vadd.f32 v8, v48;
	v8 =	vadd.f32 v11, v48  }
0x23a: {  	v15 =	vadd.s32 v52, v13;
	v10 =	vadd.f32 v10, v48;
	v13 =	vld.idx.msk [tilespmem:v14+s13+$0x0], $0xffff  }
0x23b: {  	vm1 =	vlt.s32 v15, $0x80;
	v11 =	vshll.u32 v15, $0x4;
	v12 =	vadd.s32 v15, v12;
	v26 =	vld.idx.msk [tilespmem:v23+s13+$0x0], $0xffff;
	[tilespmem:v2+s24+$0x0] =	vst.idx.msk $0xffff, v8  }
0x23c: {  	v2 =	vadd.s32 v45, v11;
	vm0 =	vlt.s32 v12, $0x80;
	v8 =	vadd.s32 v12, v22;
	[tilespmem:v6+s24+$0x0] =	vst.idx.msk $0xffff, v9  }
0x23d: {  	v9 =	vnsel vm1, $0x80, v15;
	vm1 =	vlt.s32 v8, $0x80;
	v6 =	vadd.s32 v8, v16;
	[tilespmem:v3+s24+$0x0] =	vst.idx.msk $0xffff, v10  }
0x23e: {  	v3 =	vshll.u32 v9, $0x4;
	vm2 =	vlt.s32 v6, $0x80;
	v56 =	vadd.s32 v6, v24;
	[tilespmem:v5+s24+$0x0] =	vst.idx.msk $0xffff, v20  }
0x23f: {  	v5 =	vshll.u32 v6, $0x4;
	vm3 =	vlt.s32 v56, $0x80;
	v11 =	vadd.s32 v56, v25  }
0x240: {  	v3 =	vor.u32 v1, v3;
	vm4 =	vlt.s32 v11, $0x80;
	v53 =	vadd.s32 v11, v13  }
0x241: {  	v10 =	vnsel vm1, $0x80, v8;
	v13 =	vnsel vm4, $0x80, v11;
	v52 =	vadd.s32 v53, v26  }
0x242: {  	v16 =	vshll.u32 v56, $0x4;
	v20 =	vshll.u32 v13, $0x4;
	vm1 =	vlt.s32 v52, $0x80  }
0x243: {  	v22 =	vshll.u32 v10, $0x4;
	v24 =	vnsel vm3, $0x80, v56;
	v25 =	vnsel vm1, $0x80, v52;
	[tilespmem:v55+s13+$0x0] =	vst.idx.msk $0xffff, v0  }
0x244: {  	v26 =	vshll.u32 v11, $0x4;
	v20 =	vor.u32 v1, v20;
	v27 =	vshll.u32 v25, $0x4;
	v2 =	vld.idx.msk [tilespmem:v2+s23+$0x0], $0xffff  }
0x245: {  	vm1 =	vlt.s32 v53, $0x80;
	v27 =	vor.u32 v1, v27;
	v3 =	vld.idx.msk [tilespmem:v3+s23+$0x0], $0xffff;
	[tilespmem:v19+s13+$0x0] =	vst.idx.msk $0xffff, v0;
	v19 =	vnsel vm2, $0x80, v6  }
0x246: {  	v29 =	vshll.u32 v52, $0x4;
	v28 =	vnsel vm1, $0x80, v53;
	[tilespmem:v17+s13+$0x0] =	vst.idx.msk $0xffff, v0;
	v17 =	vshll.u32 v19, $0x4  }
0x247: {  	v30 =	vor.u32 v1, v17;
	[tilespmem:v21+s13+$0x0] =	vst.idx.msk $0xffff, v0;
	v17 =	vadd.s32 v45, v26;
	v21 =	vshll.u32 v28, $0x4  }
0x248: {  	v5 =	vadd.s32 v45, v5;
	v26 =	vshll.u32 v24, $0x4;
	v31 =	vor.u32 v1, v21;
	[tilespmem:v23+s13+$0x0] =	vst.idx.msk $0xffff, v0  }
0x249: {  	v16 =	vadd.s32 v45, v16;
	v23 =	vor.u32 v1, v26;
	v21 =	vshll.u32 v53, $0x4;
	v20 =	vld.idx.msk [tilespmem:v20+s23+$0x0], $0xffff  }
0x24a: {  	v26 =	vor.u32 v1, v22;
	v22 =	vadd.s32 v45, v29;
	v32 =	vadd.s32 v45, v21;
	v27 =	vld.idx.msk [tilespmem:v27+s23+$0x0], $0xffff  }
0x24b: {  	v9 =	vadd.s32 v49, v9;
	v21 =	vshll.u32 v8, $0x4;
	v3 =	vsub.f32 v3, v2;
	[tilespmem:v18+s13+$0x0] =	vst.idx.msk $0xffff, v0  }
0x24c: {  	v29 =	vnsel vm0, $0x80, v12;
	v33 =	vadd.s32 v45, v21;
	v18 =	vadd.s32 v51, v15;
	v34 =	vld.idx.msk [tilespmem:v17+s23+$0x0], $0xffff  }
0x24d: {  	v21 =	vshll.u32 v29, $0x4;
	v3 =	vmax.f32 v3, $1.000000000e-30;
	v17 =	vshll.u32 v12, $0x4;
	v35 =	vld.idx.msk [tilespmem:v5+s23+$0x0], $0xffff;
	[tilespmem:v7+s13+$0x0] =	vst.idx.msk $0xffff, v0  }
0x24e: {  	s1 =	scvt.s32.f32 s10;
	v36 =	vor.u32 v1, v21;
	v5 =	vadd.s32 v45, v17;
	v17 =	vld.idx.msk [tilespmem:v16+s23+$0x0], $0xffff;
	(erf) = vrcp.f32 v3  }
0x24f: {  	v21 =	vadd.s32 v49, v29;
	v29 =	vadd.s32 v49, v13;
	v16 =	vadd.s32 v51, v11;
	v37 =	vld.idx.msk [tilespmem:v22+s23+$0x0], $0xffff  }
0x250: {  	s1 =	sadd.f32 s1, s1;
	v38 =	vadd.s32 v51, v52;
	v39 =	vadd.s32 v49, v25;
	v24 =	vadd.s32 v49, v24;
	v9 =	vld.idx.msk [tilespmem:v9+s17+$0x0], $0xffff  }
0x251: {  	v41 =	vadd.s32 v51, v53;
	v25 =	vadd.s32 v49, v28;
	v40 =	vadd.s32 v49, v19;
	v18 =	vld.idx.msk [tilespmem:v18+s17+$0x0], $0xffff  }
0x252: {  	s1 =	sadd.f32 $1.000000000e+00, s1;
	v10 =	vadd.s32 v49, v10;
	v3 =	vsub.f32 v20, v34;
	v19 =	vld.idx.msk [tilespmem:v30+s23+$0x0], $0xffff;
	v30 =	vadd.s32 v51, v56  }
0x253: {  	v28 =	vadd.s32 v51, v6;
	v22 =	vadd.s32 v51, v8;
	v20 =	vadd.s32 v51, v12;
	v7 =	vld.idx.msk [tilespmem:v33+s23+$0x0], $0xffff  }
0x254: {  	s2 =	sadd.s32 $0x5, s10;
	s1 =	smul.f32 $3.875968980e-03, s1;
	v3 =	vmax.f32 v3, $1.000000000e-30;
	v33 =	vld.idx.msk [tilespmem:v36+s23+$0x0], $0xffff  }
0x255: {  	s15 =	sadd.s32 $0x6, s10;
	s3 =	scvt.s32.f32 s2;
	v36 =	vld.idx.msk [tilespmem:v5+s23+$0x0], $0xffff;
	v5 =	vsub.f32 v27, v37;
	(erf) = vrcp.f32 v3  }
0x256: {  	s29 =	sadd.s32 $0x4, s10;
	s28 =	scvt.s32.f32 s15;
	v2 =	vsub.f32 s1, v2;
	s1 =	sadd.s32 $0x2, s10;
	v3 =	vadd.s32 s15, v50;
	v26 =	vld.idx.msk [tilespmem:v26+s23+$0x0], $0xffff  }
0x257: {  	s30 =	scvt.s32.f32 s29;
	s3 =	sadd.f32 s3, s3;
	v13 =	vadd.s32 s29, v50;
	v27 =	vadd.s32 s1, v50;
	s15 =	sadd.s32 $0x3, s10;
	v23 =	vld.idx.msk [tilespmem:v23+s23+$0x0], $0xffff;
	v5 =	vmax.f32 v5, $1.000000000e-30;
	v42 =	vpop (erf)  }
0x258: {  	s1 =	scvt.s32.f32 s1;
	s29 =	scvt.s32.f32 s15;
	v19 =	vsub.f32 v19, v35;
	v2 =	vmul.f32 v42, v2;
	v42 =	vsub.f32 v9, v18;
	v43 =	vld.idx.msk [tilespmem:v16+s17+$0x0], $0xffff  }
0x259: {  	s11 =	sadd.s32 $0x1, s10;
	v44 =	vadd.s32 s2, v50;
	s3 =	sadd.f32 $1.000000000e+00, s3;
	v16 =	vadd.s32 s15, v50;
	v29 =	vld.idx.msk [tilespmem:v29+s17+$0x0], $0xffff;
	(erf) = vrcp.f32 v5  }
0x25a: {  	s2 =	scvt.s32.f32 s11;
	v19 =	vmax.f32 v19, $1.000000000e-30;
	v2 =	vmax.f32 v2, $0.0e+00;
	v9 =	vld.idx.msk [tilespmem:v20+s17+$0x0], $0xffff;
	v20 =	vadd.s32 s11, v50;
	s11 =	sadd.f32 s29, s29  }
0x25b: {  	s3 =	smul.f32 $3.875968980e-03, s3;
	s1 =	sadd.f32 s1, s1;
	v5 =	vadd.s32 v8, v27;
	v2 =	vmin.f32 v2, $1.000000000e+00;
	v8 =	vld.idx.msk [tilespmem:v28+s17+$0x0], $0xffff;
	[tilespmem:v14+s13+$0x0] =	vst.idx.msk $0xffff, v0;
	(erf) = vrcp.f32 v19  }
0x25c: {  	s2 =	sadd.f32 s2, s2;
	v6 =	vadd.s32 v6, v16;
	v14 =	vsub.f32 v33, v36;
	v2 =	vmul.f32 v2, v42;
	v27 =	vld.idx.msk [tilespmem:v31+s23+$0x0], $0xffff  }
0x25d: {  	v16 =	vadd.s32 s10, v50;
	v26 =	vsub.f32 v26, v7;
	v28 =	vsub.f32 s3, v34;
	s11 =	sadd.f32 $1.000000000e+00, s11;
	v19 =	vld.idx.msk [tilespmem:v32+s23+$0x0], $0xffff  }
0x25e: {  	s10 =	sadd.f32 $1.000000000e+00, s1;
	s1 =	smul.f32 $3.875968980e-03, s12;
	v31 =	vsub.f32 v23, v17;
	v14 =	vmax.f32 v14, $1.000000000e-30;
	v2 =	vadd.f32 v2, v18;
	v23 =	vld.idx.msk [tilespmem:v25+s17+$0x0], $0xffff;
	v25 =	vpop (erf)  }
0x25f: {  	v15 =	vadd.s32 v15, v16;
	s3 =	smul.f32 $3.875968980e-03, s11;
	s11 =	sadd.f32 s30, s30;
	v18 =	vld.idx.msk [tilespmem:v10+s17+$0x0], $0xffff;
	v10 =	vmax.f32 v26, $1.000000000e-30;
	v16 =	vmul.f32 v25, v28  }
0x260: {  	s12 =	sadd.f32 s28, s28;
	v26 =	vsub.f32 v29, v43;
	v2 =	vmul.f32 v2, v47;
	v25 =	vld.idx.msk [tilespmem:v38+s17+$0x0], $0xffff;
	(erf) = vrcp.f32 v14  }
0x261: {  	s2 =	sadd.f32 $1.000000000e+00, s2;
	v28 =	vsub.f32 s1, v37;
	v14 =	vsub.f32 s3, v35;
	v16 =	vmax.f32 v16, $0.0e+00;
	v32 =	vld.idx.msk [tilespmem:v39+s17+$0x0], $0xffff  }
0x262: {  	s1 =	sadd.f32 $1.000000000e+00, s12;
	v2 =	vadd.f32 v2, v48;
	v33 =	vld.idx.msk [tilespmem:v40+s17+$0x0], $0xffff;
	v16 =	vmin.f32 v16, $1.000000000e+00;
	(erf) = vrcp.f32 v10;
	v10 =	vpop (erf)  }
0x263: {  	s2 =	smul.f32 $3.875968980e-03, s2;
	v27 =	vsub.f32 v27, v19;
	v29 =	vmul.f32 v16, v26;
	v16 =	vld.idx.msk [tilespmem:v41+s17+$0x0], $0xffff;
	v10 =	vmul.f32 v10, v28  }
.Ltmp6:
0x264: {  	v55 =	vadd.s32 $0x80, v55;
	s3 =	sadd.f32 $1.000000000e+00, s11;
	[tilespmem:v15+s24+$0x0] =	vst.idx.msk $0xffff, v2;
	v15 =	vadd.s32 v12, v20;
	v26 =	vld.idx.msk [tilespmem:v24+s17+$0x0], $0xffff;
	v2 =	vmax.f32 v31, $1.000000000e-30;
	v12 =	vpop (erf);
	(pc) =	sbr.rel @p0 .LBB2_14-.Ltmp6, $4  }
0x265: {  	v28 =	vmul.f32 v12, v14;
	v14 =	vld.idx.msk [tilespmem:v30+s17+$0x0], $0xffff;
	v24 =	vadd.f32 v29, v43;
	v12 =	vmax.f32 v27, $1.000000000e-30  }
0x266: {  	v27 =	vsub.f32 s2, v36;
	s2 =	smul.f32 $3.875968980e-03, s3;
	v10 =	vmax.f32 v10, $0.0e+00;
	v29 =	vld.idx.msk [tilespmem:v21+s17+$0x0], $0xffff;
	(erf) = vrcp.f32 v2  }
0x267: {  	s12 =	smul.f32 $3.875968980e-03, s1;
	v30 =	vmin.f32 v10, $1.000000000e+00;
	v31 =	vsub.f32 v32, v25;
	(erf) = vrcp.f32 v12  }
0x268: {  	v11 =	vadd.s32 v11, v44;
	s28 =	smul.f32 $3.875968980e-03, s10;
	v17 =	vsub.f32 s2, v17;
	v21 =	vld.idx.msk [tilespmem:v22+s17+$0x0], $0xffff;
	v22 =	vsub.f32 v33, v8  }
0x269: {  	_ = 	snop  }
0x26a: {  	v2 =	vadd.s32 v56, v13  }
0x26b: {  	v10 =	vsub.f32 v23, v16;
	v12 =	vmul.f32 v30, v31;
	v19 =	vsub.f32 s12, v19  }
0x26c: {  	v20 =	vadd.s32 v52, v54;
	v44 =	vmax.f32 v28, $0.0e+00;
	v24 =	vmul.f32 v24, v47  }
0x26d: {  	v43 =	vpop (erf);
	v3 =	vadd.s32 v53, v3;
	v7 =	vsub.f32 s28, v7;
	v26 =	vsub.f32 v26, v14  }
0x26e: {  	v13 =	vmul.f32 v43, v27;
	v23 =	vmin.f32 v44, $1.000000000e+00;
	v46 =	vpop (erf);
	v12 =	vadd.f32 v12, v25  }
0x26f: {  	v51 =	vsub.f32 v29, v9;
	v22 =	vmul.f32 v23, v22;
	v57 =	vadd.f32 v24, v48;
	v54 =	vpop (erf)  }
0x270: {  	v7 =	vmul.f32 v46, v7;
	v13 =	vmax.f32 v13, $0.0e+00;
	v17 =	vmul.f32 v54, v17;
	v56 =	vpop (erf)  }
0x271: {  	v12 =	vmul.f32 v12, v47;
	v18 =	vsub.f32 v18, v21;
	v19 =	vmul.f32 v56, v19  }
0x272: {  	v13 =	vmin.f32 v13, $1.000000000e+00;
	v8 =	vadd.f32 v22, v8;
	v17 =	vmax.f32 v17, $0.0e+00  }
0x273: {  	v13 =	vmul.f32 v13, v51;
	v17 =	vmin.f32 v17, $1.000000000e+00;
	v19 =	vmax.f32 v19, $0.0e+00  }
0x274: {  	v7 =	vmax.f32 v7, $0.0e+00;
	v17 =	vmul.f32 v17, v26;
	v59 =	vmin.f32 v19, $1.000000000e+00  }
0x275: {  	[tilespmem:v11+s24+$0x0] =	vst.idx.msk $0xffff, v57;
	v7 =	vmin.f32 v7, $1.000000000e+00;
	v58 =	vadd.f32 v13, v9;
	v10 =	vmul.f32 v59, v10  }
0x276: {  	v8 =	vmul.f32 v8, v47;
	v7 =	vmul.f32 v7, v18;
	v60 =	vadd.f32 v17, v14  }
0x277: {  	v12 =	vadd.f32 v12, v48;
	v9 =	vmul.f32 v58, v47;
	v10 =	vadd.f32 v10, v16  }
0x278: {  	v8 =	vadd.f32 v8, v48;
	v7 =	vadd.f32 v7, v21;
	v61 =	vmul.f32 v60, v47  }
0x279: {  	[tilespmem:v20+s24+$0x0] =	vst.idx.msk $0xffff, v12;
	v9 =	vadd.f32 v9, v48;
	v10 =	vmul.f32 v10, v47  }
0x27a: {  	[tilespmem:v6+s24+$0x0] =	vst.idx.msk $0xffff, v8;
	v7 =	vmul.f32 v7, v47;
	v62 =	vadd.f32 v61, v48  }
0x27b: {  	[tilespmem:v15+s24+$0x0] =	vst.idx.msk $0xffff, v9;
	v63 =	vadd.f32 v10, v48  }
0x27c: {  	[tilespmem:v2+s24+$0x0] =	vst.idx.msk $0xffff, v62;
	v2 =	vadd.f32 v7, v48  }
0x27d: {  	[tilespmem:v3+s24+$0x0] =	vst.idx.msk $0xffff, v63  }
0x27e: {  	[tilespmem:v5+s24+$0x0] =	vst.idx.msk $0xffff, v2  }
0x27f: {  	v2 =	vld.idx.msk [tilespmem:v55+s13+$0x0], $0xffff;
	_ =	sdelay $0x4  }
0x280: {  	v2 =	vadd.s32 v52, v2  }
0x281: {  	v3 =	vadd.s32 $0xFFFFFFFF, v2;
	vm0 =	vlt.s32 v2, $0x80  }
0x282: {  	v5 =	vnsel vm0, $0x80, v2;
	v6 =	vshll.u32 v3, $0x4  }
0x283: {  	v6 =	vor.u32 v1, v6;
	v7 =	vshll.u32 v5, $0x4  }
0x284: {  	v7 =	vor.u32 v1, v7;
	_ =	sdelay $0x2  }
0x285: {  	[tilespmem:v55+s13+$0x0] =	vst.idx.msk $0xffff, v0  }
0x286: {  	v6 =	vld.idx.msk [tilespmem:v6+s23+$0x0], $0xffff  }
0x287: {  	v7 =	vld.idx.msk [tilespmem:v7+s23+$0x0], $0xffff;
	_ =	sdelay $0x4  }
0x288: {  	v7 =	vsub.f32 v7, v6;
	_ =	sdelay $0x1  }
0x289: {  	v7 =	vmax.f32 v7, $1.000000000e-30  }
0x28a: {  	(erf) = vrcp.f32 v7  }
0x28b: {  	v3 =	vadd.s32 v49, v3  }
0x28c: {  	v5 =	vadd.s32 v49, v5;
	_ =	sdelay $0x3  }
0x28d: {  	v3 =	vld.idx.msk [tilespmem:v3+s17+$0x0], $0xffff  }
0x28e: {  	v5 =	vld.idx.msk [tilespmem:v5+s17+$0x0], $0xffff  }
0x28f: {  	v6 =	vsub.f32 $9.961240290e-01, v6  }
0x290: {  	v7 =	vpop (erf)  }
0x291: {  	v6 =	vmul.f32 v7, v6;
	_ =	sdelay $0x1  }
0x292: {  	v5 =	vsub.f32 v5, v3;
	v6 =	vmax.f32 v6, $0.0e+00  }
0x293: {  	v6 =	vmin.f32 v6, $1.000000000e+00  }
0x294: {  	v5 =	vmul.f32 v6, v5;
	_ =	sdelay $0x1  }
0x295: {  	v2 =	vadd.s32 v50, v2;
	v3 =	vadd.f32 v5, v3  }
0x296: {  	s8 =	sadd.s32 $0x1, s8;
	v2 =	vadd.s32 $0x80, v2  }
0x297: {  	p0 =	sne.s32 s8, $0x4;
	v5 =	vor.u32 $0x810, v1;
	v3 =	vmul.f32 v3, v47  }
.Ltmp7:
0x298: {  	_ = 	snop;
	(pc) =	sbr.rel @p0 .LBB2_7-.Ltmp7, $3  }
0x299: {  	v3 =	vadd.f32 v3, v48;
	_ =	sdelay $0x1  }
0x29a: {  	[tilespmem:v2+s24+$0x0] =	vst.idx.msk $0xffff, v3  }
0x29b: {  	[tilespmem:v5+s13+$0x0] =	vst.idx.msk $0xffff, v0  }
0x29c: {  	s1 =	sadd.s32 s6, s7  }
0x29d: {  	s1 =	smul.u32 $0x102, s1;
	_ =	sdelay $0x1  }
0x29e: {  	s2 =	rddreg [dreg:$0x4];
	s1 =	sshrl.u32 s1, $0x3  }
0x29f: {  	s1 =	sadd.s32 s2, s1  }
0x2a0: {  	[hbm4b:s1+s5] =	stream.linear.scatter [tilespmem:s24], [sflag:$0x3], $0x4080, $0x38;
	[tilespmem:$0x13380] =	vst v63  }
0x2a1: {  	p0 =	seq.s32 s31, $0xF;
	s1 =	rddreg [dreg:$0xa]  }
0x2a2: {  	s1 =	sadd.s32 @!p0 s7, s1  }
0x2a3: {  	s2 =	sshll.u32 @!p0 s1, $0x4  }
0x2a4: {  	s3 =	rddreg [dreg:$0x0];
	s2 =	sand.u32 @!p0 $0x1FFFF800, s2  }
0x2a5: {  	s1 =	smul.u32 @!p0 $0x81, s1;
	s2 =	sadd.s32 @!p0 s3, s2;
	s3 =	simm.s32 @!p0 $0x0  }
0x2a6: {  	[tilespmem:s3], [sflag:$0x1] =	stream.linear.gather @!p0 [hbm4b:s2+s3], $0x2000, $0x38;
	[tilespmem:$0x13380] =	vst v63  }
0x2a7: {  	s1 =	sshrl.u32 @!p0 s1, $0x3;
	s2 =	rddreg [dreg:$0x1]  }
0x2a8: {  	p1 =	seq.s32 @!p0 s31, $0x0;
	s1 =	sadd.s32 @!p0 s2, s1;
	s2 =	simm.s32 @!p0 $0x4000  }
0x2a9: {  	[tilespmem:s2], [sflag:$0x1] =	stream.linear.gather @!p0 [hbm4b:s1+s3], $0x2040, $0x38;
	[tilespmem:$0x13380] =	vst v63  }
0x2aa: {  	p0 =	por p0, !p1  }
0x2ab: {  	s1 =	simm.s32 @p0 $0x4  }
0x2ac: {  	_ =	swait.ge @p0 [sflag:s1], $0x4080  }
0x2ad: {  	[sflag:s1] =	ssyncset.done @p0 $0x0  }
0x2ae: {  	[sflag:s1] =	ssyncadd.s32 @p0 $0xFFFFBF80  }
0x2af: {  	_ =	swait.ge [sflag:s25], $0x2000  }
0x2b0: {  	[sflag:s25] =	ssyncset.done $0x0  }
0x2b1: {  	[sflag:s25] =	ssyncadd.s32 $0xFFFFE000  }
0x2b2: {  	v2 =	vmov s4;
	_ =	swait.ge [sflag:s25], $0x2040  }
0x2b3: {  	[sflag:s25] =	ssyncset.done $0x0;
	[tilespmem:$0x1FD10] =	vst v2  }
0x2b4: {  	s4 =	simm.s32 $0x0;
	[tilespmem:$0x1FD20] =	vst v5;
	[sflag:s25] =	ssyncadd.s32 $0xFFFFDFC0  }
.LBB2_17:
0x2b5: {  	v5 =	vld [tilespmem:$0x1FD10];
	_ =	sdelay $0x2  }
0x2b6: {  	s30 =	sshll.u32 s4, $0x4  }
0x2b7: {  	v49 =	vor.u32 s30, v1  }
0x2b8: {  	v5 =	vor.u32 v5, v49;
	_ =	sdelay $0x3  }
0x2b9: {  	s1 =	sshll.u32 s4, $0xB  }
0x2ba: {  	v2 =	vor.u32 s1, v1;
	v48 =	vld.idx.msk [tilespmem:v5+s14+$0x0], $0xffff  }
0x2bb: {  	v52 =	vld.idx.msk [tilespmem:v5+s16+$0x0], $0xffff  }
0x2bc: {  	v5 =	vld [tilespmem:$0x1FFF0];
	_ =	sdelay $0x2  }
0x2bd: {  	v6 =	vld.idx.msk [tilespmem:v2+s18+$0x0], $0xffff;
	_ =	sdelay $0x3  }
0x2be: {  	v3 =	vadd.s32 $0x80, v2  }
0x2bf: {  	[tilespmem:v5+s21+$0x0] =	vst.idx.msk $0xffff, v6  }
0x2c0: {  	v6 =	vld [tilespmem:$0x1FD60];
	_ =	sdelay $0x2  }
0x2c1: {  	v3 =	vld.idx.msk [tilespmem:v3+s18+$0x0], $0xffff;
	_ =	sdelay $0x3  }
0x2c2: {  	v7 =	vadd.s32 $0x10, v2  }
0x2c3: {  	[tilespmem:v6+s21+$0x0] =	vst.idx.msk $0xffff, v3  }
0x2c4: {  	v10 =	vld [tilespmem:$0x1FD70];
	_ =	sdelay $0x2  }
0x2c5: {  	v5 =	vld.idx.msk [tilespmem:v7+s18+$0x0], $0xffff  }
0x2c6: {  	v6 =	vadd.s32 $0x20, v2;
	_ =	sdelay $0x3  }
0x2c7: {  	v8 =	vadd.s32 $0x90, v2;
	[tilespmem:v10+s21+$0x0] =	vst.idx.msk $0xffff, v5  }
0x2c8: {  	v5 =	vld.idx.msk [tilespmem:v6+s18+$0x0], $0xffff  }
0x2c9: {  	v6 =	vld [tilespmem:$0x1FD80];
	_ =	sdelay $0x2  }
0x2ca: {  	v7 =	vld.idx.msk [tilespmem:v8+s18+$0x0], $0xffff;
	_ =	sdelay $0x4  }
0x2cb: {  	[tilespmem:v6+s21+$0x0] =	vst.idx.msk $0xffff, v7  }
0x2cc: {  	v13 =	vld [tilespmem:$0x1FD90];
	_ =	sdelay $0x6  }
0x2cd: {  	v8 =	vadd.s32 $0xA0, v2  }
0x2ce: {  	[tilespmem:v13+s21+$0x0] =	vst.idx.msk $0xffff, v5  }
0x2cf: {  	v5 =	vld [tilespmem:$0x1FDA0];
	_ =	sdelay $0x2  }
0x2d0: {  	v7 =	vld.idx.msk [tilespmem:v8+s18+$0x0], $0xffff;
	_ =	sdelay $0x3  }
0x2d1: {  	v3 =	vadd.s32 $0x100, v2  }
0x2d2: {  	[tilespmem:v5+s21+$0x0] =	vst.idx.msk $0xffff, v7  }
0x2d3: {  	v28 =	vld [tilespmem:$0x1FF50];
	_ =	sdelay $0x2  }
0x2d4: {  	v8 =	vld.idx.msk [tilespmem:v3+s18+$0x0], $0xffff;
	_ =	sdelay $0x3  }
0x2d5: {  	v9 =	vadd.s32 $0x80, v3  }
0x2d6: {  	[tilespmem:v28+s21+$0x0] =	vst.idx.msk $0xffff, v8  }
0x2d7: {  	v5 =	vld [tilespmem:$0x1FDB0];
	_ =	sdelay $0x2  }
0x2d8: {  	v9 =	vld.idx.msk [tilespmem:v9+s18+$0x0], $0xffff;
	_ =	sdelay $0x3  }
0x2d9: {  	v6 =	vadd.s32 $0x30, v2  }
0x2da: {  	[tilespmem:v5+s21+$0x0] =	vst.idx.msk $0xffff, v9  }
0x2db: {  	v14 =	vld [tilespmem:$0x1FDC0];
	_ =	sdelay $0x2  }
0x2dc: {  	v6 =	vld.idx.msk [tilespmem:v6+s18+$0x0], $0xffff;
	_ =	sdelay $0x3  }
0x2dd: {  	v10 =	vadd.s32 $0xB0, v2  }
0x2de: {  	[tilespmem:v14+s21+$0x0] =	vst.idx.msk $0xffff, v6  }
0x2df: {  	v14 =	vld [tilespmem:$0x1FDD0];
	_ =	sdelay $0x2  }
0x2e0: {  	v8 =	vld.idx.msk [tilespmem:v10+s18+$0x0], $0xffff;
	_ =	sdelay $0x3  }
0x2e1: {  	v11 =	vadd.s32 $0x10, v3  }
0x2e2: {  	[tilespmem:v14+s21+$0x0] =	vst.idx.msk $0xffff, v8  }
0x2e3: {  	v14 =	vld [tilespmem:$0x1FDE0];
	_ =	sdelay $0x2  }
0x2e4: {  	v10 =	vld.idx.msk [tilespmem:v11+s18+$0x0], $0xffff  }
0x2e5: {  	v11 =	vadd.s32 $0x20, v3;
	_ =	sdelay $0x3  }
0x2e6: {  	v12 =	vadd.s32 $0x90, v3;
	[tilespmem:v14+s21+$0x0] =	vst.idx.msk $0xffff, v10  }
0x2e7: {  	v10 =	vld.idx.msk [tilespmem:v11+s18+$0x0], $0xffff  }
0x2e8: {  	v11 =	vld [tilespmem:$0x1FDF0];
	_ =	sdelay $0x2  }
0x2e9: {  	v12 =	vld.idx.msk [tilespmem:v12+s18+$0x0], $0xffff;
	_ =	sdelay $0x3  }
0x2ea: {  	v7 =	vadd.s32 $0x40, v2  }
0x2eb: {  	[tilespmem:v11+s21+$0x0] =	vst.idx.msk $0xffff, v12  }
0x2ec: {  	v17 =	vld [tilespmem:$0x1FE00];
	_ =	sdelay $0x2  }
0x2ed: {  	v7 =	vld.idx.msk [tilespmem:v7+s18+$0x0], $0xffff;
	_ =	sdelay $0x3  }
0x2ee: {  	v9 =	vadd.s32 $0xC0, v2  }
0x2ef: {  	[tilespmem:v17+s21+$0x0] =	vst.idx.msk $0xffff, v7  }
0x2f0: {  	v17 =	vld [tilespmem:$0x1FE10];
	_ =	sdelay $0x2  }
0x2f1: {  	v9 =	vld.idx.msk [tilespmem:v9+s18+$0x0], $0xffff;
	_ =	sdelay $0x4  }
0x2f2: {  	[tilespmem:v17+s21+$0x0] =	vst.idx.msk $0xffff, v9  }
0x2f3: {  	v17 =	vld [tilespmem:$0x1FE20];
	_ =	sdelay $0x2  }
0x2f4: {  	v11 =	vadd.s32 $0xD0, v2  }
0x2f5: {  	v12 =	vadd.s32 $0x30, v3;
	_ =	sdelay $0x3  }
0x2f6: {  	v13 =	vadd.s32 $0xA0, v3;
	[tilespmem:v17+s21+$0x0] =	vst.idx.msk $0xffff, v10;
	v10 =	vld.idx.msk [tilespmem:v11+s18+$0x0], $0xffff  }
0x2f7: {  	v11 =	vld.idx.msk [tilespmem:v12+s18+$0x0], $0xffff  }
0x2f8: {  	v12 =	vld [tilespmem:$0x1FE30];
	_ =	sdelay $0x2  }
0x2f9: {  	v13 =	vld.idx.msk [tilespmem:v13+s18+$0x0], $0xffff;
	_ =	sdelay $0x3  }
0x2fa: {  	v5 =	vadd.s32 $0x100, v3  }
0x2fb: {  	[tilespmem:v12+s21+$0x0] =	vst.idx.msk $0xffff, v13  }
0x2fc: {  	v29 =	vld [tilespmem:$0x1FF60];
	_ =	sdelay $0x2  }
0x2fd: {  	v15 =	vadd.s32 $0xB0, v3;
	v14 =	vld.idx.msk [tilespmem:v5+s18+$0x0], $0xffff  }
0x2fe: {  	v16 =	vadd.s32 $0x10, v5;
	_ =	sdelay $0x3  }
0x2ff: {  	v6 =	vadd.s32 $0x80, v5;
	[tilespmem:v29+s21+$0x0] =	vst.idx.msk $0xffff, v14;
	v14 =	vld.idx.msk [tilespmem:v15+s18+$0x0], $0xffff  }
0x300: {  	v15 =	vld.idx.msk [tilespmem:v16+s18+$0x0], $0xffff  }
0x301: {  	v16 =	vld [tilespmem:$0x1FE40];
	_ =	sdelay $0x2  }
0x302: {  	v6 =	vld.idx.msk [tilespmem:v6+s18+$0x0], $0xffff;
	_ =	sdelay $0x3  }
0x303: {  	v8 =	vadd.s32 $0x50, v2  }
0x304: {  	[tilespmem:v16+s21+$0x0] =	vst.idx.msk $0xffff, v6  }
0x305: {  	v17 =	vld [tilespmem:$0x1FE50];
	_ =	sdelay $0x2  }
0x306: {  	v8 =	vld.idx.msk [tilespmem:v8+s18+$0x0], $0xffff  }
0x307: {  	v9 =	vadd.s32 $0x60, v2;
	_ =	sdelay $0x3  }
0x308: {  	[tilespmem:v17+s21+$0x0] =	vst.idx.msk $0xffff, v8  }
0x309: {  	v17 =	vld.idx.msk [tilespmem:v9+s18+$0x0], $0xffff  }
0x30a: {  	v9 =	vld [tilespmem:$0x1FE60];
	_ =	sdelay $0x7  }
0x30b: {  	[tilespmem:v9+s21+$0x0] =	vst.idx.msk $0xffff, v10  }
0x30c: {  	v10 =	vld [tilespmem:$0x1FE70];
	_ =	sdelay $0x2  }
0x30d: {  	v12 =	vadd.s32 $0xE0, v2  }
0x30e: {  	v13 =	vadd.s32 $0x40, v3;
	_ =	sdelay $0x3  }
0x30f: {  	[tilespmem:v10+s21+$0x0] =	vst.idx.msk $0xffff, v11;
	v10 =	vld.idx.msk [tilespmem:v12+s18+$0x0], $0xffff  }
0x310: {  	v12 =	vld.idx.msk [tilespmem:v13+s18+$0x0], $0xffff  }
0x311: {  	v13 =	vld [tilespmem:$0x1FE80];
	_ =	sdelay $0x7  }
0x312: {  	[tilespmem:v13+s21+$0x0] =	vst.idx.msk $0xffff, v14  }
0x313: {  	v13 =	vld [tilespmem:$0x1FE90];
	_ =	sdelay $0x3  }
0x314: {  	v16 =	vadd.s32 $0x20, v5;
	_ =	sdelay $0x3  }
0x315: {  	v7 =	vadd.s32 $0x90, v5;
	[tilespmem:v13+s21+$0x0] =	vst.idx.msk $0xffff, v15  }
0x316: {  	v15 =	vld.idx.msk [tilespmem:v16+s18+$0x0], $0xffff  }
0x317: {  	v16 =	vld [tilespmem:$0x1FEA0];
	_ =	sdelay $0x2  }
0x318: {  	v7 =	vld.idx.msk [tilespmem:v7+s18+$0x0], $0xffff;
	_ =	sdelay $0x4  }
0x319: {  	[tilespmem:v16+s21+$0x0] =	vst.idx.msk $0xffff, v7  }
0x31a: {  	v19 =	vld [tilespmem:$0x1FF00];
	_ =	sdelay $0x1  }
0x31b: {  	v9 =	vadd.s32 $0x100, v5  }
0x31c: {  	v11 =	vadd.s32 $0x80, v9;
	_ =	sdelay $0x4  }
0x31d: {  	[tilespmem:v19+s21+$0x0] =	vst.idx.msk $0xffff, v17;
	v19 =	vld.idx.msk [tilespmem:v11+s18+$0x0], $0xffff  }
0x31e: {  	v11 =	vld [tilespmem:$0x1FEB0];
	_ =	sdelay $0x7  }
0x31f: {  	[tilespmem:v11+s21+$0x0] =	vst.idx.msk $0xffff, v10  }
0x320: {  	v11 =	vld [tilespmem:$0x1FEC0];
	_ =	sdelay $0x6  }
0x321: {  	v6 =	vadd.s32 $0xC0, v3  }
0x322: {  	[tilespmem:v11+s21+$0x0] =	vst.idx.msk $0xffff, v12  }
0x323: {  	v11 =	vld [tilespmem:$0x1FED0];
	_ =	sdelay $0x2  }
0x324: {  	v6 =	vld.idx.msk [tilespmem:v6+s18+$0x0], $0xffff;
	_ =	sdelay $0x4  }
0x325: {  	[tilespmem:v11+s21+$0x0] =	vst.idx.msk $0xffff, v6  }
0x326: {  	v11 =	vld [tilespmem:$0x1FEE0];
	_ =	sdelay $0x6  }
0x327: {  	v8 =	vadd.s32 $0xA0, v5  }
0x328: {  	[tilespmem:v11+s21+$0x0] =	vst.idx.msk $0xffff, v15  }
0x329: {  	v12 =	vld [tilespmem:$0x1FEF0]  }
0x32a: {  	v18 =	vld.idx.msk [tilespmem:v9+s18+$0x0], $0xffff;
	v17 =	vadd.s32 $0x2, v29  }
0x32b: {  	v22 =	vadd.s32 $0x1, v17  }
0x32c: {  	v8 =	vld.idx.msk [tilespmem:v8+s18+$0x0], $0xffff;
	v10 =	vadd.s32 $0x10, v9;
	_ =	sdelay $0x2  }
0x32d: {  	[tilespmem:v17+s21+$0x0] =	vst.idx.msk $0xffff, v18  }
0x32e: {  	v13 =	vadd.s32 $0xF0, v2;
	[tilespmem:v22+s21+$0x0] =	vst.idx.msk $0xffff, v19  }
0x32f: {  	v54 =	vld.idx.msk [tilespmem:v10+s18+$0x0], $0xffff;
	[tilespmem:v12+s21+$0x0] =	vst.idx.msk $0xffff, v8  }
0x330: {  	v10 =	vld [tilespmem:$0x1FF10];
	_ =	sdelay $0x2  }
0x331: {  	v24 =	vld.idx.msk [tilespmem:v13+s18+$0x0], $0xffff;
	_ =	sdelay $0x3  }
0x332: {  	v14 =	vadd.s32 $0x50, v3  }
0x333: {  	[tilespmem:v10+s21+$0x0] =	vst.idx.msk $0xffff, v24  }
0x334: {  	v10 =	vld [tilespmem:$0x1FF20];
	_ =	sdelay $0x2  }
0x335: {  	v2 =	vadd.s32 $0x70, v2;
	v14 =	vld.idx.msk [tilespmem:v14+s18+$0x0], $0xffff;
	_ =	sdelay $0x3  }
0x336: {  	v7 =	vadd.s32 $0xD0, v3  }
0x337: {  	v50 =	vld.idx.msk [tilespmem:v2+s18+$0x0], $0xffff;
	[tilespmem:v10+s21+$0x0] =	vst.idx.msk $0xffff, v14  }
0x338: {  	v2 =	vld [tilespmem:$0x1FF30];
	_ =	sdelay $0x2  }
0x339: {  	v15 =	vld.idx.msk [tilespmem:v7+s18+$0x0], $0xffff;
	_ =	sdelay $0x3  }
0x33a: {  	v16 =	vadd.s32 $0x30, v5  }
0x33b: {  	[tilespmem:v2+s21+$0x0] =	vst.idx.msk $0xffff, v15  }
0x33c: {  	v25 =	vadd.s32 $0x90, v9;
	v2 =	vld [tilespmem:$0x1FF40]  }
0x33d: {  	v20 =	vadd.s32 $0xB0, v5  }
0x33e: {  	v26 =	vadd.s32 $0x60, v3  }
0x33f: {  	v16 =	vld.idx.msk [tilespmem:v16+s18+$0x0], $0xffff;
	v18 =	vadd.s32 $0xE0, v3;
	_ =	sdelay $0x1  }
0x340: {  	v55 =	vld.idx.msk [tilespmem:v25+s18+$0x0], $0xffff  }
0x341: {  	v53 =	vld.idx.msk [tilespmem:v20+s18+$0x0], $0xffff  }
0x342: {  	v44 =	vld.idx.msk [tilespmem:v26+s18+$0x0], $0xffff  }
0x343: {  	v21 =	vadd.s32 $0x40, v5;
	v56 =	vadd.s32 $0xC0, v5;
	v51 =	vld.idx.msk [tilespmem:v18+s18+$0x0], $0xffff;
	[tilespmem:v2+s21+$0x0] =	vst.idx.msk $0xffff, v16  }
0x344: {  	v57 =	vadd.s32 $0x331, v29;
	v32 =	vadd.s32 $0x20, v9;
	v30 =	vadd.s32 $0x30, v9;
	v34 =	vld [tilespmem:$0x1FF70]  }
0x345: {  	v27 =	vadd.s32 $0x40, v9;
	v23 =	vadd.s32 $0x50, v9;
	v59 =	vadd.s32 $0xA0, v9;
	v16 =	vld [tilespmem:$0x1FF80]  }
0x346: {  	v39 =	vadd.s32 $0x100, v9;
	v46 =	vadd.s32 $0x110, v17;
	v38 =	vadd.s32 $0x220, v17;
	v26 =	vld [tilespmem:$0x1FF90]  }
0x347: {  	v33 =	vadd.s32 $0x330, v17;
	v31 =	vadd.s32 $0x440, v17;
	v58 =	vadd.s32 $0x111, v17;
	v24 =	vld [tilespmem:$0x1FFA0]  }
0x348: {  	v13 =	vadd.s32 $0x50, v5;
	v6 =	vadd.s32 $0x70, v3;
	v11 =	vadd.s32 $0x60, v5;
	v15 =	vld [tilespmem:$0x1FFB0]  }
0x349: {  	v7 =	vadd.s32 $0x70, v5;
	v19 =	vadd.s32 $0x550, v17;
	v22 =	vmovc v29;
	v25 =	vadd.s32 $0x660, v17;
	v29 =	vld [tilespmem:$0x1FFC0]  }
0x34a: {  	s7 =	simm.s32 $0x6;
	v12 =	vadd.s32 $0x60, v9;
	v8 =	vadd.s32 $0x70, v9;
	v14 =	vadd.s32 $0x770, v17;
	v18 =	vmovc v17;
	v37 =	vld [tilespmem:$0x1FFD0]  }
.LBB2_18:
0x34b: {  	v2 =	vadd.s32 $0x10, v39;
	v10 =	vadd.s32 $0x80, v39;
	s7 =	sadd.s32 $0x2, s7;
	v20 =	vld.idx.msk [tilespmem:v21+s18+$0x0], $0xffff;
	[tilespmem:v57+s21+$0x0] =	vst.idx.msk $0xffff, v53;
	v35 =	vadd.s32 $0x661, v28;
	v21 =	vmovc v27  }
0x34c: {  	v36 =	vadd.s32 $0x20, v39;
	v40 =	vadd.s32 $0x30, v39;
	v42 =	vadd.s32 $0xF0, v3;
	v3 =	vmovc v5;
	p0 =	slt.u32 s7, $0xE;
	[tilespmem:v46+s21+$0x0] =	vst.idx.msk $0xffff, v54;
	v41 =	vld.idx.msk [tilespmem:v56+s18+$0x0], $0xffff  }
0x34d: {  	v27 =	vadd.s32 $0x40, v39;
	v43 =	vadd.s32 $0x50, v39;
	v54 =	vadd.s32 $0x441, v22;
	v53 =	vld.idx.msk [tilespmem:v32+s18+$0x0], $0xffff;
	[tilespmem:v58+s21+$0x0] =	vst.idx.msk $0xffff, v55;
	v32 =	vmovc v36  }
0x34e: {  	v60 =	vadd.s32 $0x70, v39;
	v56 =	vadd.s32 $0xD0, v3;
	v36 =	vadd.s32 $0x60, v39;
	v55 =	vld.idx.msk [tilespmem:v59+s18+$0x0], $0xffff;
	[tilespmem:v34+s21+$0x0] =	vst.idx.msk $0xffff, v50;
	v34 =	vmovc v16  }
0x34f: {  	v57 =	vadd.s32 $0x221, v17;
	v16 =	vmovc v15;
	v50 =	vld.idx.msk [tilespmem:v39+s18+$0x0], $0xffff;
	[tilespmem:v26+s21+$0x0] =	vst.idx.msk $0xffff, v44;
	v26 =	vmov v24;
	v24 =	vmov v25  }
0x350: {  	v17 =	vadd.s32 $0x2, v17;
	v5 =	vmovc v9;
	v15 =	vmov v14;
	v44 =	vadd.s32 $0xB0, v9;
	v10 =	vld.idx.msk [tilespmem:v10+s18+$0x0], $0xffff;
	[tilespmem:v35+s21+$0x0] =	vst.idx.msk $0xffff, v51  }
0x351: {  	v46 =	vadd.s32 $0x110, v17;
	v9 =	vadd.s32 $0x220, v17;
	v35 =	vadd.s32 $0x1, v17;
	[tilespmem:v29+s21+$0x0] =	vst.idx.msk $0xffff, v20;
	v20 =	vld.idx.msk [tilespmem:v42+s18+$0x0], $0xffff;
	v29 =	vmovc v31  }
0x352: {  	v51 =	vadd.s32 $0x90, v39;
	v42 =	vadd.s32 $0x330, v17;
	v59 =	vld.idx.msk [tilespmem:v13+s18+$0x0], $0xffff;
	[tilespmem:v54+s21+$0x0] =	vst.idx.msk $0xffff, v41;
	v41 =	vadd.s32 $0x771, v28;
	v13 =	vmovc v23  }
0x353: {  	v61 =	vadd.s32 $0x550, v17;
	v25 =	vadd.s32 $0x660, v17;
	v31 =	vadd.s32 $0x440, v17;
	v23 =	vmovc v43;
	[tilespmem:v38+s21+$0x0] =	vst.idx.msk $0xffff, v53;
	v62 =	vld.idx.msk [tilespmem:v56+s18+$0x0], $0xffff  }
0x354: {  	v63 =	vadd.s32 $0x551, v22;
	v14 =	vadd.s32 $0x770, v17;
	v28 =	vmovc v22;
	v43 =	vld.idx.msk [tilespmem:v30+s18+$0x0], $0xffff;
	[tilespmem:v57+s21+$0x0] =	vst.idx.msk $0xffff, v55;
	v30 =	vmov v40  }
0x355: {  	v22 =	vmovc v18;
	v18 =	vmov v17;
	v38 =	vmov v9;
	v40 =	vadd.s32 $0xE0, v3;
	[tilespmem:v17+s21+$0x0] =	vst.idx.msk $0xffff, v50;
	v53 =	vld.idx.msk [tilespmem:v44+s18+$0x0], $0xffff  }
.Ltmp8:
0x356: {  	v9 =	vmov v39;
	v57 =	vadd.s32 $0x331, v22;
	v54 =	vld.idx.msk [tilespmem:v2+s18+$0x0], $0xffff;
	[tilespmem:v35+s21+$0x0] =	vst.idx.msk $0xffff, v10;
	(pc) =	sbr.rel @p0 .LBB2_18-.Ltmp8, $4  }
0x357: {  	v56 =	vadd.s32 $0xC0, v5;
	v55 =	vld.idx.msk [tilespmem:v51+s18+$0x0], $0xffff;
	[tilespmem:v41+s21+$0x0] =	vst.idx.msk $0xffff, v20  }
0x358: {  	v58 =	vadd.s32 $0x111, v17;
	[tilespmem:v37+s21+$0x0] =	vst.idx.msk $0xffff, v59;
	v50 =	vld.idx.msk [tilespmem:v6+s18+$0x0], $0xffff;
	v6 =	vmovc v7;
	v7 =	vmov v8;
	v8 =	vmov v60  }
0x359: {  	v59 =	vadd.s32 $0xA0, v39;
	v37 =	vmovc v19;
	v44 =	vld.idx.msk [tilespmem:v11+s18+$0x0], $0xffff;
	[tilespmem:v63+s21+$0x0] =	vst.idx.msk $0xffff, v62;
	v11 =	vmov v12;
	v12 =	vmov v36  }
0x35a: {  	v39 =	vadd.s32 $0x100, v39;
	v19 =	vmov v61;
	[tilespmem:v33+s21+$0x0] =	vst.idx.msk $0xffff, v43;
	v51 =	vld.idx.msk [tilespmem:v40+s18+$0x0], $0xffff;
	v33 =	vmov v42  }
0x35b: {  	_ =	sdelay $0x3  }
0x35c: {  	[tilespmem:v46+s21+$0x0] =	vst.idx.msk $0xffff, v54  }
0x35d: {  	v10 =	vadd.s32 $0x221, v17;
	[tilespmem:v58+s21+$0x0] =	vst.idx.msk $0xffff, v55;
	v17 =	vld.idx.msk [tilespmem:v32+s18+$0x0], $0xffff  }
0x35e: {  	v2 =	vld.idx.msk [tilespmem:v59+s18+$0x0], $0xffff  }
0x35f: {  	v20 =	vadd.s32 $0xB0, v9;
	_ =	sdelay $0x2  }
0x360: {  	[tilespmem:v38+s21+$0x0] =	vst.idx.msk $0xffff, v17  }
0x361: {  	[tilespmem:v10+s21+$0x0] =	vst.idx.msk $0xffff, v2;
	v17 =	vld.idx.msk [tilespmem:v30+s18+$0x0], $0xffff  }
0x362: {  	v10 =	vadd.s32 $0x331, v18;
	v2 =	vld.idx.msk [tilespmem:v20+s18+$0x0], $0xffff  }
0x363: {  	v54 =	vadd.s32 $0xC0, v9;
	_ =	sdelay $0x1  }
0x364: {  	[tilespmem:v57+s21+$0x0] =	vst.idx.msk $0xffff, v53;
	v21 =	vld.idx.msk [tilespmem:v21+s18+$0x0], $0xffff  }
0x365: {  	v55 =	vld.idx.msk [tilespmem:v56+s18+$0x0], $0xffff;
	v56 =	vadd.s32 $0x441, v22;
	[tilespmem:v33+s21+$0x0] =	vst.idx.msk $0xffff, v17  }
0x366: {  	v35 =	vadd.s32 $0xD0, v5;
	[tilespmem:v10+s21+$0x0] =	vst.idx.msk $0xffff, v2;
	v17 =	vld.idx.msk [tilespmem:v27+s18+$0x0], $0xffff  }
0x367: {  	v10 =	vadd.s32 $0x441, v18;
	v2 =	vld.idx.msk [tilespmem:v54+s18+$0x0], $0xffff  }
0x368: {  	v57 =	vadd.s32 $0xD0, v9  }
0x369: {  	[tilespmem:v29+s21+$0x0] =	vst.idx.msk $0xffff, v21  }
0x36a: {  	[tilespmem:v56+s21+$0x0] =	vst.idx.msk $0xffff, v55;
	v13 =	vld.idx.msk [tilespmem:v13+s18+$0x0], $0xffff  }
0x36b: {  	v59 =	vadd.s32 $0x551, v22;
	v58 =	vld.idx.msk [tilespmem:v35+s18+$0x0], $0xffff;
	[tilespmem:v31+s21+$0x0] =	vst.idx.msk $0xffff, v17  }
0x36c: {  	v60 =	vadd.s32 $0xE0, v5;
	[tilespmem:v10+s21+$0x0] =	vst.idx.msk $0xffff, v2;
	v17 =	vld.idx.msk [tilespmem:v23+s18+$0x0], $0xffff  }
0x36d: {  	v10 =	vadd.s32 $0x551, v18;
	v2 =	vld.idx.msk [tilespmem:v57+s18+$0x0], $0xffff  }
0x36e: {  	v61 =	vadd.s32 $0xE0, v9;
	[tilespmem:v34+s21+$0x0] =	vst.idx.msk $0xffff, v50  }
0x36f: {  	v62 =	vadd.s32 $0x661, v28;
	[tilespmem:v37+s21+$0x0] =	vst.idx.msk $0xffff, v13  }
0x370: {  	v3 =	vadd.s32 $0xF0, v3;
	[tilespmem:v59+s21+$0x0] =	vst.idx.msk $0xffff, v58;
	v11 =	vld.idx.msk [tilespmem:v11+s18+$0x0], $0xffff  }
0x371: {  	v63 =	vadd.s32 $0x661, v22;
	v13 =	vld.idx.msk [tilespmem:v60+s18+$0x0], $0xffff;
	[tilespmem:v19+s21+$0x0] =	vst.idx.msk $0xffff, v17  }
0x372: {  	v5 =	vadd.s32 $0xF0, v5;
	[tilespmem:v10+s21+$0x0] =	vst.idx.msk $0xffff, v2;
	v12 =	vld.idx.msk [tilespmem:v12+s18+$0x0], $0xffff  }
0x373: {  	[tilespmem:v26+s21+$0x0] =	vst.idx.msk $0xffff, v44;
	v10 =	vadd.s32 $0x661, v18;
	v2 =	vld.idx.msk [tilespmem:v61+s18+$0x0], $0xffff  }
0x374: {  	v9 =	vadd.s32 $0xF0, v9;
	v6 =	vld.idx.msk [tilespmem:v6+s18+$0x0], $0xffff;
	[tilespmem:v62+s21+$0x0] =	vst.idx.msk $0xffff, v51  }
0x375: {  	v3 =	vld.idx.msk [tilespmem:v3+s18+$0x0], $0xffff;
	[tilespmem:v24+s21+$0x0] =	vst.idx.msk $0xffff, v11;
	v17 =	vadd.s32 $0x771, v28  }
0x376: {  	[tilespmem:v63+s21+$0x0] =	vst.idx.msk $0xffff, v13;
	v7 =	vld.idx.msk [tilespmem:v7+s18+$0x0], $0xffff  }
0x377: {  	v11 =	vadd.s32 $0x771, v22;
	v5 =	vld.idx.msk [tilespmem:v5+s18+$0x0], $0xffff;
	[tilespmem:v25+s21+$0x0] =	vst.idx.msk $0xffff, v12  }
0x378: {  	[tilespmem:v10+s21+$0x0] =	vst.idx.msk $0xffff, v2;
	v8 =	vld.idx.msk [tilespmem:v8+s18+$0x0], $0xffff  }
0x379: {  	[tilespmem:v16+s21+$0x0] =	vst.idx.msk $0xffff, v6;
	v2 =	vld.idx.msk [tilespmem:v9+s18+$0x0], $0xffff;
	v9 =	vadd.s32 $0x771, v18  }
0x37a: {  	[tilespmem:v17+s21+$0x0] =	vst.idx.msk $0xffff, v3;
	v3 =	vlaneseq.u32  }
0x37b: {  	[tilespmem:v15+s21+$0x0] =	vst.idx.msk $0xffff, v7  }
0x37c: {  	[tilespmem:v11+s21+$0x0] =	vst.idx.msk $0xffff, v5;
	v5 =	vadd.s32 $0x11, v3  }
0x37d: {  	[tilespmem:v14+s21+$0x0] =	vst.idx.msk $0xffff, v8  }
0x37e: {  	[tilespmem:v9+s21+$0x0] =	vst.idx.msk $0xffff, v2;
	v2 =	vadd.s32 $0x22, v3  }
0x37f: {  	v7 =	vadd.s32 $0x33, v3;
	v6 =	vld.idx.msk [tilespmem:v3+s21+$0x0], $0xffff;
	_ =	sdelay $0x1  }
0x380: {  	v8 =	vld.idx.msk [tilespmem:v5+s21+$0x0], $0xffff  }
0x381: {  	v9 =	vadd.s32 $0x44, v3  }
0x382: {  	v2 =	vld.idx.msk [tilespmem:v2+s21+$0x0], $0xffff  }
0x383: {  	v10 =	vadd.s32 $0x55, v3;
	v14 =	vld.idx.msk [tilespmem:v7+s21+$0x0], $0xffff;
	v6 =	vadd.f32 $9.999999770e-03, v6  }
0x384: {  	p0 =	por $0x1, $0x1;
	v11 =	vimm.f32 $0.0e+00;
	v17 =	vadd.s32 $0x66, v3;
	v5 =	vadd.s32 $0x10, v3  }
.Ltmp9:
0x385: {  	v7 =	vadd.f32 $9.999999770e-03, v8;
	v6 =	vadd.f32 v6, v11;
	(pc) =	sbr.rel @!p0 .LBB2_21-.Ltmp9, $4  }
0x386: {  	v13 =	vadd.s32 $0x77, v3;
	v8 =	vadd.s32 $0x20, v3;
	v11 =	vld.idx.msk [tilespmem:v9+s21+$0x0], $0xffff  }
0x387: {  	v15 =	vadd.f32 v7, v6;
	v2 =	vadd.f32 $9.999999770e-03, v2  }
0x388: {  	v12 =	vld.idx.msk [tilespmem:v10+s21+$0x0], $0xffff;
	v16 =	vadd.f32 $9.999999770e-03, v14;
	v9 =	vadd.s32 $0x30, v3;
	[tilespmem:v3+s22+$0x0] =	vst.idx.msk $0xffff, v6  }
0x389: {  	s7 =	simm.s32 $0x0;
	v14 =	vld.idx.msk [tilespmem:v17+s21+$0x0], $0xffff;
	v7 =	vadd.s32 $0x88, v3;
	v6 =	vlaneseq.u32;
	[tilespmem:v5+s22+$0x0] =	vst.idx.msk $0xffff, v15;
	v15 =	vadd.f32 v2, v15  }
.LBB2_20:
0x38a: {  	v2 =	vadd.s32 $0x11, v7;
	s7 =	sadd.s32 $0x8, s7;
	v10 =	vadd.s32 $0x40, v6  }
0x38b: {  	v11 =	vadd.f32 $9.999999770e-03, v11;
	p0 =	slt.u32 s7, $0x78;
	[tilespmem:v8+s22+$0x0] =	vst.idx.msk $0xffff, v15;
	v8 =	vadd.f32 v16, v15;
	v13 =	vld.idx.msk [tilespmem:v13+s21+$0x0], $0xffff  }
0x38c: {  	v15 =	vadd.s32 $0x22, v7;
	v16 =	vadd.s32 $0x50, v6  }
0x38d: {  	v17 =	vld.idx.msk [tilespmem:v7+s21+$0x0], $0xffff;
	[tilespmem:v9+s22+$0x0] =	vst.idx.msk $0xffff, v8;
	v8 =	vadd.f32 v11, v8;
	v9 =	vadd.f32 $9.999999770e-03, v12  }
0x38e: {  	v11 =	vadd.s32 $0x33, v7;
	v12 =	vadd.s32 $0x60, v6  }
0x38f: {  	v2 =	vld.idx.msk [tilespmem:v2+s21+$0x0], $0xffff;
	[tilespmem:v10+s22+$0x0] =	vst.idx.msk $0xffff, v8;
	v8 =	vadd.f32 v9, v8;
	v9 =	vadd.f32 $9.999999770e-03, v14  }
0x390: {  	v10 =	vadd.s32 $0x44, v7;
	v14 =	vadd.s32 $0x70, v6  }
0x391: {  	v15 =	vld.idx.msk [tilespmem:v15+s21+$0x0], $0xffff;
	[tilespmem:v16+s22+$0x0] =	vst.idx.msk $0xffff, v8;
	v8 =	vadd.f32 v9, v8;
	v9 =	vadd.f32 $9.999999770e-03, v13  }
0x392: {  	v6 =	vadd.s32 $0x80, v6;
	v16 =	vadd.s32 $0x55, v7  }
0x393: {  	v13 =	vadd.f32 $9.999999770e-03, v17;
	v17 =	vld.idx.msk [tilespmem:v11+s21+$0x0], $0xffff;
	[tilespmem:v12+s22+$0x0] =	vst.idx.msk $0xffff, v8;
	v8 =	vadd.f32 v9, v8  }
0x394: {  	v19 =	vadd.s32 $0x66, v7;
	v18 =	vadd.s32 $0x10, v6  }
.Ltmp10:
0x395: {  	v2 =	vadd.f32 $9.999999770e-03, v2;
	v9 =	vadd.f32 v13, v8;
	v11 =	vld.idx.msk [tilespmem:v10+s21+$0x0], $0xffff;
	[tilespmem:v14+s22+$0x0] =	vst.idx.msk $0xffff, v8;
	(pc) =	sbr.rel @p0 .LBB2_20-.Ltmp10, $4  }
0x396: {  	v8 =	vadd.s32 $0x20, v6;
	v13 =	vadd.s32 $0x77, v7  }
0x397: {  	v10 =	vadd.f32 $9.999999770e-03, v15;
	[tilespmem:v6+s22+$0x0] =	vst.idx.msk $0xffff, v9;
	v2 =	vadd.f32 v2, v9;
	v12 =	vld.idx.msk [tilespmem:v16+s21+$0x0], $0xffff  }
0x398: {  	v7 =	vadd.s32 $0x88, v7;
	v9 =	vadd.s32 $0x30, v6  }
0x399: {  	v16 =	vadd.f32 $9.999999770e-03, v17;
	[tilespmem:v18+s22+$0x0] =	vst.idx.msk $0xffff, v2;
	v15 =	vadd.f32 v10, v2;
	v14 =	vld.idx.msk [tilespmem:v19+s21+$0x0], $0xffff  }
.LBB2_21:
0x39a: {  	_ =	sdelay $0x2  }
0x39b: {  	v2 =	vadd.f32 v16, v15;
	v7 =	vadd.f32 $9.999999770e-03, v11  }
0x39c: {  	v10 =	vld.idx.msk [tilespmem:v13+s21+$0x0], $0xffff  }
0x39d: {  	v7 =	vadd.f32 v7, v2;
	v11 =	vadd.f32 $9.999999770e-03, v12;
	_ =	sdelay $0x1  }
0x39e: {  	v12 =	vadd.s32 $0x40, v6;
	v13 =	vadd.f32 $9.999999770e-03, v14;
	v11 =	vadd.f32 v11, v7  }
0x39f: {  	v14 =	vadd.s32 $0x50, v6  }
0x3a0: {  	v16 =	vadd.s32 $0x60, v6;
	v10 =	vadd.f32 $9.999999770e-03, v10;
	v13 =	vadd.f32 v13, v11  }
0x3a1: {  	[tilespmem:v8+s22+$0x0] =	vst.idx.msk $0xffff, v15;
	v6 =	vadd.s32 $0x70, v6  }
0x3a2: {  	[tilespmem:v9+s22+$0x0] =	vst.idx.msk $0xffff, v2;
	v2 =	vadd.f32 v10, v13  }
0x3a3: {  	v50 =	vmul.u32 $0x81, v49;
	[tilespmem:v12+s22+$0x0] =	vst.idx.msk $0xffff, v7  }
0x3a4: {  	[tilespmem:v14+s22+$0x0] =	vst.idx.msk $0xffff, v11;
	v7 =	vsub.f32 $9.999999740e-06, v2  }
0x3a5: {  	[tilespmem:v16+s22+$0x0] =	vst.idx.msk $0xffff, v13  }
0x3a6: {  	[tilespmem:v6+s22+$0x0] =	vst.idx.msk $0xffff, v2;
	v6 =	vmax.f32 v7, $0.0e+00;
	v7 =	vimm.f32 $0.0e+00  }
0x3a7: {  	v2 =	vadd.f32 v6, v2;
	[tilespmem:v3+s23+$0x0] =	vst.idx.msk $0xffff, v7  }
0x3a8: {  	[tilespmem:v3+s13+$0x0] =	vst.idx.add.s32.msk $0xffff, v4  }
0x3a9: {  	(erf) = vrcp.f32 v2;
	v2 =	vld.idx.msk [tilespmem:v50+s19+$0x0], $0xffff;
	_ =	sdelay $0x2  }
0x3aa: {  	v51 =	vmul.u32 $0x102, v49;
	v49 =	vsub.f32 v52, v48;
	_ =	sdelay $0x1  }
0x3ab: {  	v2 =	vmul.f32 v2, v49;
	_ =	sdelay $0x1  }
0x3ac: {  	v2 =	vadd.f32 v2, v48;
	_ =	sdelay $0x1  }
0x3ad: {  	[tilespmem:v51+s26+$0x0] =	vst.idx.msk $0xffff, v2  }
0x3ae: {  	v2 =	vld.idx.msk [tilespmem:v3+s22+$0x0], $0xffff;
	_ =	sdelay $0x2  }
0x3af: {  	v53 =	vmul.f32 $7.812500000e-03, v6;
	_ =	sdelay $0x1  }
0x3b0: {  	v2 =	vadd.f32 v2, v53  }
0x3b1: {  	v52 =	vpop (erf)  }
0x3b2: {  	v2 =	vmul.f32 v2, v52;
	_ =	sdelay $0x1  }
0x3b3: {  	v2 =	vmin.f32 v2, $1.000000000e+00  }
0x3b4: {  	v6 =	vmul.f32 $1.290000000e+02, v2;
	_ =	sdelay $0x1  }
0x3b5: {  	v6 =	vadd.f32 $-5.000000000e-01, v6;
	_ =	sdelay $0x1  }
0x3b6: {  	v7 =	vtrunc.f32 v6  }
0x3b7: {  	v8 =	vcvt.f32.s32 v7;
	vm0 =	vgt.f32 v6, v7  }
0x3b8: {  	v6 =	vadd.s32 $0x20, v3;
	v7 =	vsel vm0, $0x1, v0  }
0x3b9: {  	v16 =	vor.u32 $0x1, v51;
	v7 =	vadd.s32 v8, v7  }
0x3ba: {  	v10 =	vadd.s32 $0x30, v3;
	v8 =	vshll.u32 v7, $0x4;
	v7 =	vadd.s32 v16, v7  }
0x3bb: {  	v17 =	vor.u32 $0x10, v3;
	v25 =	vadd.s32 $0x60, v3;
	v11 =	vadd.s32 $0x40, v3;
	[tilespmem:$0x1FCE0] =	vst v7  }
0x3bc: {  	v15 =	vadd.s32 $0x50, v3;
	v22 =	vadd.s32 $0x10, v17;
	v23 =	vadd.s32 $0x20, v17;
	v12 =	vld.idx.msk [tilespmem:v5+s22+$0x0], $0xffff  }
0x3bd: {  	v24 =	vadd.s32 $0x30, v17;
	v28 =	vadd.s32 $0x60, v17;
	v20 =	vadd.f32 v53, v53;
	v14 =	vld.idx.msk [tilespmem:v6+s22+$0x0], $0xffff  }
0x3be: {  	v30 =	vadd.s32 $0x70, v17;
	v19 =	vadd.s32 $0x1, v50;
	v21 =	vadd.s32 $0x7, v50  }
0x3bf: {  	v9 =	vadd.s32 $0x80, v17;
	v13 =	vadd.s32 $0x80, v3;
	v26 =	vadd.f32 v20, v53;
	v10 =	vld.idx.msk [tilespmem:v10+s22+$0x0], $0xffff  }
0x3c0: {  	v29 =	vadd.s32 $0x10, v13;
	v32 =	vadd.s32 $0x30, v13;
	v46 =	vadd.s32 $0x40, v13;
	v27 =	vld.idx.msk [tilespmem:v11+s22+$0x0], $0xffff  }
0x3c1: {  	v3 =	vadd.s32 $0x70, v3;
	v12 =	vadd.f32 v12, v20;
	v20 =	vadd.f32 v26, v53  }
0x3c2: {  	v18 =	vor.u32 v1, v8;
	v8 =	vadd.s32 $0x8, v16;
	v15 =	vld.idx.msk [tilespmem:v15+s22+$0x0], $0xffff;
	v14 =	vadd.f32 v14, v26  }
0x3c3: {  	v7 =	vadd.s32 $0x40, v17;
	v12 =	vmul.f32 v12, v52;
	v31 =	vadd.f32 v20, v53  }
0x3c4: {  	v11 =	vadd.s32 $0x50, v17;
	v14 =	vmul.f32 v14, v52;
	v10 =	vadd.f32 v10, v20  }
0x3c5: {  	v20 =	vld.idx.msk [tilespmem:v25+s22+$0x0], $0xffff;
	v25 =	vmin.f32 v12, $1.000000000e+00;
	v12 =	vadd.f32 v27, v31;
	v27 =	vadd.f32 v31, v53  }
0x3c6: {  	v26 =	vadd.s32 $0x20, v13;
	v10 =	vmul.f32 v10, v52;
	v33 =	vmin.f32 v14, $1.000000000e+00  }
0x3c7: {  	v31 =	vmul.f32 $1.290000000e+02, v25;
	v34 =	vmul.f32 $1.290000000e+02, v33;
	v14 =	vadd.f32 v15, v27  }
0x3c8: {  	v3 =	vld.idx.msk [tilespmem:v3+s22+$0x0], $0xffff;
	v12 =	vmul.f32 v12, v52;
	v15 =	vadd.f32 v27, v53;
	v10 =	vmin.f32 v10, $1.000000000e+00  }
0x3c9: {  	v27 =	vld.idx.msk [tilespmem:v13+s22+$0x0], $0xffff;
	v31 =	vadd.f32 $-5.000000000e-01, v31;
	v36 =	vmul.f32 $1.290000000e+02, v10;
	v35 =	vmul.f32 v14, v52  }
0x3ca: {  	v20 =	vadd.f32 v20, v15;
	v15 =	vadd.f32 v15, v53;
	v14 =	vmin.f32 v12, $1.000000000e+00  }
0x3cb: {  	v34 =	vadd.f32 $-5.000000000e-01, v34;
	v36 =	vadd.f32 $-5.000000000e-01, v36;
	v37 =	vmul.f32 $1.290000000e+02, v14  }
0x3cc: {  	v39 =	vtrunc.f32 v31;
	v12 =	vmul.f32 v20, v52;
	v20 =	vadd.f32 v15, v53  }
0x3cd: {  	v3 =	vadd.f32 v3, v15;
	v15 =	vmin.f32 v35, $1.000000000e+00;
	vm2 =	vgt.f32 v31, v39  }
0x3ce: {  	v37 =	vadd.f32 $-5.000000000e-01, v37;
	v42 =	vtrunc.f32 v36;
	v27 =	vadd.f32 v27, v20  }
0x3cf: {  	v35 =	vmin.f32 v12, $1.000000000e+00;
	v3 =	vmul.f32 v3, v52;
	v12 =	vmul.f32 $1.290000000e+02, v15  }
0x3d0: {  	vm4 =	vgt.f32 v36, v42;
	v20 =	vadd.f32 v20, v53;
	v38 =	vmul.f32 $1.290000000e+02, v35  }
0x3d1: {  	v54 =	vtrunc.f32 v37;
	v58 =	vsel vm4, $0x1, v0;
	v27 =	vmul.f32 v27, v52  }
0x3d2: {  	v3 =	vmin.f32 v3, $1.000000000e+00;
	v40 =	vadd.f32 $-5.000000000e-01, v12;
	v63 =	vcvt.f32.s32 v54  }
0x3d3: {  	vm5 =	vgt.f32 v37, v54;
	v38 =	vadd.f32 $-5.000000000e-01, v38;
	v41 =	vmul.f32 $1.290000000e+02, v3  }
0x3d4: {  	[tilespmem:v17+s23+$0x0] =	vst.idx.msk $0xffff, v2;
	v12 =	vmin.f32 v27, $1.000000000e+00;
	v27 =	vtrunc.f32 v34;
	v55 =	vtrunc.f32 v40  }
0x3d5: {  	[tilespmem:v18+s13+$0x0] =	vst.idx.add.s32.msk $0xffff, v4;
	v18 =	vsel vm5, $0x1, v0;
	v43 =	vmul.f32 $1.290000000e+02, v12;
	v44 =	vtrunc.f32 v38  }
0x3d6: {  	v41 =	vadd.f32 $-5.000000000e-01, v41;
	v31 =	vcvt.f32.s32 v27;
	vm3 =	vgt.f32 v34, v27  }
0x3d7: {  	v27 =	vcvt.f32.s32 v42;
	v47 =	vcvt.f32.s32 v55;
	vm7 =	vgt.f32 v40, v55  }
0x3d8: {  	v34 =	vadd.s32 v63, v18;
	v56 =	vcvt.f32.s32 v44;
	vm15 =	vgt.f32 v38, v44  }
0x3d9: {  	v38 =	vcvt.f32.s32 v39;
	v39 =	vsel vm2, $0x1, v0;
	v17 =	vsel vm3, $0x1, v0  }
0x3da: {  	[tilespmem:v22+s23+$0x0] =	vst.idx.msk $0xffff, v25;
	v60 =	vsel vm7, $0x1, v0;
	v43 =	vadd.f32 $-5.000000000e-01, v43;
	v57 =	vtrunc.f32 v41  }
0x3db: {  	v17 =	vadd.s32 v31, v17;
	v27 =	vadd.s32 v27, v58;
	v25 =	vadd.s32 v47, v60  }
0x3dc: {  	v61 =	vcvt.f32.s32 v57;
	vm1 =	vgt.f32 v41, v57;
	v57 =	vsel vm15, $0x1, v0  }
0x3dd: {  	v19 =	vld.idx.msk [tilespmem:v19+s19+$0x0], $0xffff;
	[tilespmem:v24+s23+$0x0] =	vst.idx.msk $0xffff, v10;
	v38 =	vadd.s32 v38, v39;
	v10 =	vshll.u32 v27, $0x4;
	v62 =	vtrunc.f32 v43  }
0x3de: {  	[tilespmem:v23+s23+$0x0] =	vst.idx.msk $0xffff, v33;
	v2 =	vsel vm1, $0x1, v0;
	v31 =	vadd.s32 v56, v57;
	v23 =	vshll.u32 v38, $0x4  }
0x3df: {  	v54 =	vcvt.f32.s32 v62;
	vm6 =	vgt.f32 v43, v62;
	v2 =	vadd.s32 v61, v2  }
0x3e0: {  	v18 =	vshll.u32 v31, $0x4;
	v62 =	vshll.u32 v17, $0x4;
	v44 =	vor.u32 v1, v23  }
0x3e1: {  	v59 =	vsel vm6, $0x1, v0;
	v22 =	vshll.u32 v2, $0x4;
	v47 =	vor.u32 v1, v18  }
0x3e2: {  	v33 =	vor.u32 v1, v62;
	v18 =	vmul.f32 v19, v49;
	v61 =	vadd.s32 v54, v59  }
0x3e3: {  	[tilespmem:v28+s23+$0x0] =	vst.idx.msk $0xffff, v35;
	v2 =	vadd.s32 v2, v16;
	v60 =	vor.u32 v1, v22;
	v24 =	vshll.u32 v61, $0x4  }
0x3e4: {  	v23 =	vadd.s32 $0x7, v2;
	v2 =	vadd.s32 v38, v16;
	v22 =	vor.u32 v1, v24;
	v24 =	vld.idx.msk [tilespmem:v29+s22+$0x0], $0xffff  }
0x3e5: {  	v29 =	vld.idx.msk [tilespmem:v26+s22+$0x0], $0xffff;
	v26 =	vadd.f32 v18, v48;
	v18 =	vadd.s32 $0x1, v2;
	v2 =	vadd.s32 v17, v16  }
0x3e6: {  	v5 =	vadd.s32 $0x8, v50;
	[tilespmem:v30+s23+$0x0] =	vst.idx.msk $0xffff, v3;
	v30 =	vld.idx.msk [tilespmem:v32+s22+$0x0], $0xffff;
	v10 =	vor.u32 v1, v10;
	v2 =	vadd.s32 $0x2, v2  }
0x3e7: {  	v36 =	vadd.s32 $0x10, v9;
	v3 =	vadd.s32 v27, v16;
	v19 =	vadd.s32 v31, v16;
	v31 =	vld.idx.msk [tilespmem:v46+s22+$0x0], $0xffff;
	[tilespmem:$0x1FCF0] =	vst v2  }
0x3e8: {  	v32 =	vadd.s32 $0x4, v50;
	v55 =	vadd.s32 $0x8, v5;
	v3 =	vadd.s32 $0x3, v3;
	[tilespmem:v44+s13+$0x0] =	vst.idx.add.s32.msk $0xffff, v4  }
0x3e9: {  	v40 =	vadd.s32 $0x70, v13;
	v63 =	vshll.u32 v34, $0x4;
	v38 =	vadd.s32 $0x60, v13;
	[tilespmem:$0x1FD00] =	vst v3  }
0x3ea: {  	v42 =	vadd.s32 $0x20, v9;
	v37 =	vor.u32 v1, v63;
	v63 =	vadd.s32 $0x70, v9;
	[tilespmem:v33+s13+$0x0] =	vst.idx.add.s32.msk $0xffff, v4  }
0x3eb: {  	v28 =	vshll.u32 v25, $0x4;
	v25 =	vadd.s32 v25, v16;
	v27 =	vadd.s32 $0x1, v5;
	[tilespmem:v10+s13+$0x0] =	vst.idx.add.s32.msk $0xffff, v4  }
0x3ec: {  	v28 =	vor.u32 v1, v28;
	v43 =	vadd.s32 $0x30, v9;
	v46 =	vadd.s32 $0x50, v13;
	[tilespmem:v47+s13+$0x0] =	vst.idx.add.s32.msk $0xffff, v4  }
0x3ed: {  	v62 =	vadd.s32 $0x60, v9;
	v2 =	vadd.s32 v34, v16;
	v34 =	vadd.s32 $0x5, v50;
	[tilespmem:v60+s13+$0x0] =	vst.idx.add.s32.msk $0xffff, v4  }
0x3ee: {  	v56 =	vadd.s32 $0x4, v2;
	v2 =	vadd.s32 $0x2, v50;
	v33 =	vadd.f32 v20, v53;
	v38 =	vld.idx.msk [tilespmem:v38+s22+$0x0], $0xffff  }
0x3ef: {  	v19 =	vadd.s32 $0x6, v19;
	v59 =	vadd.s32 $0x80, v9;
	v58 =	vadd.s32 v8, v61;
	v35 =	vld.idx.msk [tilespmem:v5+s19+$0x0], $0xffff  }
0x3f0: {  	v54 =	vadd.s32 $0x8, v8;
	v44 =	vadd.s32 $0x40, v9;
	[tilespmem:v7+s23+$0x0] =	vst.idx.msk $0xffff, v14;
	v21 =	vld.idx.msk [tilespmem:v21+s19+$0x0], $0xffff;
	v41 =	vadd.f32 v33, v53  }
0x3f1: {  	v3 =	vadd.s32 $0x80, v13;
	v10 =	vadd.s32 $0x3, v50;
	v20 =	vadd.f32 v24, v20;
	[tilespmem:v37+s13+$0x0] =	vst.idx.add.s32.msk $0xffff, v4  }
0x3f2: {  	v60 =	vadd.s32 $0x50, v9;
	v33 =	vadd.f32 v29, v33;
	v34 =	vld.idx.msk [tilespmem:v34+s19+$0x0], $0xffff;
	v61 =	vadd.f32 v41, v53  }
0x3f3: {  	v13 =	vadd.s32 $0x20, v3;
	v20 =	vmul.f32 v20, v52;
	v2 =	vld.idx.msk [tilespmem:v2+s19+$0x0], $0xffff;
	v30 =	vadd.f32 v30, v41  }
0x3f4: {  	v46 =	vld.idx.msk [tilespmem:v46+s22+$0x0], $0xffff;
	v33 =	vmul.f32 v33, v52;
	v47 =	vadd.f32 v61, v53;
	v35 =	vmul.f32 v35, v49  }
0x3f5: {  	v40 =	vld.idx.msk [tilespmem:v40+s22+$0x0], $0xffff;
	v20 =	vmin.f32 v20, $1.000000000e+00;
	v21 =	vmul.f32 v21, v49;
	v30 =	vmul.f32 v30, v52  }
0x3f6: {  	v31 =	vadd.f32 v31, v61;
	v61 =	vmul.f32 $1.290000000e+02, v20;
	v29 =	vadd.f32 v47, v53  }
0x3f7: {  	[tilespmem:v9+s23+$0x0] =	vst.idx.msk $0xffff, v12;
	v33 =	vmin.f32 v33, $1.000000000e+00;
	v9 =	vmul.f32 v34, v49;
	v35 =	vadd.f32 v35, v48  }
0x3f8: {  	v17 =	vmovc v8;
	v8 =	vmul.f32 v2, v49;
	v41 =	vadd.f32 v29, v53;
	v29 =	vadd.f32 v38, v29  }
0x3f9: {  	v31 =	vmul.f32 v31, v52;
	v46 =	vadd.f32 v46, v47;
	v47 =	vmul.f32 $1.290000000e+02, v33  }
0x3fa: {  	v30 =	vmin.f32 v30, $1.000000000e+00;
	v38 =	vadd.f32 v40, v41;
	v29 =	vmul.f32 v29, v52  }
0x3fb: {  	v16 =	vmovc v5;
	v5 =	vmul.f32 $1.290000000e+02, v30;
	v47 =	vadd.f32 $-5.000000000e-01, v47;
	v40 =	vadd.f32 $-5.000000000e-01, v61;
	v61 =	vld.idx.msk [tilespmem:v3+s22+$0x0], $0xffff  }
0x3fc: {  	v14 =	vmul.f32 v46, v52;
	v38 =	vmul.f32 v38, v52;
	v29 =	vmin.f32 v29, $1.000000000e+00  }
0x3fd: {  	[tilespmem:v11+s23+$0x0] =	vst.idx.msk $0xffff, v15;
	v11 =	vmin.f32 v31, $1.000000000e+00;
	v5 =	vadd.f32 $-5.000000000e-01, v5;
	v2 =	vmul.f32 $1.290000000e+02, v29  }
0x3fe: {  	v15 =	vmul.f32 $1.290000000e+02, v11;
	v7 =	vadd.f32 v41, v53;
	v38 =	vmin.f32 v38, $1.000000000e+00  }
0x3ff: {  	v14 =	vmin.f32 v14, $1.000000000e+00;
	v6 =	vmul.f32 $1.290000000e+02, v38;
	v2 =	vadd.f32 $-5.000000000e-01, v2  }
0x400: {  	[tilespmem:v28+s13+$0x0] =	vst.idx.add.s32.msk $0xffff, v4;
	v41 =	vadd.f32 v21, v48;
	v28 =	vadd.f32 v61, v7;
	v61 =	vmul.f32 $1.290000000e+02, v14  }
0x401: {  	v15 =	vadd.f32 $-5.000000000e-01, v15;
	v6 =	vadd.f32 $-5.000000000e-01, v6;
	v31 =	vtrunc.f32 v2  }
0x402: {  	v28 =	vmul.f32 v28, v52;
	v34 =	vadd.f32 $-5.000000000e-01, v61;
	v61 =	vld [tilespmem:$0x1FCE0];
	[tilespmem:v36+s23+$0x0] =	vst.idx.msk $0xffff, v20;
	v36 =	vadd.f32 v8, v48  }
0x403: {  	[tilespmem:v23+s26+$0x0] =	vst.idx.msk $0xffff, v35;
	vm8 =	vgt.f32 v2, v31;
	v20 =	vcvt.f32.s32 v31;
	v2 =	vtrunc.f32 v6  }
0x404: {  	[tilespmem:v44+s23+$0x0] =	vst.idx.msk $0xffff, v11;
	v28 =	vmin.f32 v28, $1.000000000e+00;
	v23 =	vtrunc.f32 v34;
	v11 =	vsel vm8, $0x1, v0  }
0x405: {  	vm9 =	vgt.f32 v6, v2;
	v6 =	vtrunc.f32 v40;
	v2 =	vcvt.f32.s32 v2  }
0x406: {  	vm14 =	vgt.f32 v34, v23;
	v23 =	vcvt.f32.s32 v23;
	v11 =	vadd.s32 v20, v11  }
0x407: {  	vm10 =	vgt.f32 v40, v6;
	v40 =	vtrunc.f32 v47;
	v46 =	vsel vm9, $0x1, v0  }
0x408: {  	v6 =	vcvt.f32.s32 v6;
	v34 =	vsel vm14, $0x1, v0;
	vm11 =	vgt.f32 v47, v40  }
0x409: {  	v2 =	vadd.s32 v2, v46;
	v47 =	vtrunc.f32 v5;
	v46 =	vcvt.f32.s32 v40  }
0x40a: {  	[tilespmem:v60+s23+$0x0] =	vst.idx.msk $0xffff, v14;
	v14 =	vadd.s32 v23, v34;
	vm12 =	vgt.f32 v5, v47;
	v5 =	vsel vm10, $0x1, v0  }
0x40b: {  	[tilespmem:v62+s23+$0x0] =	vst.idx.msk $0xffff, v29;
	v47 =	vcvt.f32.s32 v47;
	v23 =	vshll.u32 v2, $0x4;
	v62 =	vshll.u32 v14, $0x4  }
0x40c: {  	[tilespmem:v43+s23+$0x0] =	vst.idx.msk $0xffff, v30;
	v2 =	vadd.s32 v2, v17;
	v5 =	vadd.s32 v6, v5;
	v6 =	vmul.f32 $1.290000000e+02, v28  }
0x40d: {  	v30 =	vsel vm12, $0x1, v0;
	v8 =	vadd.s32 $0x7, v2;
	[tilespmem:v61+s26+$0x0] =	vst.idx.msk $0xffff, v26;
	v26 =	vtrunc.f32 v15  }
0x40e: {  	[tilespmem:v22+s13+$0x0] =	vst.idx.add.s32.msk $0xffff, v4;
	v20 =	vadd.s32 v47, v30;
	v47 =	vor.u32 v1, v23;
	v6 =	vadd.f32 $-5.000000000e-01, v6  }
0x40f: {  	v27 =	vld.idx.msk [tilespmem:v27+s19+$0x0], $0xffff;
	vm13 =	vgt.f32 v15, v26;
	v15 =	vsel vm11, $0x1, v0;
	v26 =	vcvt.f32.s32 v26  }
0x410: {  	v2 =	vadd.s32 v5, v17;
	v15 =	vadd.s32 v46, v15;
	v22 =	vsel vm13, $0x1, v0  }
0x411: {  	v32 =	vld.idx.msk [tilespmem:v32+s19+$0x0], $0xffff;
	[tilespmem:v42+s23+$0x0] =	vst.idx.msk $0xffff, v33;
	v31 =	vtrunc.f32 v6;
	v30 =	vadd.s32 v26, v22;
	v26 =	vshll.u32 v5, $0x4  }
0x412: {  	v10 =	vld.idx.msk [tilespmem:v10+s19+$0x0], $0xffff;
	[tilespmem:v63+s23+$0x0] =	vst.idx.msk $0xffff, v38;
	v22 =	vshll.u32 v11, $0x4;
	v29 =	vshll.u32 v15, $0x4;
	v63 =	vor.u32 v1, v26  }
0x413: {  	[tilespmem:v19+s26+$0x0] =	vst.idx.msk $0xffff, v41;
	vm15 =	vgt.f32 v6, v31;
	v6 =	vcvt.f32.s32 v31;
	v29 =	vor.u32 v1, v29  }
0x414: {  	v61 =	vshll.u32 v30, $0x4;
	v26 =	vld.idx.msk [tilespmem:v13+s22+$0x0], $0xffff;
	v13 =	vmul.f32 v27, v49;
	v27 =	vor.u32 v1, v62  }
0x415: {  	[tilespmem:v18+s26+$0x0] =	vst.idx.msk $0xffff, v36;
	v46 =	vor.u32 v1, v22;
	v62 =	vadd.s32 $0x1, v2;
	v2 =	vadd.s32 v20, v17  }
0x416: {  	v31 =	vsel vm15, $0x1, v0;
	v35 =	vor.u32 v1, v61;
	v61 =	vadd.s32 $0x3, v2;
	[tilespmem:v47+s13+$0x0] =	vst.idx.add.s32.msk $0xffff, v4  }
0x417: {  	v2 =	vadd.s32 $0x2, v16;
	v6 =	vadd.s32 v6, v31;
	v31 =	vshll.u32 v20, $0x4;
	[tilespmem:v63+s13+$0x0] =	vst.idx.add.s32.msk $0xffff, v4  }
0x418: {  	v60 =	vshll.u32 v6, $0x4;
	v31 =	vor.u32 v1, v31;
	[tilespmem:v29+s13+$0x0] =	vst.idx.add.s32.msk $0xffff, v4  }
0x419: {  	v34 =	vor.u32 v1, v60;
	[tilespmem:v27+s13+$0x0] =	vst.idx.add.s32.msk $0xffff, v4  }
0x41a: {  	v32 =	vmul.f32 v32, v49;
	[tilespmem:v46+s13+$0x0] =	vst.idx.add.s32.msk $0xffff, v4  }
0x41b: {  	[tilespmem:v35+s13+$0x0] =	vst.idx.add.s32.msk $0xffff, v4  }
0x41c: {  	v39 =	vadd.s32 $0x6, v50;
	v43 =	vadd.f32 v32, v48;
	[tilespmem:v59+s23+$0x0] =	vst.idx.msk $0xffff, v28;
	v32 =	vld.idx.msk [tilespmem:v2+s19+$0x0], $0xffff  }
0x41d: {  	[tilespmem:v31+s13+$0x0] =	vst.idx.add.s32.msk $0xffff, v4  }
0x41e: {  	[tilespmem:v34+s13+$0x0] =	vst.idx.add.s32.msk $0xffff, v4  }
0x41f: {  	v2 =	vld [tilespmem:$0x1FCF0];
	_ =	sdelay $0x1  }
0x420: {  	v39 =	vld.idx.msk [tilespmem:v39+s19+$0x0], $0xffff  }
0x421: {  	v57 =	vadd.s32 $0x5, v25;
	v25 =	vadd.s32 $0x10, v3  }
0x422: {  	v10 =	vmul.f32 v10, v49;
	_ =	sdelay $0x1  }
0x423: {  	v10 =	vadd.f32 v10, v48  }
0x424: {  	v24 =	vadd.s32 $0x30, v3;
	v12 =	vmul.f32 v39, v49;
	v33 =	vadd.s32 $0x40, v3  }
0x425: {  	v39 =	vadd.s32 $0x4, v16;
	v42 =	vadd.s32 $0x7, v16;
	v38 =	vadd.s32 $0x5, v16;
	v28 =	vld.idx.msk [tilespmem:v25+s22+$0x0], $0xffff;
	[tilespmem:v2+s26+$0x0] =	vst.idx.msk $0xffff, v10  }
0x426: {  	v19 =	vadd.s32 $0x30, v59;
	v25 =	vadd.f32 v9, v48;
	v9 =	vadd.s32 v14, v17;
	v2 =	vld [tilespmem:$0x1FD00]  }
0x427: {  	v18 =	vadd.s32 $0x40, v59;
	v23 =	vadd.f32 v12, v48;
	v14 =	vadd.s32 $0x5, v9  }
0x428: {  	v9 =	vadd.s32 $0x80, v3;
	v11 =	vadd.s32 v11, v17;
	v5 =	vadd.s32 v15, v17  }
0x429: {  	v22 =	vld.idx.msk [tilespmem:v33+s22+$0x0], $0xffff;
	v33 =	vadd.s32 $0x10, v59;
	v21 =	vadd.f32 v13, v48;
	v20 =	vadd.s32 $0x3, v16  }
0x42a: {  	v13 =	vadd.s32 $0x8, v54;
	v12 =	vadd.s32 v54, v6;
	v6 =	vadd.s32 $0x60, v59  }
0x42b: {  	v24 =	vld.idx.msk [tilespmem:v24+s22+$0x0], $0xffff;
	v60 =	vadd.s32 $0x2, v5;
	v5 =	vadd.s32 v30, v17;
	v30 =	vadd.s32 $0x20, v59  }
0x42c: {  	v44 =	vld.idx.msk [tilespmem:v55+s19+$0x0], $0xffff;
	v17 =	vadd.s32 $0x50, v59;
	v63 =	vadd.s32 $0x6, v11;
	v29 =	vadd.s32 $0x6, v16  }
0x42d: {  	v15 =	vadd.s32 $0x4, v5;
	v11 =	vadd.s32 $0x80, v59;
	v31 =	vld.idx.msk [tilespmem:v42+s19+$0x0], $0xffff;
	v34 =	vadd.s32 $0x1, v55  }
0x42e: {  	s7 =	simm.s32 $0x11;
	v46 =	vadd.s32 $0x8, v55;
	v5 =	vadd.s32 $0x7, v55;
	v35 =	vadd.s32 $0x50, v3;
	v37 =	vld.idx.msk [tilespmem:v20+s19+$0x0], $0xffff;
	[tilespmem:v2+s26+$0x0] =	vst.idx.msk $0xffff, v43  }
.LBB2_22:
0x42f: {  	v27 =	vadd.s32 $0x10, v9;
	v2 =	vadd.f32 v7, v53;
	v10 =	vadd.s32 $0x70, v59;
	v7 =	vld.idx.msk [tilespmem:v39+s19+$0x0], $0xffff;
	[tilespmem:v56+s26+$0x0] =	vst.idx.msk $0xffff, v25  }
0x430: {  	v25 =	vadd.s32 $0x20, v9;
	v16 =	vadd.s32 $0x30, v9;
	v20 =	vadd.s32 $0x60, v3;
	v56 =	vmovc v15;
	v36 =	vld.idx.msk [tilespmem:v38+s19+$0x0], $0xffff;
	[tilespmem:v57+s26+$0x0] =	vst.idx.msk $0xffff, v23  }
0x431: {  	v38 =	vmul.f32 v44, v49;
	v28 =	vadd.f32 v28, v2;
	v2 =	vadd.f32 v2, v53;
	v29 =	vld.idx.msk [tilespmem:v29+s19+$0x0], $0xffff  }
0x432: {  	v15 =	vadd.s32 $0x40, v9;
	v3 =	vadd.s32 $0x70, v3;
	v23 =	vld.idx.msk [tilespmem:v34+s19+$0x0], $0xffff;
	[tilespmem:v58+s26+$0x0] =	vst.idx.msk $0xffff, v21;
	v21 =	vmul.f32 v31, v49  }
0x433: {  	v28 =	vmul.f32 v28, v52;
	v26 =	vadd.f32 v26, v2;
	v2 =	vadd.f32 v2, v53;
	v35 =	vld.idx.msk [tilespmem:v35+s22+$0x0], $0xffff  }
0x434: {  	v57 =	vmovc v14;
	v32 =	vmul.f32 v32, v49;
	v31 =	vmul.f32 v37, v49;
	v37 =	vadd.f32 v38, v48  }
0x435: {  	v26 =	vmul.f32 v26, v52;
	v24 =	vadd.f32 v24, v2;
	v2 =	vadd.f32 v2, v53;
	v20 =	vld.idx.msk [tilespmem:v20+s22+$0x0], $0xffff  }
0x436: {  	v34 =	vmul.f32 v7, v49;
	v28 =	vmin.f32 v28, $1.000000000e+00;
	v14 =	vmul.f32 v36, v49;
	[tilespmem:v8+s26+$0x0] =	vst.idx.msk $0xffff, v37  }
0x437: {  	v7 =	vmul.f32 v24, v52;
	v8 =	vadd.f32 v22, v2;
	v2 =	vadd.f32 v2, v53;
	v22 =	vld.idx.msk [tilespmem:v3+s22+$0x0], $0xffff  }
0x438: {  	v58 =	vmovc v12;
	v36 =	vmul.f32 $1.290000000e+02, v28;
	v24 =	vmin.f32 v26, $1.000000000e+00;
	[tilespmem:v33+s23+$0x0] =	vst.idx.msk $0xffff, v28;
	v33 =	vmul.f32 v29, v49  }
0x439: {  	v12 =	vld.idx.msk [tilespmem:v9+s22+$0x0], $0xffff;
	v8 =	vmul.f32 v8, v52;
	v26 =	vadd.f32 v35, v2;
	v2 =	vadd.f32 v2, v53  }
0x43a: {  	v59 =	vmovc v11;
	v3 =	vmovc v9;
	v28 =	vadd.f32 $-5.000000000e-01, v36;
	v29 =	vmul.f32 $1.290000000e+02, v24;
	v7 =	vmin.f32 v7, $1.000000000e+00;
	[tilespmem:v30+s23+$0x0] =	vst.idx.msk $0xffff, v24  }
0x43b: {  	v30 =	vmovc v55;
	v24 =	vmul.f32 v26, v52;
	v20 =	vadd.f32 v20, v2;
	v2 =	vadd.f32 v2, v53  }
0x43c: {  	v55 =	vmovc v46;
	v26 =	vadd.f32 $-5.000000000e-01, v29;
	v29 =	vmul.f32 $1.290000000e+02, v7;
	v8 =	vmin.f32 v8, $1.000000000e+00;
	[tilespmem:v19+s23+$0x0] =	vst.idx.msk $0xffff, v7  }
0x43d: {  	v19 =	vmul.f32 v20, v52;
	v20 =	vadd.f32 v22, v2;
	v7 =	vadd.f32 v2, v53  }
0x43e: {  	v2 =	vadd.f32 $-5.000000000e-01, v29;
	v22 =	vmul.f32 $1.290000000e+02, v8;
	[tilespmem:v18+s23+$0x0] =	vst.idx.msk $0xffff, v8;
	v8 =	vmin.f32 v24, $1.000000000e+00  }
0x43f: {  	v12 =	vadd.f32 v12, v7;
	[tilespmem:v17+s23+$0x0] =	vst.idx.msk $0xffff, v8;
	v17 =	vmin.f32 v19, $1.000000000e+00;
	v18 =	vmul.f32 v20, v52  }
0x440: {  	v19 =	vadd.f32 $-5.000000000e-01, v22;
	v8 =	vmul.f32 $1.290000000e+02, v8;
	v20 =	vmul.f32 $1.290000000e+02, v17;
	[tilespmem:v6+s23+$0x0] =	vst.idx.msk $0xffff, v17  }
0x441: {  	v6 =	vmul.f32 v12, v52;
	v12 =	vtrunc.f32 v28;
	v17 =	vmin.f32 v18, $1.000000000e+00  }
0x442: {  	v8 =	vadd.f32 $-5.000000000e-01, v8;
	v18 =	vadd.f32 $-5.000000000e-01, v20;
	v20 =	vmul.f32 $1.290000000e+02, v17;
	[tilespmem:v10+s23+$0x0] =	vst.idx.msk $0xffff, v17  }
0x443: {  	v10 =	vtrunc.f32 v26;
	v17 =	vtrunc.f32 v2;
	v6 =	vmin.f32 v6, $1.000000000e+00  }
0x444: {  	[tilespmem:v11+s23+$0x0] =	vst.idx.msk $0xffff, v6;
	v6 =	vmul.f32 $1.290000000e+02, v6;
	v22 =	vtrunc.f32 v18;
	v20 =	vadd.f32 $-5.000000000e-01, v20  }
0x445: {  	v24 =	vtrunc.f32 v19;
	v29 =	vtrunc.f32 v8;
	vm0 =	vgt.f32 v18, v22  }
0x446: {  	v18 =	vcvt.f32.s32 v22;
	v6 =	vadd.f32 $-5.000000000e-01, v6;
	v22 =	vtrunc.f32 v20  }
0x447: {  	s7 =	sadd.s32 $0x8, s7;
	v35 =	vcvt.f32.s32 v12;
	v36 =	vcvt.f32.s32 v22;
	vm1 =	vgt.f32 v20, v22  }
0x448: {  	p0 =	slt.u32 s7, $0x79;
	vm2 =	vgt.f32 v28, v12;
	v12 =	vcvt.f32.s32 v10;
	v20 =	vtrunc.f32 v6  }
0x449: {  	vm3 =	vgt.f32 v26, v10;
	v10 =	vcvt.f32.s32 v17;
	vm4 =	vgt.f32 v2, v17  }
0x44a: {  	vm5 =	vgt.f32 v19, v24;
	v2 =	vcvt.f32.s32 v24;
	v17 =	vcvt.f32.s32 v29  }
0x44b: {  	vm7 =	vgt.f32 v8, v29;
	v19 =	vcvt.f32.s32 v20;
	vm6 =	vgt.f32 v6, v20  }
0x44c: {  	v8 =	vsel vm0, $0x1, v0;
	v6 =	vsel vm2, $0x1, v0;
	v20 =	vsel vm1, $0x1, v0  }
0x44d: {  	v26 =	vsel vm5, $0x1, v0;
	v24 =	vsel vm4, $0x1, v0;
	v22 =	vsel vm3, $0x1, v0  }
0x44e: {  	v29 =	vsel vm7, $0x1, v0;
	v28 =	vsel vm6, $0x1, v0;
	v20 =	vadd.s32 v36, v20  }
0x44f: {  	v8 =	vadd.s32 v18, v8;
	v12 =	vadd.s32 v12, v22;
	v6 =	vadd.s32 v35, v6  }
0x450: {  	v10 =	vadd.s32 v10, v24;
	v2 =	vadd.s32 v2, v26;
	v17 =	vadd.s32 v17, v29  }
0x451: {  	v18 =	vadd.s32 v19, v28;
	v19 =	vshll.u32 v8, $0x4;
	v22 =	vshll.u32 v20, $0x4  }
0x452: {  	v29 =	vshll.u32 v10, $0x4;
	v26 =	vshll.u32 v12, $0x4;
	v24 =	vshll.u32 v6, $0x4  }
0x453: {  	v37 =	vshll.u32 v17, $0x4;
	v36 =	vshll.u32 v2, $0x4;
	v35 =	vshll.u32 v18, $0x4  }
0x454: {  	v38 =	vor.u32 v1, v24;
	v19 =	vor.u32 v1, v19;
	v40 =	vor.u32 v1, v22  }
0x455: {  	v29 =	vor.u32 v1, v29;
	v36 =	vor.u32 v1, v36;
	v28 =	vld.idx.msk [tilespmem:v27+s22+$0x0], $0xffff;
	v27 =	vor.u32 v1, v26  }
0x456: {  	v39 =	vmul.f32 v23, v49;
	v37 =	vor.u32 v1, v37;
	v35 =	vor.u32 v1, v35;
	v26 =	vld.idx.msk [tilespmem:v25+s22+$0x0], $0xffff  }
0x457: {  	v24 =	vld.idx.msk [tilespmem:v16+s22+$0x0], $0xffff;
	v16 =	vadd.s32 v20, v54;
	v20 =	vadd.f32 v32, v48;
	v32 =	vadd.f32 v21, v48  }
0x458: {  	v41 =	vadd.f32 v31, v48;
	v42 =	vadd.f32 v34, v48;
	v22 =	vld.idx.msk [tilespmem:v15+s22+$0x0], $0xffff;
	v15 =	vadd.s32 v8, v54  }
0x459: {  	v23 =	vadd.f32 v33, v48;
	v25 =	vadd.f32 v14, v48;
	v8 =	vadd.s32 $0x7, v16;
	[tilespmem:v38+s13+$0x0] =	vst.idx.add.s32.msk $0xffff, v4  }
0x45a: {  	v6 =	vadd.s32 v6, v54;
	v21 =	vadd.f32 v39, v48;
	v16 =	vadd.s32 $0x6, v15;
	[tilespmem:v27+s13+$0x0] =	vst.idx.add.s32.msk $0xffff, v4  }
0x45b: {  	v10 =	vadd.s32 v10, v54;
	v12 =	vadd.s32 v12, v54;
	v6 =	vadd.s32 $0x1, v6;
	[tilespmem:v29+s13+$0x0] =	vst.idx.add.s32.msk $0xffff, v4  }
0x45c: {  	v2 =	vadd.s32 v2, v54;
	v27 =	vadd.s32 $0x2, v12;
	v12 =	vadd.s32 v17, v54;
	[tilespmem:v36+s13+$0x0] =	vst.idx.add.s32.msk $0xffff, v4  }
0x45d: {  	v10 =	vadd.s32 $0x3, v10;
	v15 =	vadd.s32 $0x4, v2;
	v54 =	vmovc v13;
	v14 =	vadd.s32 $0x5, v12;
	[tilespmem:v37+s13+$0x0] =	vst.idx.add.s32.msk $0xffff, v4  }
0x45e: {  	v2 =	vadd.s32 $0x2, v30;
	v12 =	vadd.s32 v13, v18;
	[tilespmem:v35+s13+$0x0] =	vst.idx.add.s32.msk $0xffff, v4  }
0x45f: {  	v9 =	vadd.s32 $0x80, v9;
	v36 =	vadd.s32 $0x3, v30;
	[tilespmem:v19+s13+$0x0] =	vst.idx.add.s32.msk $0xffff, v4  }
.Ltmp11:
0x460: {  	v11 =	vadd.s32 $0x80, v11;
	v39 =	vadd.s32 $0x4, v30;
	v13 =	vadd.s32 $0x8, v13;
	[tilespmem:v40+s13+$0x0] =	vst.idx.add.s32.msk $0xffff, v4;
	(pc) =	sbr.rel @p0 .LBB2_22-.Ltmp11, $4  }
0x461: {  	v34 =	vadd.s32 $0x1, v55;
	v38 =	vadd.s32 $0x5, v30;
	v44 =	vld.idx.msk [tilespmem:v46+s19+$0x0], $0xffff;
	v46 =	vadd.s32 $0x8, v46;
	[tilespmem:v63+s26+$0x0] =	vst.idx.msk $0xffff, v32;
	v63 =	vmovc v16  }
0x462: {  	v33 =	vadd.s32 $0x10, v59;
	v29 =	vadd.s32 $0x6, v30;
	v31 =	vld.idx.msk [tilespmem:v5+s19+$0x0], $0xffff;
	v5 =	vadd.s32 $0x7, v55;
	[tilespmem:v62+s26+$0x0] =	vst.idx.msk $0xffff, v20;
	v62 =	vmovc v6  }
0x463: {  	v18 =	vadd.s32 $0x40, v59;
	v30 =	vadd.s32 $0x20, v59;
	v19 =	vadd.s32 $0x30, v59;
	v32 =	vld.idx.msk [tilespmem:v2+s19+$0x0], $0xffff;
	[tilespmem:v60+s26+$0x0] =	vst.idx.msk $0xffff, v41;
	v60 =	vmovc v27  }
0x464: {  	v17 =	vadd.s32 $0x50, v59;
	v35 =	vadd.s32 $0x50, v3;
	v6 =	vadd.s32 $0x60, v59;
	v37 =	vld.idx.msk [tilespmem:v36+s19+$0x0], $0xffff;
	[tilespmem:v61+s26+$0x0] =	vst.idx.msk $0xffff, v42;
	v61 =	vmovc v10  }
0x465: {  	v2 =	vadd.f32 v7, v53;
	_ =	sdelay $0x1  }
0x466: {  	v7 =	vadd.f32 v2, v53  }
0x467: {  	v9 =	vadd.s32 $0x60, v3  }
0x468: {  	v3 =	vadd.s32 $0x70, v3;
	v10 =	vadd.f32 v7, v53  }
0x469: {  	v20 =	vld.idx.msk [tilespmem:v35+s22+$0x0], $0xffff  }
0x46a: {  	v7 =	vadd.f32 v26, v7;
	v11 =	vadd.f32 v10, v53  }
0x46b: {  	[tilespmem:v57+s26+$0x0] =	vst.idx.msk $0xffff, v23;
	v23 =	vadd.s32 $0x70, v59;
	v2 =	vadd.f32 v28, v2  }
0x46c: {  	v36 =	vmul.f32 v44, v49;
	v9 =	vld.idx.msk [tilespmem:v9+s22+$0x0], $0xffff;
	v7 =	vmul.f32 v7, v52;
	v13 =	vadd.f32 v11, v53  }
0x46d: {  	v2 =	vmul.f32 v2, v52;
	v3 =	vld.idx.msk [tilespmem:v3+s22+$0x0], $0xffff;
	v10 =	vadd.f32 v24, v10;
	v11 =	vadd.f32 v22, v11  }
0x46e: {  	v7 =	vmin.f32 v7, $1.000000000e+00;
	v16 =	vadd.f32 v13, v53;
	v13 =	vadd.f32 v20, v13  }
0x46f: {  	v2 =	vmin.f32 v2, $1.000000000e+00;
	v10 =	vmul.f32 v10, v52;
	v22 =	vmul.f32 $1.290000000e+02, v7  }
0x470: {  	v11 =	vmul.f32 v11, v52;
	v26 =	vadd.f32 v16, v53;
	v13 =	vmul.f32 v13, v52  }
0x471: {  	[tilespmem:v30+s23+$0x0] =	vst.idx.msk $0xffff, v7;
	v7 =	vld.idx.msk [tilespmem:v38+s19+$0x0], $0xffff;
	v10 =	vmin.f32 v10, $1.000000000e+00;
	v22 =	vadd.f32 $-5.000000000e-01, v22;
	v9 =	vadd.f32 v9, v16  }
0x472: {  	v16 =	vmul.f32 $1.290000000e+02, v2;
	v3 =	vadd.f32 v3, v26;
	v13 =	vmin.f32 v13, $1.000000000e+00  }
0x473: {  	v11 =	vmin.f32 v11, $1.000000000e+00;
	v9 =	vmul.f32 v9, v52;
	v53 =	vmul.f32 $1.290000000e+02, v13  }
0x474: {  	v27 =	vmul.f32 $1.290000000e+02, v11;
	v16 =	vadd.f32 $-5.000000000e-01, v16;
	v3 =	vmul.f32 v3, v52  }
0x475: {  	v26 =	vmul.f32 $1.290000000e+02, v10;
	v9 =	vmin.f32 v9, $1.000000000e+00;
	v35 =	vadd.f32 $-5.000000000e-01, v53  }
0x476: {  	v7 =	vmul.f32 v7, v49;
	v20 =	vmul.f32 $1.290000000e+02, v9;
	v3 =	vmin.f32 v3, $1.000000000e+00  }
0x477: {  	[tilespmem:v56+s26+$0x0] =	vst.idx.msk $0xffff, v25;
	v27 =	vadd.f32 $-5.000000000e-01, v27;
	v24 =	vmul.f32 $1.290000000e+02, v3;
	v25 =	vtrunc.f32 v35  }
0x478: {  	v20 =	vadd.f32 $-5.000000000e-01, v20;
	vm7 =	vgt.f32 v35, v25;
	v25 =	vcvt.f32.s32 v25  }
0x479: {  	[tilespmem:v19+s23+$0x0] =	vst.idx.msk $0xffff, v10;
	v26 =	vadd.f32 $-5.000000000e-01, v26;
	v24 =	vadd.f32 $-5.000000000e-01, v24;
	v19 =	vsel vm7, $0x1, v0  }
0x47a: {  	[tilespmem:v17+s23+$0x0] =	vst.idx.msk $0xffff, v13;
	v7 =	vadd.f32 v7, v48;
	v28 =	vtrunc.f32 v20;
	v13 =	vadd.s32 v25, v19  }
0x47b: {  	[tilespmem:v6+s23+$0x0] =	vst.idx.msk $0xffff, v9;
	vm0 =	vgt.f32 v20, v28;
	v20 =	vtrunc.f32 v24;
	v9 =	vshll.u32 v13, $0x4  }
0x47c: {  	vm1 =	vgt.f32 v24, v20;
	v24 =	vtrunc.f32 v16;
	v20 =	vcvt.f32.s32 v20  }
0x47d: {  	v9 =	vor.u32 v1, v9;
	vm2 =	vgt.f32 v16, v24;
	v16 =	vtrunc.f32 v22  }
0x47e: {  	v24 =	vcvt.f32.s32 v24;
	vm3 =	vgt.f32 v22, v16;
	v22 =	vtrunc.f32 v26  }
0x47f: {  	v16 =	vcvt.f32.s32 v16;
	vm4 =	vgt.f32 v26, v22;
	v26 =	vtrunc.f32 v27  }
0x480: {  	[tilespmem:v58+s26+$0x0] =	vst.idx.msk $0xffff, v21;
	v21 =	vcvt.f32.s32 v22;
	v30 =	vsel vm3, $0x1, v0;
	vm5 =	vgt.f32 v27, v26  }
0x481: {  	v27 =	vsel vm2, $0x1, v0;
	v22 =	vcvt.f32.s32 v26;
	v26 =	vsel vm0, $0x1, v0  }
0x482: {  	v57 =	vsel vm4, $0x1, v0;
	v16 =	vadd.s32 v16, v30;
	v24 =	vadd.s32 v24, v27  }
0x483: {  	[tilespmem:v33+s23+$0x0] =	vst.idx.msk $0xffff, v2;
	v27 =	vcvt.f32.s32 v28;
	v28 =	vsel vm1, $0x1, v0;
	v58 =	vsel vm5, $0x1, v0  }
0x484: {  	[tilespmem:v18+s23+$0x0] =	vst.idx.msk $0xffff, v11;
	v10 =	vld.idx.msk [tilespmem:v29+s19+$0x0], $0xffff;
	v21 =	vadd.s32 v21, v57;
	v59 =	vshll.u32 v16, $0x4;
	v29 =	vshll.u32 v24, $0x4  }
0x485: {  	[tilespmem:v15+s26+$0x0] =	vst.idx.msk $0xffff, v7;
	v11 =	vadd.s32 v22, v58;
	v18 =	vshll.u32 v21, $0x4;
	v22 =	vor.u32 v1, v59  }
0x486: {  	[tilespmem:v23+s23+$0x0] =	vst.idx.msk $0xffff, v3;
	v3 =	vadd.s32 v20, v28;
	v29 =	vor.u32 v1, v29;
	v17 =	vshll.u32 v11, $0x4  }
0x487: {  	v2 =	vld.idx.msk [tilespmem:v39+s19+$0x0], $0xffff;
	v18 =	vor.u32 v1, v18;
	v6 =	vadd.s32 v27, v26;
	v26 =	vadd.f32 v36, v48  }
0x488: {  	[tilespmem:v9+s13+$0x0] =	vst.idx.add.s32.msk $0xffff, v4;
	v23 =	vshll.u32 v3, $0x4;
	v17 =	vor.u32 v1, v17  }
0x489: {  	v30 =	vld.idx.msk [tilespmem:v34+s19+$0x0], $0xffff;
	v23 =	vor.u32 v1, v23;
	[tilespmem:v8+s26+$0x0] =	vst.idx.msk $0xffff, v26  }
0x48a: {  	v9 =	vadd.s32 $0x2, v55;
	v19 =	vshll.u32 v6, $0x4;
	[tilespmem:v22+s13+$0x0] =	vst.idx.add.s32.msk $0xffff, v4  }
0x48b: {  	v19 =	vor.u32 v1, v19;
	[tilespmem:v29+s13+$0x0] =	vst.idx.add.s32.msk $0xffff, v4  }
0x48c: {  	v2 =	vmul.f32 v2, v49;
	[tilespmem:v18+s13+$0x0] =	vst.idx.add.s32.msk $0xffff, v4  }
0x48d: {  	v25 =	vmul.f32 v32, v49;
	[tilespmem:v17+s13+$0x0] =	vst.idx.add.s32.msk $0xffff, v4  }
0x48e: {  	v10 =	vmul.f32 v10, v49;
	v2 =	vadd.f32 v2, v48;
	v8 =	vadd.s32 $0x6, v55;
	[tilespmem:v23+s13+$0x0] =	vst.idx.add.s32.msk $0xffff, v4  }
0x48f: {  	v20 =	vmul.f32 v31, v49;
	v18 =	vadd.f32 v25, v48;
	v25 =	vadd.s32 $0x3, v55;
	v9 =	vld.idx.msk [tilespmem:v9+s19+$0x0], $0xffff  }
0x490: {  	v10 =	vadd.f32 v10, v48;
	v23 =	vadd.s32 $0x5, v55;
	[tilespmem:v19+s13+$0x0] =	vst.idx.add.s32.msk $0xffff, v4  }
0x491: {  	[tilespmem:v61+s26+$0x0] =	vst.idx.msk $0xffff, v2;
	v19 =	vadd.f32 v20, v48;
	v20 =	vadd.s32 $0x4, v55;
	v27 =	vld.idx.msk [tilespmem:v46+s19+$0x0], $0xffff  }
0x492: {  	v13 =	vadd.s32 v13, v54;
	v16 =	vadd.s32 v16, v54;
	v22 =	vmul.f32 v37, v49;
	v5 =	vld.idx.msk [tilespmem:v5+s19+$0x0], $0xffff  }
0x493: {  	v24 =	vadd.s32 v24, v54;
	v21 =	vadd.s32 v21, v54;
	v3 =	vadd.s32 v3, v54;
	v7 =	vld.idx.msk [tilespmem:v8+s19+$0x0], $0xffff  }
0x494: {  	v11 =	vadd.s32 v11, v54;
	v22 =	vadd.f32 v22, v48;
	[tilespmem:v62+s26+$0x0] =	vst.idx.msk $0xffff, v18;
	v18 =	vld.idx.msk [tilespmem:v25+s19+$0x0], $0xffff  }
0x495: {  	v6 =	vadd.s32 v6, v54;
	v3 =	vadd.s32 $0x7, v3;
	v17 =	vmul.f32 v30, v49;
	v2 =	vld.idx.msk [tilespmem:v23+s19+$0x0], $0xffff  }
0x496: {  	v6 =	vadd.s32 $0x6, v6;
	[tilespmem:v60+s26+$0x0] =	vst.idx.msk $0xffff, v22;
	v20 =	vld.idx.msk [tilespmem:v20+s19+$0x0], $0xffff;
	v22 =	vmul.f32 v27, v49  }
0x497: {  	v17 =	vadd.f32 v17, v48;
	[tilespmem:v63+s26+$0x0] =	vst.idx.msk $0xffff, v19;
	v19 =	vadd.s32 $0x1, v24;
	v5 =	vmul.f32 v5, v49  }
0x498: {  	[tilespmem:v14+s26+$0x0] =	vst.idx.msk $0xffff, v10;
	v8 =	vadd.s32 $0x2, v16;
	v9 =	vmul.f32 v9, v49;
	v10 =	vadd.f32 v22, v48  }
0x499: {  	v11 =	vadd.s32 $0x4, v11;
	[tilespmem:v12+s26+$0x0] =	vst.idx.msk $0xffff, v17;
	v12 =	vmul.f32 v18, v49;
	v5 =	vadd.f32 v5, v48  }
0x49a: {  	v14 =	vadd.s32 $0x3, v21;
	[tilespmem:v3+s26+$0x0] =	vst.idx.msk $0xffff, v10;
	v3 =	vadd.f32 v9, v48;
	v2 =	vmul.f32 v2, v49  }
0x49b: {  	v9 =	vadd.s32 $0x5, v13;
	v15 =	vmul.f32 v20, v49;
	v10 =	vadd.f32 v12, v48;
	[tilespmem:v6+s26+$0x0] =	vst.idx.msk $0xffff, v5  }
0x49c: {  	v5 =	vmul.f32 v7, v49;
	v7 =	vlaneseq.u32;
	[tilespmem:v19+s26+$0x0] =	vst.idx.msk $0xffff, v3;
	v2 =	vadd.f32 v2, v48  }
0x49d: {  	v6 =	vadd.f32 v15, v48;
	[tilespmem:v8+s26+$0x0] =	vst.idx.msk $0xffff, v10  }
0x49e: {  	v3 =	vadd.f32 v5, v48;
	[tilespmem:v11+s26+$0x0] =	vst.idx.msk $0xffff, v2  }
0x49f: {  	v2 =	vadd.s32 $0x10, v7;
	[tilespmem:v14+s26+$0x0] =	vst.idx.msk $0xffff, v6  }
0x4a0: {  	v5 =	vadd.s32 $0x20, v7;
	[tilespmem:v9+s26+$0x0] =	vst.idx.msk $0xffff, v3  }
0x4a1: {  	v6 =	vadd.s32 $0x30, v7;
	v8 =	vld.idx.msk [tilespmem:v7+s13+$0x0], $0xffff;
	_ =	sdelay $0x1  }
0x4a2: {  	s10 =	simm.s32 $0x3;
	v14 =	vadd.s32 $0x40, v7  }
0x4a3: {  	s8 =	simm.s32 $0x5;
	v43 =	vadd.s32 s10, v51;
	v10 =	vld.idx.msk [tilespmem:v2+s13+$0x0], $0xffff  }
0x4a4: {  	v52 =	vadd.s32 $0xFFFFFFFF, v50;
	v57 =	vadd.s32 s8, v51;
	v3 =	vimm.s32 $0x0;
	v12 =	vld.idx.msk [tilespmem:v5+s13+$0x0], $0xffff  }
0x4a5: {  	v16 =	vadd.s32 $0x50, v7;
	v17 =	vadd.s32 $0x60, v7;
	v13 =	vld.idx.msk [tilespmem:v6+s13+$0x0], $0xffff;
	v9 =	vadd.s32 v3, v8  }
0x4a6: {  	s7 =	simm.s32 $0x0;
	v56 =	vadd.s32 $0x80, v7;
	v8 =	vadd.s32 $0x70, v7;
	vm8 =	vlt.s32 v9, $0x80  }
0x4a7: {  	[tilespmem:v7+s13+$0x0] =	vst.idx.msk $0xffff, v0;
	v3 =	vld.idx.msk [tilespmem:v14+s13+$0x0], $0xffff;
	v7 =	vadd.s32 s7, v51;
	v62 =	vadd.s32 v52, v9;
	v21 =	vnsel vm8, $0x80, v9  }
0x4a8: {  	v11 =	vadd.s32 v9, v10;
	v10 =	vshll.u32 v9, $0x4;
	v24 =	vshll.u32 v21, $0x4  }
0x4a9: {  	[tilespmem:v6+s13+$0x0] =	vst.idx.msk $0xffff, v0;
	v9 =	vadd.s32 v9, v7;
	v15 =	vadd.s32 v11, v12;
	vm9 =	vlt.s32 v11, $0x80  }
0x4aa: {  	v12 =	vld.idx.msk [tilespmem:v16+s13+$0x0], $0xffff;
	v10 =	vadd.s32 v45, v10;
	v6 =	vor.u32 v1, v24;
	v13 =	vadd.s32 v15, v13  }
0x4ab: {  	v19 =	vld.idx.msk [tilespmem:v17+s13+$0x0], $0xffff;
	v18 =	vnsel vm9, $0x80, v11;
	vm11 =	vlt.s32 v15, $0x80;
	vm10 =	vlt.s32 v13, $0x80  }
0x4ac: {  	v20 =	vshll.u32 v13, $0x4;
	v53 =	vadd.s32 v13, v3;
	v26 =	vshll.u32 v18, $0x4  }
0x4ad: {  	v27 =	vnsel vm11, $0x80, v15;
	v33 =	vadd.s32 v52, v13;
	v18 =	vadd.s32 v50, v18  }
0x4ae: {  	v22 =	vnsel vm10, $0x80, v13;
	v20 =	vadd.s32 v45, v20;
	v30 =	vshll.u32 v53, $0x4  }
0x4af: {  	[tilespmem:v14+s13+$0x0] =	vst.idx.msk $0xffff, v0;
	v61 =	vshll.u32 v27, $0x4;
	v14 =	vadd.s32 v45, v30;
	v3 =	vadd.s32 v53, v12  }
0x4b0: {  	v23 =	vld.idx.msk [tilespmem:v8+s13+$0x0], $0xffff;
	v12 =	vshll.u32 v11, $0x4;
	v54 =	vadd.s32 v3, v19;
	v19 =	vor.u32 v1, v26  }
0x4b1: {  	v25 =	vshll.u32 v22, $0x4;
	v32 =	vor.u32 v1, v61;
	v10 =	vld.idx.msk [tilespmem:v10+s23+$0x0], $0xffff;
	v12 =	vadd.s32 v45, v12  }
0x4b2: {  	[tilespmem:v5+s13+$0x0] =	vst.idx.msk $0xffff, v0;
	v25 =	vor.u32 v1, v25;
	v6 =	vld.idx.msk [tilespmem:v6+s23+$0x0], $0xffff;
	v5 =	vshll.u32 v3, $0x4;
	vm14 =	vlt.s32 v54, $0x80  }
0x4b3: {  	[tilespmem:v2+s13+$0x0] =	vst.idx.msk $0xffff, v0;
	vm12 =	vlt.s32 v3, $0x80;
	v2 =	vadd.s32 v45, v5;
	v20 =	vld.idx.msk [tilespmem:v20+s23+$0x0], $0xffff;
	v5 =	vnsel vm14, $0x80, v54  }
0x4b4: {  	[tilespmem:v16+s13+$0x0] =	vst.idx.msk $0xffff, v0;
	vm15 =	vlt.s32 v53, $0x80;
	v24 =	vnsel vm12, $0x80, v3;
	v16 =	vshll.u32 v5, $0x4;
	v46 =	vld.idx.msk [tilespmem:v14+s23+$0x0], $0xffff  }
0x4b5: {  	v55 =	vadd.s32 v54, v23;
	v28 =	vshll.u32 v24, $0x4;
	v16 =	vor.u32 v1, v16;
	v19 =	vld.idx.msk [tilespmem:v19+s23+$0x0], $0xffff  }
0x4b6: {  	v26 =	vshll.u32 v15, $0x4;
	vm13 =	vlt.s32 v55, $0x80;
	v23 =	vor.u32 v1, v28;
	v31 =	vld.idx.msk [tilespmem:v12+s23+$0x0], $0xffff  }
0x4b7: {  	[tilespmem:v8+s13+$0x0] =	vst.idx.msk $0xffff, v0;
	v26 =	vadd.s32 v45, v26;
	v8 =	vshll.u32 v55, $0x4;
	v28 =	vnsel vm13, $0x80, v55;
	v25 =	vld.idx.msk [tilespmem:v25+s23+$0x0], $0xffff  }
0x4b8: {  	s1 =	scvt.s32.f32 s10;
	[tilespmem:v17+s13+$0x0] =	vst.idx.msk $0xffff, v0;
	v29 =	vnsel vm15, $0x80, v53;
	v8 =	vadd.s32 v45, v8;
	v32 =	vld.idx.msk [tilespmem:v32+s23+$0x0], $0xffff;
	v12 =	vshll.u32 v28, $0x4  }
0x4b9: {  	s2 =	simm.s32 $0x1;
	s9 =	scvt.s32.f32 s7;
	v22 =	vadd.s32 v50, v22;
	v30 =	vshll.u32 v29, $0x4;
	v2 =	vld.idx.msk [tilespmem:v2+s23+$0x0], $0xffff;
	v12 =	vor.u32 v1, v12  }
0x4ba: {  	s3 =	scvt.s32.f32 s2;
	s1 =	sadd.f32 s1, s1;
	v30 =	vor.u32 v1, v30;
	v34 =	vadd.s32 v52, v3;
	v17 =	vshll.u32 v54, $0x4;
	v63 =	vld.idx.msk [tilespmem:v16+s23+$0x0], $0xffff  }
0x4bb: {  	s11 =	sadd.f32 s9, s9;
	v41 =	vadd.s32 v52, v54;
	v16 =	vadd.s32 v50, v21;
	v21 =	vld.idx.msk [tilespmem:v23+s23+$0x0], $0xffff;
	v19 =	vsub.f32 v19, v31  }
0x4bc: {  	s3 =	sadd.f32 s3, s3;
	v47 =	vadd.s32 v50, v28;
	v40 =	vld.idx.msk [tilespmem:v26+s23+$0x0], $0xffff;
	v25 =	vsub.f32 v25, v20;
	v23 =	vadd.s32 v52, v11  }
0x4bd: {  	s11 =	sadd.f32 $1.000000000e+00, s11;
	s8 =	scvt.s32.f32 s8;
	v6 =	vsub.f32 v6, v10;
	v28 =	vadd.s32 v50, v29;
	v29 =	vld.idx.msk [tilespmem:v8+s23+$0x0], $0xffff;
	v8 =	vmax.f32 v19, $1.000000000e-30  }
0x4be: {  	s1 =	sadd.f32 $1.000000000e+00, s1;
	v17 =	vadd.s32 v45, v17;
	v14 =	vmax.f32 v25, $1.000000000e-30;
	v19 =	vld.idx.msk [tilespmem:v12+s23+$0x0], $0xffff;
	(erf) = vrcp.f32 v8  }
0x4bf: {  	s30 =	smul.f32 $3.875968980e-03, s11;
	s8 =	sadd.f32 s8, s8;
	v18 =	vld.idx.msk [tilespmem:v18+s19+$0x0], $0xffff;
	v24 =	vadd.s32 v50, v24;
	v6 =	vmax.f32 v6, $1.000000000e-30;
	(erf) = vrcp.f32 v14  }
0x4c0: {  	s15 =	sadd.f32 $1.000000000e+00, s3;
	s1 =	smul.f32 $3.875968980e-03, s1;
	v61 =	vadd.s32 v50, v5;
	v8 =	vld.idx.msk [tilespmem:v62+s19+$0x0], $0xffff;
	v5 =	vsub.f32 v21, v2;
	(erf) = vrcp.f32 v6  }
0x4c1: {  	s29 =	simm.s32 $0x7;
	s8 =	sadd.f32 $1.000000000e+00, s8;
	v60 =	vadd.s32 v52, v55;
	v10 =	vsub.f32 s30, v10;
	v26 =	vadd.s32 v52, v15;
	v42 =	vld.idx.msk [tilespmem:v23+s19+$0x0], $0xffff  }
0x4c2: {  	s11 =	scvt.s32.f32 s29;
	v20 =	vsub.f32 s1, v20;
	s1 =	smul.f32 $3.875968980e-03, s15;
	v25 =	vadd.s32 v52, v53;
	v23 =	vld.idx.msk [tilespmem:v16+s19+$0x0], $0xffff;
	v12 =	vmax.f32 v5, $1.000000000e-30  }
0x4c3: {  	s7 =	smul.f32 $3.875968980e-03, s8;
	v32 =	vsub.f32 v32, v40;
	(erf) = vrcp.f32 v12;
	v12 =	vld.idx.msk [tilespmem:v17+s23+$0x0], $0xffff;
	v17 =	vsub.f32 v19, v29  }
0x4c4: {  	s12 =	simm.s32 $0x2;
	v30 =	vld.idx.msk [tilespmem:v30+s23+$0x0], $0xffff;
	v21 =	vadd.s32 v50, v27;
	v27 =	vadd.s32 s2, v51;
	v19 =	vsub.f32 s1, v31;
	s1 =	sadd.f32 s11, s11  }
0x4c5: {  	s28 =	simm.s32 $0x4;
	v14 =	vadd.s32 s29, v51;
	v16 =	vadd.s32 s12, v51;
	v2 =	vsub.f32 s7, v2  }
0x4c6: {  	s9 =	simm.s32 $0x6;
	s3 =	scvt.s32.f32 s28;
	v24 =	vld.idx.msk [tilespmem:v24+s19+$0x0], $0xffff;
	v6 =	vadd.s32 s28, v51;
	v7 =	vadd.s32 v15, v16;
	v15 =	vmax.f32 v17, $1.000000000e-30;
	s1 =	sadd.f32 $1.000000000e+00, s1  }
0x4c7: {  	v16 =	vld.idx.msk [tilespmem:v34+s19+$0x0], $0xffff;
	v5 =	vadd.s32 s9, v51;
	v31 =	vsub.f32 v18, v42;
	v17 =	vpop (erf);
	(erf) = vrcp.f32 v15  }
0x4c8: {  	v22 =	vld.idx.msk [tilespmem:v22+s19+$0x0], $0xffff;
	s15 =	sadd.f32 s3, s3;
	v23 =	vsub.f32 v23, v8;
	v18 =	vadd.s32 v11, v27;
	s1 =	smul.f32 $3.875968980e-03, s1;
	v17 =	vmul.f32 v17, v19;
	v19 =	vpop (erf)  }
0x4c9: {  	s28 =	scvt.s32.f32 s12;
	v27 =	vsub.f32 v30, v46;
	v15 =	vld.idx.msk [tilespmem:v33+s19+$0x0], $0xffff;
	v30 =	vsub.f32 v63, v12;
	v63 =	vmax.f32 v32, $1.000000000e-30;
	v11 =	vpop (erf)  }
0x4ca: {  	s2 =	sadd.f32 $1.000000000e+00, s15;
	v62 =	vsub.f32 s1, v29;
	v29 =	vld.idx.msk [tilespmem:v61+s19+$0x0], $0xffff;
	v20 =	vmul.f32 v19, v20;
	v10 =	vmul.f32 v11, v10  }
0x4cb: {  	s3 =	sadd.f32 s28, s28;
	v17 =	vmax.f32 v17, $0.0e+00;
	v11 =	vadd.s32 v13, v43;
	v13 =	vld.idx.msk [tilespmem:v25+s19+$0x0], $0xffff;
	v25 =	vmax.f32 v27, $1.000000000e-30  }
0x4cc: {  	s2 =	smul.f32 $3.875968980e-03, s2;
	v19 =	vld.idx.msk [tilespmem:v28+s19+$0x0], $0xffff;
	v27 =	vsub.f32 v24, v16;
	v17 =	vmin.f32 v17, $1.000000000e+00;
	v20 =	vmax.f32 v20, $0.0e+00  }
0x4cd: {  	s29 =	sadd.f32 $1.000000000e+00, s3;
	v28 =	vld.idx.msk [tilespmem:v21+s19+$0x0], $0xffff;
	(erf) = vrcp.f32 v25;
	v10 =	vmax.f32 v10, $0.0e+00;
	v31 =	vmul.f32 v17, v31  }
0x4ce: {  	v21 =	vpop (erf);
	v17 =	vld.idx.msk [tilespmem:v26+s19+$0x0], $0xffff;
	v26 =	vsub.f32 s2, v46;
	v20 =	vmin.f32 v20, $1.000000000e+00;
	v22 =	vsub.f32 v22, v15  }
0x4cf: {  	s30 =	scvt.s32.f32 s9;
	v25 =	vld.idx.msk [tilespmem:v60+s19+$0x0], $0xffff;
	s2 =	smul.f32 $3.875968980e-03, s29;
	v32 =	vmul.f32 v21, v2;
	v2 =	vmax.f32 v30, $1.000000000e-30;
	(erf) = vrcp.f32 v63  }
0x4d0: {  	v30 =	vld.idx.msk [tilespmem:v47+s19+$0x0], $0xffff;
	v33 =	vmin.f32 v10, $1.000000000e+00;
	v31 =	vadd.f32 v31, v42;
	v24 =	vmul.f32 v20, v22;
	v10 =	vpop (erf)  }
0x4d1: {  	s10 =	sadd.f32 s30, s30;
	s7 =	simm.s32 $0x8;
	v21 =	vld.idx.msk [tilespmem:v41+s19+$0x0], $0xffff;
	v22 =	vsub.f32 s2, v40;
	(erf) = vrcp.f32 v2;
	v34 =	vmul.f32 v10, v62  }
.LBB2_24:
0x4d2: {  	p0 =	slt.u32 s7, $0x78;
	v2 =	vmul.f32 v33, v23;
	v10 =	vmul.f32 v31, v49;
	v20 =	vmax.f32 v32, $0.0e+00;
	s8 =	smov.u32 s7;
	s7 =	sadd.s32 $0x8, s7  }
0x4d3: {  	v3 =	vadd.s32 v3, v57;
	v20 =	vmin.f32 v20, $1.000000000e+00;
	v23 =	vmax.f32 v34, $0.0e+00  }
0x4d4: {  	v2 =	vadd.f32 v2, v8;
	v8 =	vadd.f32 v10, v48;
	v10 =	vmul.f32 v20, v27  }
0x4d5: {  	s1 =	sadd.f32 $1.000000000e+00, s10;
	v14 =	vadd.s32 v55, v14;
	v20 =	vsub.f32 v28, v17;
	v27 =	vsub.f32 v30, v25  }
0x4d6: {  	v2 =	vmul.f32 v2, v49;
	[tilespmem:v18+s26+$0x0] =	vst.idx.msk $0xffff, v8;
	v8 =	vadd.f32 v10, v16;
	v10 =	vmin.f32 v23, $1.000000000e+00;
	v16 =	vpop (erf)  }
0x4d7: {  	s1 =	smul.f32 $3.875968980e-03, s1;
	v18 =	vsub.f32 v29, v21;
	v28 =	vmul.f32 v16, v26;
	v10 =	vmul.f32 v10, v27  }
0x4d8: {  	v19 =	vsub.f32 v19, v13;
	v2 =	vadd.f32 v2, v48;
	v8 =	vmul.f32 v8, v49  }
0x4d9: {  	v12 =	vsub.f32 s1, v12;
	v26 =	vmax.f32 v28, $0.0e+00;
	v10 =	vadd.f32 v10, v25;
	v23 =	vpop (erf)  }
0x4da: {  	v25 =	vadd.s32 $0x10, v56;
	[tilespmem:v9+s26+$0x0] =	vst.idx.msk $0xffff, v2;
	v2 =	vmul.f32 v23, v22;
	v9 =	vmin.f32 v26, $1.000000000e+00;
	v16 =	vpop (erf)  }
0x4db: {  	v22 =	vadd.s32 $0x20, v56;
	v12 =	vmul.f32 v16, v12;
	v10 =	vmul.f32 v10, v49  }
0x4dc: {  	v16 =	vadd.s32 $0x30, v56;
	v9 =	vmul.f32 v9, v19;
	v2 =	vmax.f32 v2, $0.0e+00  }
0x4dd: {  	v15 =	vadd.f32 v24, v15;
	v2 =	vmin.f32 v2, $1.000000000e+00;
	v12 =	vmax.f32 v12, $0.0e+00  }
0x4de: {  	v9 =	vadd.f32 v9, v13;
	v10 =	vadd.f32 v10, v48;
	v19 =	vld.idx.msk [tilespmem:v56+s13+$0x0], $0xffff;
	v2 =	vmul.f32 v2, v20  }
0x4df: {  	v15 =	vmul.f32 v15, v49;
	v8 =	vadd.f32 v8, v48;
	v12 =	vmin.f32 v12, $1.000000000e+00;
	v13 =	vld.idx.msk [tilespmem:v25+s13+$0x0], $0xffff  }
0x4e0: {  	v23 =	vadd.s32 $0x40, v56;
	v12 =	vmul.f32 v12, v18;
	v20 =	vld.idx.msk [tilespmem:v22+s13+$0x0], $0xffff;
	v2 =	vadd.f32 v2, v17  }
0x4e1: {  	v24 =	vadd.s32 $0x50, v56;
	v15 =	vadd.f32 v15, v48;
	v18 =	vmul.f32 v9, v49;
	v17 =	vld.idx.msk [tilespmem:v16+s13+$0x0], $0xffff  }
0x4e2: {  	v6 =	vadd.s32 v53, v6;
	s1 =	sadd.s32 $0x5, s8;
	v26 =	vadd.s32 $0x60, v56;
	v2 =	vmul.f32 v2, v49;
	[tilespmem:v14+s26+$0x0] =	vst.idx.msk $0xffff, v10  }
0x4e3: {  	v5 =	vadd.s32 v54, v5;
	s2 =	scvt.s32.f32 s1;
	v57 =	vadd.s32 s1, v51;
	v10 =	vadd.f32 v12, v21;
	[tilespmem:v11+s26+$0x0] =	vst.idx.msk $0xffff, v15  }
0x4e4: {  	v12 =	vadd.s32 $0x70, v56;
	v9 =	vadd.s32 v55, v19;
	v2 =	vadd.f32 v2, v48;
	[tilespmem:v3+s26+$0x0] =	vst.idx.msk $0xffff, v8  }
0x4e5: {  	s1 =	sadd.f32 s2, s2;
	vm0 =	vlt.s32 v9, $0x80;
	v11 =	vadd.s32 v9, v13;
	v8 =	vmul.f32 v10, v49;
	v3 =	vld.idx.msk [tilespmem:v23+s13+$0x0], $0xffff  }
0x4e6: {  	v10 =	vshll.u32 v9, $0x4;
	vm1 =	vlt.s32 v11, $0x80;
	v15 =	vadd.s32 v11, v20;
	v14 =	vld.idx.msk [tilespmem:v24+s13+$0x0], $0xffff;
	[tilespmem:v7+s26+$0x0] =	vst.idx.msk $0xffff, v2  }
0x4e7: {  	s9 =	sadd.f32 $1.000000000e+00, s1;
	v2 =	vnsel vm1, $0x80, v11;
	v13 =	vadd.s32 v15, v17;
	v17 =	vadd.f32 v18, v48;
	v7 =	vld.idx.msk [tilespmem:v26+s13+$0x0], $0xffff  }
0x4e8: {  	v8 =	vadd.f32 v8, v48;
	vm1 =	vlt.s32 v13, $0x80;
	v18 =	vshll.u32 v13, $0x4  }
0x4e9: {  	v19 =	vnsel vm0, $0x80, v9;
	v20 =	vnsel vm1, $0x80, v13;
	v18 =	vadd.s32 v45, v18;
	v21 =	vld.idx.msk [tilespmem:v12+s13+$0x0], $0xffff;
	[tilespmem:v6+s26+$0x0] =	vst.idx.msk $0xffff, v17  }
0x4ea: {  	vm0 =	vlt.s32 v15, $0x80;
	v6 =	vshll.u32 v19, $0x4;
	v17 =	vshll.u32 v20, $0x4;
	[tilespmem:v5+s26+$0x0] =	vst.idx.msk $0xffff, v8  }
0x4eb: {  	v5 =	vadd.s32 v45, v10;
	v8 =	vor.u32 v1, v17;
	v53 =	vadd.s32 v13, v3  }
0x4ec: {  	v27 =	vnsel vm0, $0x80, v15;
	v10 =	vshll.u32 v2, $0x4;
	v3 =	vadd.s32 v53, v14  }
0x4ed: {  	v14 =	vshll.u32 v11, $0x4;
	vm0 =	vlt.s32 v3, $0x80;
	v54 =	vadd.s32 v3, v7;
	[tilespmem:v16+s13+$0x0] =	vst.idx.msk $0xffff, v0  }
0x4ee: {  	v6 =	vor.u32 v1, v6;
	v7 =	vor.u32 v1, v10;
	v16 =	vnsel vm0, $0x80, v3;
	v10 =	vld.idx.msk [tilespmem:v18+s23+$0x0], $0xffff  }
0x4ef: {  	v17 =	vshll.u32 v15, $0x4;
	v18 =	vshll.u32 v16, $0x4;
	v55 =	vadd.s32 v54, v21;
	[tilespmem:v56+s13+$0x0] =	vst.idx.msk $0xffff, v0  }
0x4f0: {  	v14 =	vadd.s32 v45, v14;
	v21 =	vor.u32 v1, v18;
	vm0 =	vlt.s32 v55, $0x80;
	v8 =	vld.idx.msk [tilespmem:v8+s23+$0x0], $0xffff  }
0x4f1: {  	vm1 =	vlt.s32 v54, $0x80;
	v18 =	vld.idx.msk [tilespmem:v5+s23+$0x0], $0xffff;
	[tilespmem:v22+s13+$0x0] =	vst.idx.msk $0xffff, v0;
	v5 =	vshll.u32 v3, $0x4;
	v22 =	vnsel vm0, $0x80, v55  }
0x4f2: {  	vm0 =	vlt.s32 v53, $0x80;
	[tilespmem:v25+s13+$0x0] =	vst.idx.msk $0xffff, v0;
	v5 =	vadd.s32 v45, v5;
	v25 =	vnsel vm1, $0x80, v54  }
0x4f3: {  	v29 =	vshll.u32 v53, $0x4;
	v28 =	vnsel vm0, $0x80, v53;
	v7 =	vld.idx.msk [tilespmem:v7+s23+$0x0], $0xffff;
	[tilespmem:v24+s13+$0x0] =	vst.idx.msk $0xffff, v0;
	v24 =	vshll.u32 v25, $0x4  }
0x4f4: {  	[tilespmem:v23+s13+$0x0] =	vst.idx.msk $0xffff, v0;
	v23 =	vadd.s32 v45, v29;
	v29 =	vshll.u32 v28, $0x4;
	v24 =	vor.u32 v1, v24  }
0x4f5: {  	v30 =	vld.idx.msk [tilespmem:v14+s23+$0x0], $0xffff;
	v29 =	vor.u32 v1, v29;
	[tilespmem:v12+s13+$0x0] =	vst.idx.msk $0xffff, v0;
	v12 =	vshll.u32 v55, $0x4;
	v14 =	vshll.u32 v22, $0x4  }
0x4f6: {  	v31 =	vadd.s32 v45, v17;
	v17 =	vshll.u32 v27, $0x4;
	v6 =	vld.idx.msk [tilespmem:v6+s23+$0x0], $0xffff;
	v12 =	vadd.s32 v45, v12  }
0x4f7: {  	v20 =	vadd.s32 v50, v20;
	v32 =	vor.u32 v1, v17;
	v33 =	vadd.s32 v50, v16;
	v17 =	vld.idx.msk [tilespmem:v5+s23+$0x0], $0xffff  }
0x4f8: {  	s10 =	sadd.s32 $0x3, s8;
	v34 =	vadd.s32 v52, v13;
	v16 =	vadd.s32 v52, v3;
	v5 =	vshll.u32 v54, $0x4;
	[tilespmem:v26+s13+$0x0] =	vst.idx.msk $0xffff, v0  }
0x4f9: {  	s1 =	scvt.s32.f32 s10;
	v2 =	vadd.s32 v50, v2;
	v35 =	vsub.f32 v8, v10;
	v26 =	vadd.s32 v52, v9;
	v24 =	vld.idx.msk [tilespmem:v24+s23+$0x0], $0xffff  }
0x4fa: {  	v36 =	vadd.s32 v52, v11;
	v19 =	vadd.s32 v50, v19;
	v14 =	vor.u32 v1, v14;
	v37 =	vld.idx.msk [tilespmem:v21+s23+$0x0], $0xffff  }
0x4fb: {  	s1 =	sadd.f32 s1, s1;
	v7 =	vsub.f32 v7, v30;
	v21 =	vadd.s32 v50, v22;
	v38 =	vld.idx.msk [tilespmem:v23+s23+$0x0], $0xffff;
	v23 =	vadd.s32 v45, v5  }
0x4fc: {  	v40 =	vadd.s32 v52, v55;
	v28 =	vadd.s32 v50, v28;
	v5 =	vsub.f32 v6, v18;
	v39 =	vld.idx.msk [tilespmem:v12+s23+$0x0], $0xffff  }
0x4fd: {  	s2 =	sadd.s32 $0x1, s8;
	s1 =	sadd.f32 $1.000000000e+00, s1;
	v41 =	vadd.s32 v50, v25;
	v6 =	vmax.f32 v7, $1.000000000e-30;
	v22 =	vld.idx.msk [tilespmem:v31+s23+$0x0], $0xffff;
	v31 =	vadd.s32 v52, v53  }
0x4fe: {  	s3 =	scvt.s32.f32 s2;
	v7 =	vmax.f32 v35, $1.000000000e-30;
	v5 =	vmax.f32 v5, $1.000000000e-30;
	v8 =	vld.idx.msk [tilespmem:v26+s19+$0x0], $0xffff;
	(erf) = vrcp.f32 v6  }
0x4ff: {  	s11 =	scvt.s32.f32 s8;
	s1 =	smul.f32 $3.875968980e-03, s1;
	v25 =	vadd.s32 v50, v27;
	v35 =	vadd.s32 v52, v54;
	v26 =	vld.idx.msk [tilespmem:v14+s23+$0x0], $0xffff;
	(erf) = vrcp.f32 v7  }
0x500: {  	s3 =	sadd.f32 s3, s3;
	v27 =	vadd.s32 v52, v15;
	v6 =	vsub.f32 v37, v17;
	v2 =	vld.idx.msk [tilespmem:v2+s19+$0x0], $0xffff;
	(erf) = vrcp.f32 v5  }
0x501: {  	s11 =	sadd.f32 s11, s11;
	v10 =	vsub.f32 s1, v10;
	s1 =	sadd.s32 $0x6, s8;
	v36 =	vld.idx.msk [tilespmem:v36+s19+$0x0], $0xffff  }
0x502: {  	s12 =	sadd.s32 $0x4, s8;
	s3 =	sadd.f32 $1.000000000e+00, s3;
	s15 =	scvt.s32.f32 s1;
	v5 =	vadd.s32 s1, v51;
	v7 =	vmax.f32 v6, $1.000000000e-30;
	v19 =	vld.idx.msk [tilespmem:v19+s19+$0x0], $0xffff  }
0x503: {  	v37 =	vadd.s32 s2, v51;
	s2 =	scvt.s32.f32 s12;
	s1 =	sadd.f32 $1.000000000e+00, s11;
	s11 =	sadd.s32 $0x7, s8;
	v6 =	vadd.s32 s12, v51;
	v32 =	vld.idx.msk [tilespmem:v32+s23+$0x0], $0xffff;
	(erf) = vrcp.f32 v7  }
0x504: {  	v42 =	vadd.s32 s10, v51;
	s3 =	smul.f32 $3.875968980e-03, s3;
	v56 =	vadd.s32 $0x80, v56;
	s10 =	sadd.f32 s15, s15;
	s12 =	sadd.s32 $0x2, s8;
	v14 =	vadd.s32 s11, v51;
	v12 =	vld.idx.msk [tilespmem:v23+s23+$0x0], $0xffff  }
0x505: {  	s2 =	sadd.f32 s2, s2;
	s1 =	smul.f32 $3.875968980e-03, s1;
	v7 =	vadd.s32 s8, v51;
	v23 =	vadd.s32 s12, v51;
	v44 =	vsub.f32 v26, v39;
	v29 =	vld.idx.msk [tilespmem:v29+s23+$0x0], $0xffff  }
0x506: {  	v30 =	vsub.f32 s3, v30;
	s3 =	scvt.s32.f32 s12;
	s8 =	scvt.s32.f32 s11;
	v9 =	vadd.s32 v9, v7;
	v7 =	vadd.s32 v15, v23;
	v16 =	vld.idx.msk [tilespmem:v16+s19+$0x0], $0xffff  }
0x507: {  	v43 =	vsub.f32 s1, v18;
	s1 =	sadd.f32 $1.000000000e+00, s2;
	v2 =	vsub.f32 v2, v36;
	v15 =	vmax.f32 v44, $1.000000000e-30;
	v33 =	vld.idx.msk [tilespmem:v33+s19+$0x0], $0xffff;
	v18 =	vpop (erf)  }
0x508: {  	s2 =	sadd.f32 s8, s8;
	v23 =	vsub.f32 v19, v8;
	v19 =	vmul.f32 v18, v30;
	v20 =	vld.idx.msk [tilespmem:v20+s19+$0x0], $0xffff;
	v26 =	vpop (erf);
	(erf) = vrcp.f32 v15  }
0x509: {  	s3 =	sadd.f32 s3, s3;
	v18 =	vadd.s32 v11, v37;
	v30 =	vsub.f32 v32, v22;
	v15 =	vld.idx.msk [tilespmem:v34+s19+$0x0], $0xffff;
	v10 =	vmul.f32 v26, v10;
	v11 =	vpop (erf)  }
0x50a: {  	s8 =	smul.f32 $3.875968980e-03, s9;
	s2 =	sadd.f32 $1.000000000e+00, s2;
	v26 =	vmul.f32 v11, v43;
	v32 =	vmax.f32 v19, $0.0e+00;
	v11 =	vadd.s32 v13, v42;
	v19 =	vld.idx.msk [tilespmem:v28+s19+$0x0], $0xffff  }
0x50b: {  	s3 =	sadd.f32 $1.000000000e+00, s3;
	s1 =	smul.f32 $3.875968980e-03, s1;
	v24 =	vsub.f32 v24, v12;
	v29 =	vsub.f32 v29, v38;
	v28 =	vmin.f32 v32, $1.000000000e+00;
	v13 =	vld.idx.msk [tilespmem:v31+s19+$0x0], $0xffff  }
0x50c: {  	s2 =	smul.f32 $3.875968980e-03, s2;
	v32 =	vsub.f32 s8, v17;
	v34 =	vmax.f32 v26, $0.0e+00;
	v2 =	vmul.f32 v28, v2;
	v37 =	vpop (erf)  }
0x50d: {  	v29 =	vmax.f32 v29, $1.000000000e-30;
	v26 =	vsub.f32 s1, v38;
	v17 =	vld.idx.msk [tilespmem:v27+s19+$0x0], $0xffff;
	v27 =	vsub.f32 v33, v16  }
.Ltmp12:
0x50e: {  	v10 =	vmax.f32 v10, $0.0e+00;
	v38 =	vsub.f32 s2, v39;
	v28 =	vld.idx.msk [tilespmem:v25+s19+$0x0], $0xffff;
	(erf) = vrcp.f32 v29;
	(pc) =	sbr.rel @p0 .LBB2_24-.Ltmp12, $4  }
0x50f: {  	v39 =	vmax.f32 v30, $1.000000000e-30;
	v42 =	vmin.f32 v10, $1.000000000e+00;
	v20 =	vsub.f32 v20, v15;
	v25 =	vld.idx.msk [tilespmem:v40+s19+$0x0], $0xffff  }
0x510: {  	s1 =	smul.f32 $3.875968980e-03, s3;
	v32 =	vmul.f32 v37, v32;
	v31 =	vadd.f32 v2, v36;
	v2 =	vmax.f32 v24, $1.000000000e-30;
	v30 =	vld.idx.msk [tilespmem:v21+s19+$0x0], $0xffff  }
0x511: {  	v33 =	vmin.f32 v34, $1.000000000e+00;
	v24 =	vmul.f32 v42, v20;
	v29 =	vld.idx.msk [tilespmem:v41+s19+$0x0], $0xffff;
	(erf) = vrcp.f32 v39;
	v10 =	vpop (erf)  }
0x512: {  	v22 =	vsub.f32 s1, v22;
	v21 =	vld.idx.msk [tilespmem:v35+s19+$0x0], $0xffff;
	v34 =	vmul.f32 v10, v38;
	(erf) = vrcp.f32 v2  }
0x513: {  	v2 =	vmul.f32 v33, v23  }
0x514: {  	v10 =	vmax.f32 v32, $0.0e+00;
	v20 =	vmul.f32 v31, v49;
	v3 =	vadd.s32 v3, v57  }
0x515: {  	v39 =	vsub.f32 v28, v17;
	v14 =	vadd.s32 v55, v14;
	v19 =	vsub.f32 v19, v13  }
0x516: {  	s1 =	sadd.f32 $1.000000000e+00, s10;
	v15 =	vadd.f32 v24, v15;
	v6 =	vadd.s32 v53, v6;
	v5 =	vadd.s32 v54, v5  }
0x517: {  	v10 =	vmin.f32 v10, $1.000000000e+00;
	v37 =	vmax.f32 v34, $0.0e+00;
	v2 =	vadd.f32 v2, v8  }
0x518: {  	v38 =	vadd.f32 v20, v48;
	v10 =	vmul.f32 v10, v27;
	v40 =	vsub.f32 v30, v25;
	s1 =	smul.f32 $3.875968980e-03, s1  }
0x519: {  	v42 =	vmin.f32 v37, $1.000000000e+00;
	v57 =	vmul.f32 v15, v49;
	v2 =	vmul.f32 v2, v49;
	v41 =	vpop (erf)  }
0x51a: {  	v10 =	vadd.f32 v10, v16;
	v12 =	vsub.f32 s1, v12;
	v43 =	vmul.f32 v41, v26;
	v46 =	vpop (erf)  }
0x51b: {  	v44 =	vsub.f32 v29, v21;
	v16 =	vmul.f32 v42, v40;
	v22 =	vmul.f32 v46, v22;
	v47 =	vpop (erf)  }
0x51c: {  	v60 =	vadd.f32 v57, v48;
	v23 =	vmax.f32 v43, $0.0e+00;
	v12 =	vmul.f32 v47, v12  }
0x51d: {  	v2 =	vadd.f32 v2, v48;
	v23 =	vmin.f32 v23, $1.000000000e+00;
	v22 =	vmax.f32 v22, $0.0e+00  }
0x51e: {  	v19 =	vmul.f32 v23, v19;
	v22 =	vmin.f32 v22, $1.000000000e+00;
	v12 =	vmax.f32 v12, $0.0e+00  }
0x51f: {  	[tilespmem:v18+s26+$0x0] =	vst.idx.msk $0xffff, v38;
	v16 =	vadd.f32 v16, v25;
	v20 =	vmul.f32 v22, v39;
	v12 =	vmin.f32 v12, $1.000000000e+00  }
0x520: {  	v10 =	vmul.f32 v10, v49;
	v52 =	vadd.f32 v19, v13;
	v12 =	vmul.f32 v12, v44  }
0x521: {  	v16 =	vmul.f32 v16, v49;
	[tilespmem:v9+s26+$0x0] =	vst.idx.msk $0xffff, v2;
	v59 =	vadd.f32 v20, v17  }
0x522: {  	v2 =	vadd.f32 v10, v48;
	v8 =	vmul.f32 v52, v49;
	v12 =	vadd.f32 v12, v21  }
0x523: {  	[tilespmem:v11+s26+$0x0] =	vst.idx.msk $0xffff, v60;
	v58 =	vadd.f32 v16, v48;
	v61 =	vmul.f32 v59, v49  }
0x524: {  	[tilespmem:v3+s26+$0x0] =	vst.idx.msk $0xffff, v2;
	v2 =	vadd.f32 v8, v48;
	v63 =	vmul.f32 v12, v49  }
0x525: {  	[tilespmem:v14+s26+$0x0] =	vst.idx.msk $0xffff, v58;
	v62 =	vadd.f32 v61, v48  }
0x526: {  	[tilespmem:v6+s26+$0x0] =	vst.idx.msk $0xffff, v2;
	v3 =	vadd.f32 v63, v48  }
0x527: {  	[tilespmem:v7+s26+$0x0] =	vst.idx.msk $0xffff, v62  }
0x528: {  	[tilespmem:v5+s26+$0x0] =	vst.idx.msk $0xffff, v3  }
0x529: {  	v2 =	vld.idx.msk [tilespmem:v56+s13+$0x0], $0xffff;
	_ =	sdelay $0x4  }
0x52a: {  	v2 =	vadd.s32 v55, v2  }
0x52b: {  	v3 =	vadd.s32 $0xFFFFFFFF, v2;
	vm0 =	vlt.s32 v2, $0x80  }
0x52c: {  	v5 =	vnsel vm0, $0x80, v2;
	v6 =	vshll.u32 v3, $0x4  }
0x52d: {  	v6 =	vor.u32 v1, v6;
	v7 =	vshll.u32 v5, $0x4  }
0x52e: {  	v7 =	vor.u32 v1, v7;
	_ =	sdelay $0x2  }
0x52f: {  	[tilespmem:v56+s13+$0x0] =	vst.idx.msk $0xffff, v0  }
0x530: {  	v6 =	vld.idx.msk [tilespmem:v6+s23+$0x0], $0xffff  }
0x531: {  	v7 =	vld.idx.msk [tilespmem:v7+s23+$0x0], $0xffff;
	_ =	sdelay $0x4  }
0x532: {  	v7 =	vsub.f32 v7, v6;
	_ =	sdelay $0x1  }
0x533: {  	v7 =	vmax.f32 v7, $1.000000000e-30  }
0x534: {  	(erf) = vrcp.f32 v7  }
0x535: {  	v3 =	vadd.s32 v50, v3  }
0x536: {  	v5 =	vadd.s32 v50, v5;
	_ =	sdelay $0x3  }
0x537: {  	v3 =	vld.idx.msk [tilespmem:v3+s19+$0x0], $0xffff  }
0x538: {  	v5 =	vld.idx.msk [tilespmem:v5+s19+$0x0], $0xffff  }
0x539: {  	v6 =	vsub.f32 $9.961240290e-01, v6  }
0x53a: {  	v7 =	vpop (erf)  }
0x53b: {  	v6 =	vmul.f32 v7, v6;
	_ =	sdelay $0x1  }
0x53c: {  	v5 =	vsub.f32 v5, v3;
	v6 =	vmax.f32 v6, $0.0e+00  }
0x53d: {  	v6 =	vmin.f32 v6, $1.000000000e+00  }
0x53e: {  	v5 =	vmul.f32 v6, v5;
	_ =	sdelay $0x1  }
0x53f: {  	v3 =	vadd.f32 v5, v3;
	v5 =	vld [tilespmem:$0x1FD20]  }
0x540: {  	v2 =	vadd.s32 v51, v2  }
0x541: {  	s4 =	sadd.s32 $0x1, s4;
	v2 =	vadd.s32 $0x80, v2  }
0x542: {  	p0 =	sne.s32 s4, $0x4;
	v3 =	vmul.f32 v3, v49  }
.Ltmp13:
0x543: {  	_ = 	snop;
	(pc) =	sbr.rel @p0 .LBB2_17-.Ltmp13, $3  }
0x544: {  	v3 =	vadd.f32 v3, v48;
	_ =	sdelay $0x1  }
0x545: {  	[tilespmem:v2+s26+$0x0] =	vst.idx.msk $0xffff, v3  }
0x546: {  	[tilespmem:v5+s13+$0x0] =	vst.idx.msk $0xffff, v0  }
0x547: {  	s31 =	sadd.s32 $0x1, s31  }
0x548: {  	s0 =	smul.u32 $0x102, s0;
	p0 =	sne.s32 s31, $0x10  }
.Ltmp14:
0x549: {  	_ = 	snop;
	(pc) =	sbr.rel @p0 .LBB2_6-.Ltmp14, $4  }
0x54a: {  	_ = 	snop  }
0x54b: {  	s1 =	rddreg [dreg:$0x4];
	s0 =	sshrl.u32 s0, $0x3  }
0x54c: {  	s0 =	sadd.s32 s1, s0  }
0x54d: {  	[hbm4b:s0+s5] =	stream.linear.scatter [tilespmem:s26], [sflag:$0x4], $0x4080, $0x38;
	[tilespmem:$0x13380] =	vst v63  }
0x54e: {  	s0 =	simm.s32 $0x3  }
0x54f: {  	_ =	swait.ge [sflag:s0], $0x4080  }
0x550: {  	[sflag:s0] =	ssyncset.done $0x0  }
0x551: {  	s1 =	simm.s32 $0x4;
	[sflag:s0] =	ssyncadd.s32 $0xFFFFBF80  }
0x552: {  	_ =	swait.ge [sflag:s1], $0x4080  }
0x553: {  	s2 =	rddreg [dreg:$0xc]  }
0x554: {  	s31 =	rddreg [dreg:$0xb];
	s2 =	sadd.s32 $0x1, s2  }
0x555: {  	p0 =	sne.s32 s2, s31  }
.Ltmp15:
0x556: {  	_ = 	snop;
	(pc) =	sbr.rel @p0 .LBB2_1-.Ltmp15, $3  }
0x557: {  	_ =	sdelay $0x1  }
0x558: {  	[sflag:s1] =	ssyncset.done $0x0  }
0x559: {  	[sflag:s1] =	ssyncadd.s32 $0xFFFFBF80  }
0x55a: {  	_ =	sfence.sel $0x180000  }
0x55b: {  	[bflag:$0x0] =	sbarrier.arrive $0xFFFF  }
0x55c: {  	_ =	strace $0x90000047  }
0x55d: {  	s0 =	stileid.u32;
	[bflag:$0x2] =	sbarrier.arrive $0xFFFF  }
0x55e: {  	p0 =	sne.s32 s0, $0x0;
	s0 =	rddreg [dreg:$0x5]  }
0x55f: {  	s0 =	sadd.s32 @!p0 $0x100000, s0  }
0x560: {  	[sflag:s0] =	ssyncadd.tile.s32 @!p0 $0x1;
	_ =	shalt  }
.Lfunc_end2:
_tile_overlayer_lowered:
.L_overlay_start_2:
0x561: {  	(tag) =	ssettag $0x2  }
0x562: {  	s0 =	rddreg [dreg:$0x0];
	s2 =	stileid.u32  }
0x563: {  	s1 =	rddreg [dreg:$0x1];
	p0 =	sne.s32 s2, $0x0  }
0x564: {  	s3 =	rddreg [dreg:$0x2];
	[bflag:$0x3] =	sbarrier.arrive $0xFFFF;
	s2 =	simm.s32 @!p0 $0x1C05  }
0x565: {  	[timem:s3], [sflag:s2] =	dma.local @!p0 [hbm:s0], s1  }
0x566: {  	s0 =	simm.s32 @!p0 $0x5  }
0x567: {  	_ =	swait.ge @!p0 [sflag:s0], s1  }
0x568: {  	s1 =	ssub.s32 @!p0 $0x0, s1;
	[sflag:s0] =	ssyncset.done @!p0 $0x0  }
0x569: {  	[sflag:s0] =	ssyncadd.s32 @!p0 s1  }
0x56a: {  	[bflag:$0x3] =	sbarrier.arrive $0xFFFF  }
0x56b: {  	_ =	shalt  }

</sc_bundles>
